<compile_context>
chip_gen: v7x
topology: tpu7x:2x2x1
jax: 0.10.2.dev20260603
libtpu: 0.0.44.dev20260713+nightly
codegen_flags: <defaults>
</compile_context>

<pallas_src>
import jax
import jax.numpy as jnp
from jax import lax
from jax.experimental import pallas as pl
from jax.experimental.pallas import tpu as pltpu
from jax.experimental.pallas import tpu_sc as plsc

FEAT = 1000000
B = 4096
D = 32
NCORES = 2
NTILES = 16
NWORK = NCORES * NTILES
CHUNK = B // NWORK
GROUPS = CHUNK // 16
GRAN = 128
NRING = 4

LN2 = 0.6931471805599453
LN100 = 4.605170185988091
X_MAX_POW = 0.75


def _ln(x):
    bits = plsc.bitcast(x, jnp.int32)
    e = lax.shift_right_logical(bits, 23) & 0xFF
    e = e - 127
    m_bits = (bits & 0x007FFFFF) | 0x3F800000
    m = plsc.bitcast(m_bits, jnp.float32)
    big = m >= 1.4142135623730951
    m = jnp.where(big, m * 0.5, m)
    e = e + jnp.where(big, 1, 0)
    s = (m - 1.0) / (m + 1.0)
    s2 = s * s
    lnm = 2.0 * s * (1.0 + s2 * (1.0 / 3.0 + s2 * (0.2 + s2 * (1.0 / 7.0))))
    return LN2 * e.astype(jnp.float32) + lnm


def _glove_kernel(v_hbm, w_hbm, vb_hbm, wb_hbm, c_hbm, i1_hbm, i2_hbm, out_hbm,
                  i1_v, i2_v, vbufs, wbufs, dots_ref,
                  vb_v, wb_v, c_v, stage, shared, red_v, out_stage,
                  sems_v, sems_w, sem_vb, sem_wb):
    sid = lax.axis_index("s")
    cid = lax.axis_index("c")
    wid = cid * NTILES + sid
    base = wid * CHUNK

    pltpu.sync_copy(i1_hbm.at[pl.ds(base, CHUNK)], i1_v)
    pltpu.sync_copy(i2_hbm.at[pl.ds(base, CHUNK)], i2_v)
    pltpu.sync_copy(c_hbm.at[pl.ds(base, CHUNK)], c_v)

    cp_vb = pltpu.async_copy(vb_hbm.at[i1_v], vb_v, sem_vb)
    cp_wb = pltpu.async_copy(wb_hbm.at[i2_v], wb_v, sem_wb)

    def _fire_ids(i, j, rb):
        off = pl.multiple_of(lax.shift_right_logical(i, 7) * 128, 128)
        pltpu.async_copy(v_hbm.at[:, pl.ds(off, GRAN)], vbufs[rb],
                         sems_v[rb])
        offj = pl.multiple_of(lax.shift_right_logical(j, 7) * 128, 128)
        pltpu.async_copy(w_hbm.at[:, pl.ds(offj, GRAN)], wbufs[rb],
                         sems_w[rb])

    iv_prime1 = i1_v[pl.ds(0, 16)]
    iv_prime2 = i2_v[pl.ds(0, 16)]
    for r in range(NRING):
        _fire_ids(iv_prime1[r], iv_prime2[r], r)

    iota = lax.broadcasted_iota(jnp.int32, (16,), 0)
    zero = jnp.zeros((16,), jnp.float32)

    def _main_body(g, carry):
        s1, s2, s3, t1, t2 = carry
        gb = pl.multiple_of(g * 16, 16)
        gb_next = pl.multiple_of(
            jnp.minimum(gb + 16, (GROUPS - 1) * 16), 16)
        iv1 = i1_v[pl.ds(gb, 16)]
        iv2 = i2_v[pl.ds(gb, 16)]
        ivn1 = i1_v[pl.ds(gb_next, 16)]
        ivn2 = i2_v[pl.ds(gb_next, 16)]
        dotg = zero
        for j in range(16):
            rb = j % NRING
            pltpu.make_async_copy(v_hbm.at[:, pl.ds(0, GRAN)], vbufs[rb],
                                  sems_v[rb]).wait()
            pltpu.make_async_copy(w_hbm.at[:, pl.ds(0, GRAN)], wbufs[rb],
                                  sems_w[rb]).wait()
            li = jnp.full((16,), iv1[j] & (GRAN - 1), jnp.int32)
            lj = jnp.full((16,), iv2[j] & (GRAN - 1), jnp.int32)
            v_lo = plsc.load_gather(vbufs[rb], [iota, li])
            v_hi = plsc.load_gather(vbufs[rb], [iota + 16, li])
            w_lo = plsc.load_gather(wbufs[rb], [iota, lj])
            w_hi = plsc.load_gather(wbufs[rb], [iota + 16, lj])
            dot_b = jnp.sum(v_lo * w_lo + v_hi * w_hi)
            dotg = jnp.where(iota == j, dot_b, dotg)
            if j < 16 - NRING:
                _fire_ids(iv1[j + NRING], iv2[j + NRING], rb)
            else:
                _fire_ids(ivn1[j - (16 - NRING)], ivn2[j - (16 - NRING)], rb)
        c = c_v[pl.ds(pl.multiple_of(gb, 16), 16)]
        lnc = _ln(c)
        a = dotg + lnc
        wt = jnp.minimum(jnp.exp(X_MAX_POW * (lnc - LN100)), 1.0)
        bb = (vb_v[pl.ds(pl.multiple_of(gb, 16), 16)]
              + wb_v[pl.ds(pl.multiple_of(gb, 16), 16)])
        return (s1 + wt * a * a, s2 + wt * a, s3 + wt,
                t1 + bb, t2 + bb * bb)

    cp_vb.wait()
    cp_wb.wait()
    s1, s2, s3, t1, t2 = lax.fori_loop(
        0, GROUPS, _main_body, (zero, zero, zero, zero, zero))

    for r in range(NRING):
        pltpu.make_async_copy(v_hbm.at[:, pl.ds(0, GRAN)], vbufs[r],
                              sems_v[r]).wait()
        pltpu.make_async_copy(w_hbm.at[:, pl.ds(0, GRAN)], wbufs[r],
                              sems_w[r]).wait()

    stage[pl.ds(0, 16)] = s1
    stage[pl.ds(16, 16)] = s2
    stage[pl.ds(32, 16)] = s3
    stage[pl.ds(48, 16)] = t1
    stage[pl.ds(64, 16)] = t2
    pltpu.sync_copy(stage, shared.at[pl.ds(sid * 80, 80)])
    plsc.subcore_barrier()

    @pl.when(sid == 0)
    def _():
        pltpu.sync_copy(shared, red_v)
        a1 = zero
        a2 = zero
        a3 = zero
        a4 = zero
        a5 = zero
        for t in range(NTILES):
            a1 = a1 + red_v[pl.ds(t * 80 + 0, 16)]
            a2 = a2 + red_v[pl.ds(t * 80 + 16, 16)]
            a3 = a3 + red_v[pl.ds(t * 80 + 32, 16)]
            a4 = a4 + red_v[pl.ds(t * 80 + 48, 16)]
            a5 = a5 + red_v[pl.ds(t * 80 + 64, 16)]
        S1 = jnp.sum(a1)
        S2 = jnp.sum(a2)
        S3 = jnp.sum(a3)
        T1 = jnp.sum(a4)
        T2 = jnp.sum(a5)
        res = jnp.where(iota == 0, S1, jnp.zeros((16,), jnp.float32))
        res = jnp.where(iota == 1, S2, res)
        res = jnp.where(iota == 2, S3, res)
        res = jnp.where(iota == 3, T1, res)
        res = jnp.where(iota == 4, T2, res)
        out_stage[...] = res
        pltpu.sync_copy(out_stage,
                        out_hbm.at[pl.ds(pl.multiple_of(cid * 16, 16), 16)])


def kernel(v_table, w_table, v_bias_table, w_bias_table, cooccur,
           feature_idx1, feature_idx2):
    mesh = plsc.VectorSubcoreMesh(
        core_axis_name="c", subcore_axis_name="s", num_cores=NCORES)
    run = pl.kernel(
        _glove_kernel,
        out_type=jax.ShapeDtypeStruct((32,), jnp.float32),
        mesh=mesh,
        compiler_params=pltpu.CompilerParams(
            needs_layout_passes=False,
            use_tc_tiling_on_sc=True,
            disable_bounds_checks=True,
        ),
        scratch_types=[
            pltpu.VMEM((CHUNK,), jnp.int32),
            pltpu.VMEM((CHUNK,), jnp.int32),
            [pltpu.VMEM((D, GRAN), jnp.float32) for _ in range(NRING)],
            [pltpu.VMEM((D, GRAN), jnp.float32) for _ in range(NRING)],
            pltpu.VMEM((16,), jnp.float32),
            pltpu.VMEM((CHUNK,), jnp.float32),
            pltpu.VMEM((CHUNK,), jnp.float32),
            pltpu.VMEM((CHUNK,), jnp.float32),
            pltpu.VMEM((80,), jnp.float32),
            pltpu.VMEM_SHARED((NTILES * 80,), jnp.float32),
            pltpu.VMEM((NTILES * 80,), jnp.float32),
            pltpu.VMEM((16,), jnp.float32),
            [pltpu.SemaphoreType.DMA for _ in range(NRING)],
            [pltpu.SemaphoreType.DMA for _ in range(NRING)],
            pltpu.SemaphoreType.DMA,
            pltpu.SemaphoreType.DMA,
        ],
    )
    out = run(v_table.T, w_table.T,
              jax.lax.squeeze(v_bias_table, (1,)),
              jax.lax.squeeze(w_bias_table, (1,)),
              cooccur, feature_idx1.astype(jnp.int32),
              feature_idx2.astype(jnp.int32))
    S1 = out[0] + out[16]
    S2 = out[1] + out[17]
    S3 = out[2] + out[18]
    T1 = out[3] + out[19]
    T2 = out[4] + out[20]
    return float(B) * S1 + 2.0 * S2 * T1 + S3 * T2

# --- scband reference (transcript-rebuilt; emitter-appended) ---
"""Pipeline reference for scband-glo-ve-model-35433480192066 (READ-ONLY COPY).

The authoritative reference and input builder live on the scoring server;
editing this copy changes nothing except your own understanding.
"""

import jax, jax.numpy as jnp
import numpy as np

FEATURE_SIZE = 1000000
EMBED_DIM = 32
BATCH = 4096
X_MAX = 100.0
ALPHA = 0.75


def setup_inputs(seed: int = 0) -> dict:
    key = jax.random.key(seed)
    k1, k2, k3, k4, k5, k6, k7 = jax.random.split(key, 7)
    # learned parameters: four embedding tables, init uniform(-1, 1) per module
    v_table = jax.random.uniform(k1, (FEATURE_SIZE, EMBED_DIM), dtype=jnp.float32, minval=-1.0, maxval=1.0)
    w_table = jax.random.uniform(k2, (FEATURE_SIZE, EMBED_DIM), dtype=jnp.float32, minval=-1.0, maxval=1.0)
    v_bias_table = jax.random.uniform(k3, (FEATURE_SIZE, 1), dtype=jnp.float32, minval=-1.0, maxval=1.0)
    w_bias_table = jax.random.uniform(k4, (FEATURE_SIZE, 1), dtype=jnp.float32, minval=-1.0, maxval=1.0)
    feature_idx1 = jax.random.randint(k5, (BATCH,), 0, FEATURE_SIZE, dtype=jnp.int64 if jax.config.jax_enable_x64 else jnp.int32)
    feature_idx2 = jax.random.randint(k6, (BATCH,), 0, FEATURE_SIZE, dtype=jnp.int64 if jax.config.jax_enable_x64 else jnp.int32)
    # co-occurrence counts must be strictly positive (log is taken)
    cooccur = jax.random.uniform(k7, (BATCH,), dtype=jnp.float32, minval=0.01, maxval=100.0)
    return {
        'v_table': v_table,
        'w_table': w_table,
        'v_bias_table': v_bias_table,
        'w_bias_table': w_bias_table,
        'cooccur': cooccur,
        'feature_idx1': feature_idx1,
        'feature_idx2': feature_idx2,
    }


def reference(v_table, w_table, v_bias_table, w_bias_table, cooccur, feature_idx1, feature_idx2):
    # GloVeModel._loss, translated faithfully (including the [B] + [B,1]
    # broadcasting semantics of the original torch code).
    v = jnp.take(v_table, feature_idx1, axis=0)            # [B, D]
    w = jnp.take(w_table, feature_idx2, axis=0)            # [B, D]
    v_bias = jnp.take(v_bias_table, feature_idx1, axis=0)  # [B, 1]
    w_bias = jnp.take(w_bias_table, feature_idx2, axis=0)  # [B, 1]
    weight = jnp.power(cooccur / X_MAX, ALPHA)             # [B]
    weight = jnp.minimum(weight, 1.0)                      # weight[weight > 1] = 1
    dot = jnp.sum(v * w, axis=1)                           # [B]
    # [B] + [B,1] + [B,1] + [B] broadcasts to [B, B], as in torch
    distance_expr = (dot + v_bias + w_bias + jnp.log(cooccur)) ** 2
    losses = jnp.sum(weight * distance_expr)
    return losses

if __name__ == "__main__":
    import jax
    _d = setup_inputs()
    print(jax.jit(kernel)(*tuple(_d.values())))

</pallas_src>

<mosaic_0001>
#map = affine_map<(d0, d1) -> (0, 0)>
#map1 = affine_map<(d0, d1) -> (0)>
module attributes {stable_mosaic.version = 14 : i64} {
  func.func @_glove_kernel(%arg0: i32, %arg1: i32, %arg2: memref<32x1000000xf32, #tpu.memory_space<hbm>>, %arg3: memref<32x1000000xf32, #tpu.memory_space<hbm>>, %arg4: memref<1000000xf32, #tpu.memory_space<hbm>>, %arg5: memref<1000000xf32, #tpu.memory_space<hbm>>, %arg6: memref<4096xf32, #tpu.memory_space<hbm>>, %arg7: memref<4096xi32, #tpu.memory_space<hbm>>, %arg8: memref<4096xi32, #tpu.memory_space<hbm>>, %arg9: memref<32xf32, #tpu.memory_space<hbm>>, %arg10: memref<128xi32, #tpu.memory_space<vmem>>, %arg11: memref<128xi32, #tpu.memory_space<vmem>>, %arg12: memref<32x128xf32, #tpu.memory_space<vmem>>, %arg13: memref<32x128xf32, #tpu.memory_space<vmem>>, %arg14: memref<32x128xf32, #tpu.memory_space<vmem>>, %arg15: memref<32x128xf32, #tpu.memory_space<vmem>>, %arg16: memref<32x128xf32, #tpu.memory_space<vmem>>, %arg17: memref<32x128xf32, #tpu.memory_space<vmem>>, %arg18: memref<32x128xf32, #tpu.memory_space<vmem>>, %arg19: memref<32x128xf32, #tpu.memory_space<vmem>>, %arg20: memref<16xf32, #tpu.memory_space<vmem>>, %arg21: memref<128xf32, #tpu.memory_space<vmem>>, %arg22: memref<128xf32, #tpu.memory_space<vmem>>, %arg23: memref<128xf32, #tpu.memory_space<vmem>>, %arg24: memref<80xf32, #tpu.memory_space<vmem>>, %arg25: memref<1280xf32, #tpu.memory_space<vmem_shared>>, %arg26: memref<1280xf32, #tpu.memory_space<vmem>>, %arg27: memref<16xf32, #tpu.memory_space<vmem>>, %arg28: memref<!tpu.dma_semaphore, #tpu.memory_space<semaphore_mem>>, %arg29: memref<!tpu.dma_semaphore, #tpu.memory_space<semaphore_mem>>, %arg30: memref<!tpu.dma_semaphore, #tpu.memory_space<semaphore_mem>>, %arg31: memref<!tpu.dma_semaphore, #tpu.memory_space<semaphore_mem>>, %arg32: memref<!tpu.dma_semaphore, #tpu.memory_space<semaphore_mem>>, %arg33: memref<!tpu.dma_semaphore, #tpu.memory_space<semaphore_mem>>, %arg34: memref<!tpu.dma_semaphore, #tpu.memory_space<semaphore_mem>>, %arg35: memref<!tpu.dma_semaphore, #tpu.memory_space<semaphore_mem>>, %arg36: memref<!tpu.dma_semaphore, #tpu.memory_space<semaphore_mem>>, %arg37: memref<!tpu.dma_semaphore, #tpu.memory_space<semaphore_mem>>) attributes {dimension_semantics = [#tpu.dimension_semantics<core_parallel>, #tpu.dimension_semantics<subcore_parallel>], iteration_bounds = array<i64: 2, 16>, scalar_prefetch = 0 : i64, scratch_operands = 28 : i64, tpu.core_type = #tpu.core_type<sc_vector_subcore>, window_params = [{transform_indices = #map}, {transform_indices = #map}, {transform_indices = #map1}, {transform_indices = #map1}, {transform_indices = #map1}, {transform_indices = #map1}, {transform_indices = #map1}, {transform_indices = #map1}]} {
    %mul3A = arith.constant 16 : i32
    %mul3A_0 = arith.muli %arg0, %mul3A : i32
    %add3A = arith.addi %mul3A_0, %arg1 : i32
    %mul3A_1 = arith.constant 128 : i32
    %mul3A_2 = arith.muli %add3A, %mul3A_1 : i32
    "tpu.region"() ({
      %run_scoped3A = tpu.sem_alloc : memref<!tpu.dma_semaphore, #tpu.memory_space<semaphore_mem>>
      %dma_start3A_163 = tpu.memref_slice %arg7[%mul3A_2] : memref<4096xi32, #tpu.memory_space<hbm>> -> memref<128xi32, #tpu.memory_space<hbm>>
      %dma_start3A_164 = tpu.memref_slice %arg7[%mul3A_2] : memref<4096xi32, #tpu.memory_space<hbm>> -> memref<128xi32, #tpu.memory_space<hbm>>
      tpu.enqueue_dma source(%dma_start3A_164 : memref<128xi32, #tpu.memory_space<hbm>>) target(%arg10 : memref<128xi32, #tpu.memory_space<vmem>>) target_semaphore(%run_scoped3A : memref<!tpu.dma_semaphore, #tpu.memory_space<semaphore_mem>>)
      %dma_wait3A_165 = tpu.memref_slice %arg7[%mul3A_2] : memref<4096xi32, #tpu.memory_space<hbm>> -> memref<128xi32, #tpu.memory_space<hbm>>
      %dma_wait3A_166 = tpu.memref_slice %arg7[%mul3A_2] : memref<4096xi32, #tpu.memory_space<hbm>> -> memref<128xi32, #tpu.memory_space<hbm>>
      tpu.wait_dma2 semaphore(%run_scoped3A : memref<!tpu.dma_semaphore, #tpu.memory_space<semaphore_mem>>) src(%dma_wait3A_166 : memref<128xi32, #tpu.memory_space<hbm>>) dst(%arg10 : memref<128xi32, #tpu.memory_space<vmem>>)
      tpu.yield
    }) : () -> ()
    "tpu.region"() ({
      %run_scoped3A = tpu.sem_alloc : memref<!tpu.dma_semaphore, #tpu.memory_space<semaphore_mem>>
      %dma_start3A_163 = tpu.memref_slice %arg8[%mul3A_2] : memref<4096xi32, #tpu.memory_space<hbm>> -> memref<128xi32, #tpu.memory_space<hbm>>
      %dma_start3A_164 = tpu.memref_slice %arg8[%mul3A_2] : memref<4096xi32, #tpu.memory_space<hbm>> -> memref<128xi32, #tpu.memory_space<hbm>>
      tpu.enqueue_dma source(%dma_start3A_164 : memref<128xi32, #tpu.memory_space<hbm>>) target(%arg11 : memref<128xi32, #tpu.memory_space<vmem>>) target_semaphore(%run_scoped3A : memref<!tpu.dma_semaphore, #tpu.memory_space<semaphore_mem>>)
      %dma_wait3A_165 = tpu.memref_slice %arg8[%mul3A_2] : memref<4096xi32, #tpu.memory_space<hbm>> -> memref<128xi32, #tpu.memory_space<hbm>>
      %dma_wait3A_166 = tpu.memref_slice %arg8[%mul3A_2] : memref<4096xi32, #tpu.memory_space<hbm>> -> memref<128xi32, #tpu.memory_space<hbm>>
      tpu.wait_dma2 semaphore(%run_scoped3A : memref<!tpu.dma_semaphore, #tpu.memory_space<semaphore_mem>>) src(%dma_wait3A_166 : memref<128xi32, #tpu.memory_space<hbm>>) dst(%arg11 : memref<128xi32, #tpu.memory_space<vmem>>)
      tpu.yield
    }) : () -> ()
    "tpu.region"() ({
      %run_scoped3A = tpu.sem_alloc : memref<!tpu.dma_semaphore, #tpu.memory_space<semaphore_mem>>
      %dma_start3A_163 = tpu.memref_slice %arg6[%mul3A_2] : memref<4096xf32, #tpu.memory_space<hbm>> -> memref<128xf32, #tpu.memory_space<hbm>>
      %dma_start3A_164 = tpu.memref_slice %arg6[%mul3A_2] : memref<4096xf32, #tpu.memory_space<hbm>> -> memref<128xf32, #tpu.memory_space<hbm>>
      tpu.enqueue_dma source(%dma_start3A_164 : memref<128xf32, #tpu.memory_space<hbm>>) target(%arg23 : memref<128xf32, #tpu.memory_space<vmem>>) target_semaphore(%run_scoped3A : memref<!tpu.dma_semaphore, #tpu.memory_space<semaphore_mem>>)
      %dma_wait3A_165 = tpu.memref_slice %arg6[%mul3A_2] : memref<4096xf32, #tpu.memory_space<hbm>> -> memref<128xf32, #tpu.memory_space<hbm>>
      %dma_wait3A_166 = tpu.memref_slice %arg6[%mul3A_2] : memref<4096xf32, #tpu.memory_space<hbm>> -> memref<128xf32, #tpu.memory_space<hbm>>
      tpu.wait_dma2 semaphore(%run_scoped3A : memref<!tpu.dma_semaphore, #tpu.memory_space<semaphore_mem>>) src(%dma_wait3A_166 : memref<128xf32, #tpu.memory_space<hbm>>) dst(%arg23 : memref<128xf32, #tpu.memory_space<vmem>>)
      tpu.yield
    }) : () -> ()
    %dma_start3A = arith.constant 0 : i32
    %dma_start3A_3 = tpu.memref_slice %arg4[%dma_start3A] : memref<1000000xf32, #tpu.memory_space<hbm>> -> memref<1000000xf32, #tpu.memory_space<hbm>>
    tpu.enqueue_indirect_dma source(%dma_start3A_3 : memref<1000000xf32, #tpu.memory_space<hbm>>) target(%arg21 : memref<128xf32, #tpu.memory_space<vmem>>) offsets(%arg10 : memref<128xi32, #tpu.memory_space<vmem>>) semaphore(%arg36 : memref<!tpu.dma_semaphore, #tpu.memory_space<semaphore_mem>>)
    %dma_start3A_4 = arith.constant 0 : i32
    %dma_start3A_5 = tpu.memref_slice %arg5[%dma_start3A_4] : memref<1000000xf32, #tpu.memory_space<hbm>> -> memref<1000000xf32, #tpu.memory_space<hbm>>
    tpu.enqueue_indirect_dma source(%dma_start3A_5 : memref<1000000xf32, #tpu.memory_space<hbm>>) target(%arg22 : memref<128xf32, #tpu.memory_space<vmem>>) offsets(%arg11 : memref<128xi32, #tpu.memory_space<vmem>>) semaphore(%arg37 : memref<!tpu.dma_semaphore, #tpu.memory_space<semaphore_mem>>)
    %get3A = arith.constant 0 : index
    %get3A_6 = tpu.vector_load %arg10[%get3A] {strides = array<i32>} : memref<128xi32, #tpu.memory_space<vmem>>, vector<16xi32>,
    %get3A_7 = arith.constant 0 : index
    %get3A_8 = tpu.vector_load %arg11[%get3A_7] {strides = array<i32>} : memref<128xi32, #tpu.memory_space<vmem>>, vector<16xi32>,
    %slice3A = vector.extract_strided_slice %get3A_6 {offsets = [0], sizes = [1], strides = [1]} : vector<16xi32> to vector<1xi32>
    %squeeze3A = vector.extract %slice3A[0] : i32 from vector<1xi32>
    %slice3A_9 = vector.extract_strided_slice %get3A_8 {offsets = [0], sizes = [1], strides = [1]} : vector<16xi32> to vector<1xi32>
    %squeeze3A_10 = vector.extract %slice3A_9[0] : i32 from vector<1xi32>
    %shift_right_logical3A = arith.constant 7 : i32
    %shift_right_logical3A_11 = arith.shrui %squeeze3A, %shift_right_logical3A : i32
    %mul3A_12 = arith.constant 128 : i32
    %mul3A_13 = arith.muli %shift_right_logical3A_11, %mul3A_12 : i32
    %multiple_of3A = tpu.assume_multiple %mul3A_13, 128 : i32
    %dma_start3A_14 = arith.constant 0 : i32
    %dma_start3A_15 = tpu.memref_slice %arg2[%dma_start3A_14, %multiple_of3A] : memref<32x1000000xf32, #tpu.memory_space<hbm>> -> memref<32x128xf32, #tpu.memory_space<hbm>>
    %dma_start3A_16 = arith.constant 0 : i32
    %dma_start3A_17 = tpu.memref_slice %arg2[%dma_start3A_16, %multiple_of3A] : memref<32x1000000xf32, #tpu.memory_space<hbm>> -> memref<32x128xf32, #tpu.memory_space<hbm>>
    tpu.enqueue_dma source(%dma_start3A_17 : memref<32x128xf32, #tpu.memory_space<hbm>>) target(%arg12 : memref<32x128xf32, #tpu.memory_space<vmem>>) target_semaphore(%arg28 : memref<!tpu.dma_semaphore, #tpu.memory_space<semaphore_mem>>)
    %shift_right_logical3A_18 = arith.constant 7 : i32
    %shift_right_logical3A_19 = arith.shrui %squeeze3A_10, %shift_right_logical3A_18 : i32
    %mul3A_20 = arith.constant 128 : i32
    %mul3A_21 = arith.muli %shift_right_logical3A_19, %mul3A_20 : i32
    %multiple_of3A_22 = tpu.assume_multiple %mul3A_21, 128 : i32
    %dma_start3A_23 = arith.constant 0 : i32
    %dma_start3A_24 = tpu.memref_slice %arg3[%dma_start3A_23, %multiple_of3A_22] : memref<32x1000000xf32, #tpu.memory_space<hbm>> -> memref<32x128xf32, #tpu.memory_space<hbm>>
    %dma_start3A_25 = arith.constant 0 : i32
    %dma_start3A_26 = tpu.memref_slice %arg3[%dma_start3A_25, %multiple_of3A_22] : memref<32x1000000xf32, #tpu.memory_space<hbm>> -> memref<32x128xf32, #tpu.memory_space<hbm>>
    tpu.enqueue_dma source(%dma_start3A_26 : memref<32x128xf32, #tpu.memory_space<hbm>>) target(%arg16 : memref<32x128xf32, #tpu.memory_space<vmem>>) target_semaphore(%arg32 : memref<!tpu.dma_semaphore, #tpu.memory_space<semaphore_mem>>)
    %slice3A_27 = vector.extract_strided_slice %get3A_6 {offsets = [1], sizes = [1], strides = [1]} : vector<16xi32> to vector<1xi32>
    %squeeze3A_28 = vector.extract %slice3A_27[0] : i32 from vector<1xi32>
    %slice3A_29 = vector.extract_strided_slice %get3A_8 {offsets = [1], sizes = [1], strides = [1]} : vector<16xi32> to vector<1xi32>
    %squeeze3A_30 = vector.extract %slice3A_29[0] : i32 from vector<1xi32>
    %shift_right_logical3A_31 = arith.constant 7 : i32
    %shift_right_logical3A_32 = arith.shrui %squeeze3A_28, %shift_right_logical3A_31 : i32
    %mul3A_33 = arith.constant 128 : i32
    %mul3A_34 = arith.muli %shift_right_logical3A_32, %mul3A_33 : i32
    %multiple_of3A_35 = tpu.assume_multiple %mul3A_34, 128 : i32
    %dma_start3A_36 = arith.constant 0 : i32
    %dma_start3A_37 = tpu.memref_slice %arg2[%dma_start3A_36, %multiple_of3A_35] : memref<32x1000000xf32, #tpu.memory_space<hbm>> -> memref<32x128xf32, #tpu.memory_space<hbm>>
    %dma_start3A_38 = arith.constant 0 : i32
    %dma_start3A_39 = tpu.memref_slice %arg2[%dma_start3A_38, %multiple_of3A_35] : memref<32x1000000xf32, #tpu.memory_space<hbm>> -> memref<32x128xf32, #tpu.memory_space<hbm>>
    tpu.enqueue_dma source(%dma_start3A_39 : memref<32x128xf32, #tpu.memory_space<hbm>>) target(%arg13 : memref<32x128xf32, #tpu.memory_space<vmem>>) target_semaphore(%arg29 : memref<!tpu.dma_semaphore, #tpu.memory_space<semaphore_mem>>)
    %shift_right_logical3A_40 = arith.constant 7 : i32
    %shift_right_logical3A_41 = arith.shrui %squeeze3A_30, %shift_right_logical3A_40 : i32
    %mul3A_42 = arith.constant 128 : i32
    %mul3A_43 = arith.muli %shift_right_logical3A_41, %mul3A_42 : i32
    %multiple_of3A_44 = tpu.assume_multiple %mul3A_43, 128 : i32
    %dma_start3A_45 = arith.constant 0 : i32
    %dma_start3A_46 = tpu.memref_slice %arg3[%dma_start3A_45, %multiple_of3A_44] : memref<32x1000000xf32, #tpu.memory_space<hbm>> -> memref<32x128xf32, #tpu.memory_space<hbm>>
    %dma_start3A_47 = arith.constant 0 : i32
    %dma_start3A_48 = tpu.memref_slice %arg3[%dma_start3A_47, %multiple_of3A_44] : memref<32x1000000xf32, #tpu.memory_space<hbm>> -> memref<32x128xf32, #tpu.memory_space<hbm>>
    tpu.enqueue_dma source(%dma_start3A_48 : memref<32x128xf32, #tpu.memory_space<hbm>>) target(%arg17 : memref<32x128xf32, #tpu.memory_space<vmem>>) target_semaphore(%arg33 : memref<!tpu.dma_semaphore, #tpu.memory_space<semaphore_mem>>)
    %slice3A_49 = vector.extract_strided_slice %get3A_6 {offsets = [2], sizes = [1], strides = [1]} : vector<16xi32> to vector<1xi32>
    %squeeze3A_50 = vector.extract %slice3A_49[0] : i32 from vector<1xi32>
    %slice3A_51 = vector.extract_strided_slice %get3A_8 {offsets = [2], sizes = [1], strides = [1]} : vector<16xi32> to vector<1xi32>
    %squeeze3A_52 = vector.extract %slice3A_51[0] : i32 from vector<1xi32>
    %shift_right_logical3A_53 = arith.constant 7 : i32
    %shift_right_logical3A_54 = arith.shrui %squeeze3A_50, %shift_right_logical3A_53 : i32
    %mul3A_55 = arith.constant 128 : i32
    %mul3A_56 = arith.muli %shift_right_logical3A_54, %mul3A_55 : i32
    %multiple_of3A_57 = tpu.assume_multiple %mul3A_56, 128 : i32
    %dma_start3A_58 = arith.constant 0 : i32
    %dma_start3A_59 = tpu.memref_slice %arg2[%dma_start3A_58, %multiple_of3A_57] : memref<32x1000000xf32, #tpu.memory_space<hbm>> -> memref<32x128xf32, #tpu.memory_space<hbm>>
    %dma_start3A_60 = arith.constant 0 : i32
    %dma_start3A_61 = tpu.memref_slice %arg2[%dma_start3A_60, %multiple_of3A_57] : memref<32x1000000xf32, #tpu.memory_space<hbm>> -> memref<32x128xf32, #tpu.memory_space<hbm>>
    tpu.enqueue_dma source(%dma_start3A_61 : memref<32x128xf32, #tpu.memory_space<hbm>>) target(%arg14 : memref<32x128xf32, #tpu.memory_space<vmem>>) target_semaphore(%arg30 : memref<!tpu.dma_semaphore, #tpu.memory_space<semaphore_mem>>)
    %shift_right_logical3A_62 = arith.constant 7 : i32
    %shift_right_logical3A_63 = arith.shrui %squeeze3A_52, %shift_right_logical3A_62 : i32
    %mul3A_64 = arith.constant 128 : i32
    %mul3A_65 = arith.muli %shift_right_logical3A_63, %mul3A_64 : i32
    %multiple_of3A_66 = tpu.assume_multiple %mul3A_65, 128 : i32
    %dma_start3A_67 = arith.constant 0 : i32
    %dma_start3A_68 = tpu.memref_slice %arg3[%dma_start3A_67, %multiple_of3A_66] : memref<32x1000000xf32, #tpu.memory_space<hbm>> -> memref<32x128xf32, #tpu.memory_space<hbm>>
    %dma_start3A_69 = arith.constant 0 : i32
    %dma_start3A_70 = tpu.memref_slice %arg3[%dma_start3A_69, %multiple_of3A_66] : memref<32x1000000xf32, #tpu.memory_space<hbm>> -> memref<32x128xf32, #tpu.memory_space<hbm>>
    tpu.enqueue_dma source(%dma_start3A_70 : memref<32x128xf32, #tpu.memory_space<hbm>>) target(%arg18 : memref<32x128xf32, #tpu.memory_space<vmem>>) target_semaphore(%arg34 : memref<!tpu.dma_semaphore, #tpu.memory_space<semaphore_mem>>)
    %slice3A_71 = vector.extract_strided_slice %get3A_6 {offsets = [3], sizes = [1], strides = [1]} : vector<16xi32> to vector<1xi32>
    %squeeze3A_72 = vector.extract %slice3A_71[0] : i32 from vector<1xi32>
    %slice3A_73 = vector.extract_strided_slice %get3A_8 {offsets = [3], sizes = [1], strides = [1]} : vector<16xi32> to vector<1xi32>
    %squeeze3A_74 = vector.extract %slice3A_73[0] : i32 from vector<1xi32>
    %shift_right_logical3A_75 = arith.constant 7 : i32
    %shift_right_logical3A_76 = arith.shrui %squeeze3A_72, %shift_right_logical3A_75 : i32
    %mul3A_77 = arith.constant 128 : i32
    %mul3A_78 = arith.muli %shift_right_logical3A_76, %mul3A_77 : i32
    %multiple_of3A_79 = tpu.assume_multiple %mul3A_78, 128 : i32
    %dma_start3A_80 = arith.constant 0 : i32
    %dma_start3A_81 = tpu.memref_slice %arg2[%dma_start3A_80, %multiple_of3A_79] : memref<32x1000000xf32, #tpu.memory_space<hbm>> -> memref<32x128xf32, #tpu.memory_space<hbm>>
    %dma_start3A_82 = arith.constant 0 : i32
    %dma_start3A_83 = tpu.memref_slice %arg2[%dma_start3A_82, %multiple_of3A_79] : memref<32x1000000xf32, #tpu.memory_space<hbm>> -> memref<32x128xf32, #tpu.memory_space<hbm>>
    tpu.enqueue_dma source(%dma_start3A_83 : memref<32x128xf32, #tpu.memory_space<hbm>>) target(%arg15 : memref<32x128xf32, #tpu.memory_space<vmem>>) target_semaphore(%arg31 : memref<!tpu.dma_semaphore, #tpu.memory_space<semaphore_mem>>)
    %shift_right_logical3A_84 = arith.constant 7 : i32
    %shift_right_logical3A_85 = arith.shrui %squeeze3A_74, %shift_right_logical3A_84 : i32
    %mul3A_86 = arith.constant 128 : i32
    %mul3A_87 = arith.muli %shift_right_logical3A_85, %mul3A_86 : i32
    %multiple_of3A_88 = tpu.assume_multiple %mul3A_87, 128 : i32
    %dma_start3A_89 = arith.constant 0 : i32
    %dma_start3A_90 = tpu.memref_slice %arg3[%dma_start3A_89, %multiple_of3A_88] : memref<32x1000000xf32, #tpu.memory_space<hbm>> -> memref<32x128xf32, #tpu.memory_space<hbm>>
    %dma_start3A_91 = arith.constant 0 : i32
    %dma_start3A_92 = tpu.memref_slice %arg3[%dma_start3A_91, %multiple_of3A_88] : memref<32x1000000xf32, #tpu.memory_space<hbm>> -> memref<32x128xf32, #tpu.memory_space<hbm>>
    tpu.enqueue_dma source(%dma_start3A_92 : memref<32x128xf32, #tpu.memory_space<hbm>>) target(%arg19 : memref<32x128xf32, #tpu.memory_space<vmem>>) target_semaphore(%arg35 : memref<!tpu.dma_semaphore, #tpu.memory_space<semaphore_mem>>)
    %iota3A = tpu.iota {dimensions = array<i32: 0>} : vector<16xi32>
    %broadcast_in_dim3A = arith.constant 0.000000e+00 : f32
    %broadcast_in_dim3A_93 = vector.broadcast %broadcast_in_dim3A : f32 to vector<16xf32>
    %dma_wait3A = arith.constant 0 : i32
    %dma_wait3A_94 = tpu.memref_slice %arg4[%dma_wait3A] : memref<1000000xf32, #tpu.memory_space<hbm>> -> memref<1000000xf32, #tpu.memory_space<hbm>>
    tpu.wait_indirect_dma semaphore(%arg36 : memref<!tpu.dma_semaphore, #tpu.memory_space<semaphore_mem>>) src(%dma_wait3A_94 : memref<1000000xf32, #tpu.memory_space<hbm>>) dst(%arg21 : memref<128xf32, #tpu.memory_space<vmem>>)
    %dma_wait3A_95 = arith.constant 0 : i32
    %dma_wait3A_96 = tpu.memref_slice %arg5[%dma_wait3A_95] : memref<1000000xf32, #tpu.memory_space<hbm>> -> memref<1000000xf32, #tpu.memory_space<hbm>>
    tpu.wait_indirect_dma semaphore(%arg37 : memref<!tpu.dma_semaphore, #tpu.memory_space<semaphore_mem>>) src(%dma_wait3A_96 : memref<1000000xf32, #tpu.memory_space<hbm>>) dst(%arg22 : memref<128xf32, #tpu.memory_space<vmem>>)
    %scan3A = arith.constant 0 : i32
    %scan3A_97 = arith.constant 8 : i32
    %scan3A_98 = arith.addi %scan3A, %scan3A_97 : i32
    %scan3A_99 = arith.constant 1 : i32
    %scan3A_100:5 = scf.for %scan3A_163 = %scan3A to %scan3A_98 step %scan3A_99 iter_args(%scan3A_164 = %broadcast_in_dim3A_93, %scan3A_165 = %broadcast_in_dim3A_93, %scan3A_166 = %broadcast_in_dim3A_93, %scan3A_167 = %broadcast_in_dim3A_93, %scan3A_168 = %broadcast_in_dim3A_93) -> (vector<16xf32>, vector<16xf32>, vector<16xf32>, vector<16xf32>, vector<16xf32>)  : i32 {
      %mul3A_169 = arith.constant 16 : i32
      %mul3A_170 = arith.muli %scan3A_163, %mul3A_169 : i32
      %multiple_of3A_171 = tpu.assume_multiple %mul3A_170, 16 : i32
      %add3A_172 = arith.constant 16 : i32
      %add3A_173 = arith.addi %multiple_of3A_171, %add3A_172 : i32
      %min3A = arith.constant 112 : i32
      %min3A_174 = arith.minsi %add3A_173, %min3A : i32
      %multiple_of3A_175 = tpu.assume_multiple %min3A_174, 16 : i32
      %get3A_176 = arith.index_cast %multiple_of3A_171 : i32 to index
      %get3A_177 = tpu.vector_load %arg10[%get3A_176] {strides = array<i32>} : memref<128xi32, #tpu.memory_space<vmem>>, vector<16xi32>,
      %get3A_178 = arith.index_cast %multiple_of3A_171 : i32 to index
      %get3A_179 = tpu.vector_load %arg11[%get3A_178] {strides = array<i32>} : memref<128xi32, #tpu.memory_space<vmem>>, vector<16xi32>,
      %get3A_180 = arith.index_cast %multiple_of3A_175 : i32 to index
      %get3A_181 = tpu.vector_load %arg10[%get3A_180] {strides = array<i32>} : memref<128xi32, #tpu.memory_space<vmem>>, vector<16xi32>,
      %get3A_182 = arith.index_cast %multiple_of3A_175 : i32 to index
      %get3A_183 = tpu.vector_load %arg11[%get3A_182] {strides = array<i32>} : memref<128xi32, #tpu.memory_space<vmem>>, vector<16xi32>,
      %dma_wait3A_184 = arith.constant 0 : i32
      %dma_wait3A_185 = arith.constant 0 : i32
      %dma_wait3A_186 = tpu.memref_slice %arg2[%dma_wait3A_184, %dma_wait3A_185] : memref<32x1000000xf32, #tpu.memory_space<hbm>> -> memref<32x128xf32, #tpu.memory_space<hbm>>
      %dma_wait3A_187 = arith.constant 0 : i32
      %dma_wait3A_188 = arith.constant 0 : i32
      %dma_wait3A_189 = tpu.memref_slice %arg2[%dma_wait3A_187, %dma_wait3A_188] : memref<32x1000000xf32, #tpu.memory_space<hbm>> -> memref<32x128xf32, #tpu.memory_space<hbm>>
      tpu.wait_dma2 semaphore(%arg28 : memref<!tpu.dma_semaphore, #tpu.memory_space<semaphore_mem>>) src(%dma_wait3A_189 : memref<32x128xf32, #tpu.memory_space<hbm>>) dst(%arg12 : memref<32x128xf32, #tpu.memory_space<vmem>>)
      %dma_wait3A_190 = arith.constant 0 : i32
      %dma_wait3A_191 = arith.constant 0 : i32
      %dma_wait3A_192 = tpu.memref_slice %arg3[%dma_wait3A_190, %dma_wait3A_191] : memref<32x1000000xf32, #tpu.memory_space<hbm>> -> memref<32x128xf32, #tpu.memory_space<hbm>>
      %dma_wait3A_193 = arith.constant 0 : i32
      %dma_wait3A_194 = arith.constant 0 : i32
      %dma_wait3A_195 = tpu.memref_slice %arg3[%dma_wait3A_193, %dma_wait3A_194] : memref<32x1000000xf32, #tpu.memory_space<hbm>> -> memref<32x128xf32, #tpu.memory_space<hbm>>
      tpu.wait_dma2 semaphore(%arg32 : memref<!tpu.dma_semaphore, #tpu.memory_space<semaphore_mem>>) src(%dma_wait3A_195 : memref<32x128xf32, #tpu.memory_space<hbm>>) dst(%arg16 : memref<32x128xf32, #tpu.memory_space<vmem>>)
      %slice3A_196 = vector.extract_strided_slice %get3A_177 {offsets = [0], sizes = [1], strides = [1]} : vector<16xi32> to vector<1xi32>
      %squeeze3A_197 = vector.extract %slice3A_196[0] : i32 from vector<1xi32>
      %and3A = arith.constant 127 : i32
      %and3A_198 = arith.andi %squeeze3A_197, %and3A : i32
      %broadcast_in_dim3A_199 = vector.broadcast %and3A_198 : i32 to vector<16xi32>
      %slice3A_200 = vector.extract_strided_slice %get3A_179 {offsets = [0], sizes = [1], strides = [1]} : vector<16xi32> to vector<1xi32>
      %squeeze3A_201 = vector.extract %slice3A_200[0] : i32 from vector<1xi32>
      %and3A_202 = arith.constant 127 : i32
      %and3A_203 = arith.andi %squeeze3A_201, %and3A_202 : i32
      %broadcast_in_dim3A_204 = vector.broadcast %and3A_203 : i32 to vector<16xi32>
      %gather3A = tpu.vector_load_idx %arg12[%iota3A, %broadcast_in_dim3A_199] : memref<32x128xf32, #tpu.memory_space<vmem>>[vector<16xi32>, vector<16xi32>], vector<16xf32>,
      %add3A_205 = arith.constant 16 : i32
      %add3A_206 = vector.broadcast %add3A_205 : i32 to vector<16xi32>
      %add3A_207 = arith.addi %iota3A, %add3A_206 : vector<16xi32>
      %gather3A_208 = tpu.vector_load_idx %arg12[%add3A_207, %broadcast_in_dim3A_199] : memref<32x128xf32, #tpu.memory_space<vmem>>[vector<16xi32>, vector<16xi32>], vector<16xf32>,
      %gather3A_209 = tpu.vector_load_idx %arg16[%iota3A, %broadcast_in_dim3A_204] : memref<32x128xf32, #tpu.memory_space<vmem>>[vector<16xi32>, vector<16xi32>], vector<16xf32>,
      %add3A_210 = arith.constant 16 : i32
      %add3A_211 = vector.broadcast %add3A_210 : i32 to vector<16xi32>
      %add3A_212 = arith.addi %iota3A, %add3A_211 : vector<16xi32>
      %gather3A_213 = tpu.vector_load_idx %arg16[%add3A_212, %broadcast_in_dim3A_204] : memref<32x128xf32, #tpu.memory_space<vmem>>[vector<16xi32>, vector<16xi32>], vector<16xf32>,
      %mul3A_214 = arith.mulf %gather3A, %gather3A_209 : vector<16xf32>
      %mul3A_215 = arith.mulf %gather3A_208, %gather3A_213 : vector<16xf32>
      %add3A_216 = arith.addf %mul3A_214, %mul3A_215 : vector<16xf32>
      %reduce_sum3A = arith.constant true
      %reduce_sum3A_217 = vector.broadcast %reduce_sum3A : i1 to vector<16xi1>
      %reduce_sum3A_218 = tpu.scan <sum>, %add3A_216 masked %reduce_sum3A_217 : vector<16xf32>, vector<16xi1> -> vector<16xf32>
      %reduce_sum3A_219 = vector.extract %reduce_sum3A_218[15] : f32 from vector<16xf32>
      %eq3A_220 = arith.constant 0 : i32
      %eq3A_221 = vector.broadcast %eq3A_220 : i32 to vector<16xi32>
      %eq3A_222 = arith.cmpi eq, %iota3A, %eq3A_221 : vector<16xi32>
      %broadcast_in_dim3A_223 = vector.broadcast %reduce_sum3A_219 : f32 to vector<16xf32>
      %select_n3A = arith.select %eq3A_222, %broadcast_in_dim3A_223, %broadcast_in_dim3A_93 : vector<16xi1>, vector<16xf32>
      %slice3A_224 = vector.extract_strided_slice %get3A_177 {offsets = [4], sizes = [1], strides = [1]} : vector<16xi32> to vector<1xi32>
      %squeeze3A_225 = vector.extract %slice3A_224[0] : i32 from vector<1xi32>
      %slice3A_226 = vector.extract_strided_slice %get3A_179 {offsets = [4], sizes = [1], strides = [1]} : vector<16xi32> to vector<1xi32>
      %squeeze3A_227 = vector.extract %slice3A_226[0] : i32 from vector<1xi32>
      %shift_right_logical3A_228 = arith.constant 7 : i32
      %shift_right_logical3A_229 = arith.shrui %squeeze3A_225, %shift_right_logical3A_228 : i32
      %mul3A_230 = arith.constant 128 : i32
      %mul3A_231 = arith.muli %shift_right_logical3A_229, %mul3A_230 : i32
      %multiple_of3A_232 = tpu.assume_multiple %mul3A_231, 128 : i32
      %dma_start3A_233 = arith.constant 0 : i32
      %dma_start3A_234 = tpu.memref_slice %arg2[%dma_start3A_233, %multiple_of3A_232] : memref<32x1000000xf32, #tpu.memory_space<hbm>> -> memref<32x128xf32, #tpu.memory_space<hbm>>
      %dma_start3A_235 = arith.constant 0 : i32
      %dma_start3A_236 = tpu.memref_slice %arg2[%dma_start3A_235, %multiple_of3A_232] : memref<32x1000000xf32, #tpu.memory_space<hbm>> -> memref<32x128xf32, #tpu.memory_space<hbm>>
      tpu.enqueue_dma source(%dma_start3A_236 : memref<32x128xf32, #tpu.memory_space<hbm>>) target(%arg12 : memref<32x128xf32, #tpu.memory_space<vmem>>) target_semaphore(%arg28 : memref<!tpu.dma_semaphore, #tpu.memory_space<semaphore_mem>>)
      %shift_right_logical3A_237 = arith.constant 7 : i32
      %shift_right_logical3A_238 = arith.shrui %squeeze3A_227, %shift_right_logical3A_237 : i32
      %mul3A_239 = arith.constant 128 : i32
      %mul3A_240 = arith.muli %shift_right_logical3A_238, %mul3A_239 : i32
      %multiple_of3A_241 = tpu.assume_multiple %mul3A_240, 128 : i32
      %dma_start3A_242 = arith.constant 0 : i32
      %dma_start3A_243 = tpu.memref_slice %arg3[%dma_start3A_242, %multiple_of3A_241] : memref<32x1000000xf32, #tpu.memory_space<hbm>> -> memref<32x128xf32, #tpu.memory_space<hbm>>
      %dma_start3A_244 = arith.constant 0 : i32
      %dma_start3A_245 = tpu.memref_slice %arg3[%dma_start3A_244, %multiple_of3A_241] : memref<32x1000000xf32, #tpu.memory_space<hbm>> -> memref<32x128xf32, #tpu.memory_space<hbm>>
      tpu.enqueue_dma source(%dma_start3A_245 : memref<32x128xf32, #tpu.memory_space<hbm>>) target(%arg16 : memref<32x128xf32, #tpu.memory_space<vmem>>) target_semaphore(%arg32 : memref<!tpu.dma_semaphore, #tpu.memory_space<semaphore_mem>>)
      %dma_wait3A_246 = arith.constant 0 : i32
      %dma_wait3A_247 = arith.constant 0 : i32
      %dma_wait3A_248 = tpu.memref_slice %arg2[%dma_wait3A_246, %dma_wait3A_247] : memref<32x1000000xf32, #tpu.memory_space<hbm>> -> memref<32x128xf32, #tpu.memory_space<hbm>>
      %dma_wait3A_249 = arith.constant 0 : i32
      %dma_wait3A_250 = arith.constant 0 : i32
      %dma_wait3A_251 = tpu.memref_slice %arg2[%dma_wait3A_249, %dma_wait3A_250] : memref<32x1000000xf32, #tpu.memory_space<hbm>> -> memref<32x128xf32, #tpu.memory_space<hbm>>
      tpu.wait_dma2 semaphore(%arg29 : memref<!tpu.dma_semaphore, #tpu.memory_space<semaphore_mem>>) src(%dma_wait3A_251 : memref<32x128xf32, #tpu.memory_space<hbm>>) dst(%arg13 : memref<32x128xf32, #tpu.memory_space<vmem>>)
      %dma_wait3A_252 = arith.constant 0 : i32
      %dma_wait3A_253 = arith.constant 0 : i32
      %dma_wait3A_254 = tpu.memref_slice %arg3[%dma_wait3A_252, %dma_wait3A_253] : memref<32x1000000xf32, #tpu.memory_space<hbm>> -> memref<32x128xf32, #tpu.memory_space<hbm>>
      %dma_wait3A_255 = arith.constant 0 : i32
      %dma_wait3A_256 = arith.constant 0 : i32
      %dma_wait3A_257 = tpu.memref_slice %arg3[%dma_wait3A_255, %dma_wait3A_256] : memref<32x1000000xf32, #tpu.memory_space<hbm>> -> memref<32x128xf32, #tpu.memory_space<hbm>>
      tpu.wait_dma2 semaphore(%arg33 : memref<!tpu.dma_semaphore, #tpu.memory_space<semaphore_mem>>) src(%dma_wait3A_257 : memref<32x128xf32, #tpu.memory_space<hbm>>) dst(%arg17 : memref<32x128xf32, #tpu.memory_space<vmem>>)
      %slice3A_258 = vector.extract_strided_slice %get3A_177 {offsets = [1], sizes = [1], strides = [1]} : vector<16xi32> to vector<1xi32>
      %squeeze3A_259 = vector.extract %slice3A_258[0] : i32 from vector<1xi32>
      %and3A_260 = arith.constant 127 : i32
      %and3A_261 = arith.andi %squeeze3A_259, %and3A_260 : i32
      %broadcast_in_dim3A_262 = vector.broadcast %and3A_261 : i32 to vector<16xi32>
      %slice3A_263 = vector.extract_strided_slice %get3A_179 {offsets = [1], sizes = [1], strides = [1]} : vector<16xi32> to vector<1xi32>
      %squeeze3A_264 = vector.extract %slice3A_263[0] : i32 from vector<1xi32>
      %and3A_265 = arith.constant 127 : i32
      %and3A_266 = arith.andi %squeeze3A_264, %and3A_265 : i32
      %broadcast_in_dim3A_267 = vector.broadcast %and3A_266 : i32 to vector<16xi32>
      %gather3A_268 = tpu.vector_load_idx %arg13[%iota3A, %broadcast_in_dim3A_262] : memref<32x128xf32, #tpu.memory_space<vmem>>[vector<16xi32>, vector<16xi32>], vector<16xf32>,
      %add3A_269 = arith.constant 16 : i32
      %add3A_270 = vector.broadcast %add3A_269 : i32 to vector<16xi32>
      %add3A_271 = arith.addi %iota3A, %add3A_270 : vector<16xi32>
      %gather3A_272 = tpu.vector_load_idx %arg13[%add3A_271, %broadcast_in_dim3A_262] : memref<32x128xf32, #tpu.memory_space<vmem>>[vector<16xi32>, vector<16xi32>], vector<16xf32>,
      %gather3A_273 = tpu.vector_load_idx %arg17[%iota3A, %broadcast_in_dim3A_267] : memref<32x128xf32, #tpu.memory_space<vmem>>[vector<16xi32>, vector<16xi32>], vector<16xf32>,
      %add3A_274 = arith.constant 16 : i32
      %add3A_275 = vector.broadcast %add3A_274 : i32 to vector<16xi32>
      %add3A_276 = arith.addi %iota3A, %add3A_275 : vector<16xi32>
      %gather3A_277 = tpu.vector_load_idx %arg17[%add3A_276, %broadcast_in_dim3A_267] : memref<32x128xf32, #tpu.memory_space<vmem>>[vector<16xi32>, vector<16xi32>], vector<16xf32>,
      %mul3A_278 = arith.mulf %gather3A_268, %gather3A_273 : vector<16xf32>
      %mul3A_279 = arith.mulf %gather3A_272, %gather3A_277 : vector<16xf32>
      %add3A_280 = arith.addf %mul3A_278, %mul3A_279 : vector<16xf32>
      %reduce_sum3A_281 = arith.constant true
      %reduce_sum3A_282 = vector.broadcast %reduce_sum3A_281 : i1 to vector<16xi1>
      %reduce_sum3A_283 = tpu.scan <sum>, %add3A_280 masked %reduce_sum3A_282 : vector<16xf32>, vector<16xi1> -> vector<16xf32>
      %reduce_sum3A_284 = vector.extract %reduce_sum3A_283[15] : f32 from vector<16xf32>
      %eq3A_285 = arith.constant 1 : i32
      %eq3A_286 = vector.broadcast %eq3A_285 : i32 to vector<16xi32>
      %eq3A_287 = arith.cmpi eq, %iota3A, %eq3A_286 : vector<16xi32>
      %broadcast_in_dim3A_288 = vector.broadcast %reduce_sum3A_284 : f32 to vector<16xf32>
      %select_n3A_289 = arith.select %eq3A_287, %broadcast_in_dim3A_288, %select_n3A : vector<16xi1>, vector<16xf32>
      %slice3A_290 = vector.extract_strided_slice %get3A_177 {offsets = [5], sizes = [1], strides = [1]} : vector<16xi32> to vector<1xi32>
      %squeeze3A_291 = vector.extract %slice3A_290[0] : i32 from vector<1xi32>
      %slice3A_292 = vector.extract_strided_slice %get3A_179 {offsets = [5], sizes = [1], strides = [1]} : vector<16xi32> to vector<1xi32>
      %squeeze3A_293 = vector.extract %slice3A_292[0] : i32 from vector<1xi32>
      %shift_right_logical3A_294 = arith.constant 7 : i32
      %shift_right_logical3A_295 = arith.shrui %squeeze3A_291, %shift_right_logical3A_294 : i32
      %mul3A_296 = arith.constant 128 : i32
      %mul3A_297 = arith.muli %shift_right_logical3A_295, %mul3A_296 : i32
      %multiple_of3A_298 = tpu.assume_multiple %mul3A_297, 128 : i32
      %dma_start3A_299 = arith.constant 0 : i32
      %dma_start3A_300 = tpu.memref_slice %arg2[%dma_start3A_299, %multiple_of3A_298] : memref<32x1000000xf32, #tpu.memory_space<hbm>> -> memref<32x128xf32, #tpu.memory_space<hbm>>
      %dma_start3A_301 = arith.constant 0 : i32
      %dma_start3A_302 = tpu.memref_slice %arg2[%dma_start3A_301, %multiple_of3A_298] : memref<32x1000000xf32, #tpu.memory_space<hbm>> -> memref<32x128xf32, #tpu.memory_space<hbm>>
      tpu.enqueue_dma source(%dma_start3A_302 : memref<32x128xf32, #tpu.memory_space<hbm>>) target(%arg13 : memref<32x128xf32, #tpu.memory_space<vmem>>) target_semaphore(%arg29 : memref<!tpu.dma_semaphore, #tpu.memory_space<semaphore_mem>>)
      %shift_right_logical3A_303 = arith.constant 7 : i32
      %shift_right_logical3A_304 = arith.shrui %squeeze3A_293, %shift_right_logical3A_303 : i32
      %mul3A_305 = arith.constant 128 : i32
      %mul3A_306 = arith.muli %shift_right_logical3A_304, %mul3A_305 : i32
      %multiple_of3A_307 = tpu.assume_multiple %mul3A_306, 128 : i32
      %dma_start3A_308 = arith.constant 0 : i32
      %dma_start3A_309 = tpu.memref_slice %arg3[%dma_start3A_308, %multiple_of3A_307] : memref<32x1000000xf32, #tpu.memory_space<hbm>> -> memref<32x128xf32, #tpu.memory_space<hbm>>
      %dma_start3A_310 = arith.constant 0 : i32
      %dma_start3A_311 = tpu.memref_slice %arg3[%dma_start3A_310, %multiple_of3A_307] : memref<32x1000000xf32, #tpu.memory_space<hbm>> -> memref<32x128xf32, #tpu.memory_space<hbm>>
      tpu.enqueue_dma source(%dma_start3A_311 : memref<32x128xf32, #tpu.memory_space<hbm>>) target(%arg17 : memref<32x128xf32, #tpu.memory_space<vmem>>) target_semaphore(%arg33 : memref<!tpu.dma_semaphore, #tpu.memory_space<semaphore_mem>>)
      %dma_wait3A_312 = arith.constant 0 : i32
      %dma_wait3A_313 = arith.constant 0 : i32
      %dma_wait3A_314 = tpu.memref_slice %arg2[%dma_wait3A_312, %dma_wait3A_313] : memref<32x1000000xf32, #tpu.memory_space<hbm>> -> memref<32x128xf32, #tpu.memory_space<hbm>>
      %dma_wait3A_315 = arith.constant 0 : i32
      %dma_wait3A_316 = arith.constant 0 : i32
      %dma_wait3A_317 = tpu.memref_slice %arg2[%dma_wait3A_315, %dma_wait3A_316] : memref<32x1000000xf32, #tpu.memory_space<hbm>> -> memref<32x128xf32, #tpu.memory_space<hbm>>
      tpu.wait_dma2 semaphore(%arg30 : memref<!tpu.dma_semaphore, #tpu.memory_space<semaphore_mem>>) src(%dma_wait3A_317 : memref<32x128xf32, #tpu.memory_space<hbm>>) dst(%arg14 : memref<32x128xf32, #tpu.memory_space<vmem>>)
      %dma_wait3A_318 = arith.constant 0 : i32
      %dma_wait3A_319 = arith.constant 0 : i32
      %dma_wait3A_320 = tpu.memref_slice %arg3[%dma_wait3A_318, %dma_wait3A_319] : memref<32x1000000xf32, #tpu.memory_space<hbm>> -> memref<32x128xf32, #tpu.memory_space<hbm>>
      %dma_wait3A_321 = arith.constant 0 : i32
      %dma_wait3A_322 = arith.constant 0 : i32
      %dma_wait3A_323 = tpu.memref_slice %arg3[%dma_wait3A_321, %dma_wait3A_322] : memref<32x1000000xf32, #tpu.memory_space<hbm>> -> memref<32x128xf32, #tpu.memory_space<hbm>>
      tpu.wait_dma2 semaphore(%arg34 : memref<!tpu.dma_semaphore, #tpu.memory_space<semaphore_mem>>) src(%dma_wait3A_323 : memref<32x128xf32, #tpu.memory_space<hbm>>) dst(%arg18 : memref<32x128xf32, #tpu.memory_space<vmem>>)
      %slice3A_324 = vector.extract_strided_slice %get3A_177 {offsets = [2], sizes = [1], strides = [1]} : vector<16xi32> to vector<1xi32>
      %squeeze3A_325 = vector.extract %slice3A_324[0] : i32 from vector<1xi32>
      %and3A_326 = arith.constant 127 : i32
      %and3A_327 = arith.andi %squeeze3A_325, %and3A_326 : i32
      %broadcast_in_dim3A_328 = vector.broadcast %and3A_327 : i32 to vector<16xi32>
      %slice3A_329 = vector.extract_strided_slice %get3A_179 {offsets = [2], sizes = [1], strides = [1]} : vector<16xi32> to vector<1xi32>
      %squeeze3A_330 = vector.extract %slice3A_329[0] : i32 from vector<1xi32>
      %and3A_331 = arith.constant 127 : i32
      %and3A_332 = arith.andi %squeeze3A_330, %and3A_331 : i32
      %broadcast_in_dim3A_333 = vector.broadcast %and3A_332 : i32 to vector<16xi32>
      %gather3A_334 = tpu.vector_load_idx %arg14[%iota3A, %broadcast_in_dim3A_328] : memref<32x128xf32, #tpu.memory_space<vmem>>[vector<16xi32>, vector<16xi32>], vector<16xf32>,
      %add3A_335 = arith.constant 16 : i32
      %add3A_336 = vector.broadcast %add3A_335 : i32 to vector<16xi32>
      %add3A_337 = arith.addi %iota3A, %add3A_336 : vector<16xi32>
      %gather3A_338 = tpu.vector_load_idx %arg14[%add3A_337, %broadcast_in_dim3A_328] : memref<32x128xf32, #tpu.memory_space<vmem>>[vector<16xi32>, vector<16xi32>], vector<16xf32>,
      %gather3A_339 = tpu.vector_load_idx %arg18[%iota3A, %broadcast_in_dim3A_333] : memref<32x128xf32, #tpu.memory_space<vmem>>[vector<16xi32>, vector<16xi32>], vector<16xf32>,
      %add3A_340 = arith.constant 16 : i32
      %add3A_341 = vector.broadcast %add3A_340 : i32 to vector<16xi32>
      %add3A_342 = arith.addi %iota3A, %add3A_341 : vector<16xi32>
      %gather3A_343 = tpu.vector_load_idx %arg18[%add3A_342, %broadcast_in_dim3A_333] : memref<32x128xf32, #tpu.memory_space<vmem>>[vector<16xi32>, vector<16xi32>], vector<16xf32>,
      %mul3A_344 = arith.mulf %gather3A_334, %gather3A_339 : vector<16xf32>
      %mul3A_345 = arith.mulf %gather3A_338, %gather3A_343 : vector<16xf32>
      %add3A_346 = arith.addf %mul3A_344, %mul3A_345 : vector<16xf32>
      %reduce_sum3A_347 = arith.constant true
      %reduce_sum3A_348 = vector.broadcast %reduce_sum3A_347 : i1 to vector<16xi1>
      %reduce_sum3A_349 = tpu.scan <sum>, %add3A_346 masked %reduce_sum3A_348 : vector<16xf32>, vector<16xi1> -> vector<16xf32>
      %reduce_sum3A_350 = vector.extract %reduce_sum3A_349[15] : f32 from vector<16xf32>
      %eq3A_351 = arith.constant 2 : i32
      %eq3A_352 = vector.broadcast %eq3A_351 : i32 to vector<16xi32>
      %eq3A_353 = arith.cmpi eq, %iota3A, %eq3A_352 : vector<16xi32>
      %broadcast_in_dim3A_354 = vector.broadcast %reduce_sum3A_350 : f32 to vector<16xf32>
      %select_n3A_355 = arith.select %eq3A_353, %broadcast_in_dim3A_354, %select_n3A_289 : vector<16xi1>, vector<16xf32>
      %slice3A_356 = vector.extract_strided_slice %get3A_177 {offsets = [6], sizes = [1], strides = [1]} : vector<16xi32> to vector<1xi32>
      %squeeze3A_357 = vector.extract %slice3A_356[0] : i32 from vector<1xi32>
      %slice3A_358 = vector.extract_strided_slice %get3A_179 {offsets = [6], sizes = [1], strides = [1]} : vector<16xi32> to vector<1xi32>
      %squeeze3A_359 = vector.extract %slice3A_358[0] : i32 from vector<1xi32>
      %shift_right_logical3A_360 = arith.constant 7 : i32
      %shift_right_logical3A_361 = arith.shrui %squeeze3A_357, %shift_right_logical3A_360 : i32
      %mul3A_362 = arith.constant 128 : i32
      %mul3A_363 = arith.muli %shift_right_logical3A_361, %mul3A_362 : i32
      %multiple_of3A_364 = tpu.assume_multiple %mul3A_363, 128 : i32
      %dma_start3A_365 = arith.constant 0 : i32
      %dma_start3A_366 = tpu.memref_slice %arg2[%dma_start3A_365, %multiple_of3A_364] : memref<32x1000000xf32, #tpu.memory_space<hbm>> -> memref<32x128xf32, #tpu.memory_space<hbm>>
      %dma_start3A_367 = arith.constant 0 : i32
      %dma_start3A_368 = tpu.memref_slice %arg2[%dma_start3A_367, %multiple_of3A_364] : memref<32x1000000xf32, #tpu.memory_space<hbm>> -> memref<32x128xf32, #tpu.memory_space<hbm>>
      tpu.enqueue_dma source(%dma_start3A_368 : memref<32x128xf32, #tpu.memory_space<hbm>>) target(%arg14 : memref<32x128xf32, #tpu.memory_space<vmem>>) target_semaphore(%arg30 : memref<!tpu.dma_semaphore, #tpu.memory_space<semaphore_mem>>)
      %shift_right_logical3A_369 = arith.constant 7 : i32
      %shift_right_logical3A_370 = arith.shrui %squeeze3A_359, %shift_right_logical3A_369 : i32
      %mul3A_371 = arith.constant 128 : i32
      %mul3A_372 = arith.muli %shift_right_logical3A_370, %mul3A_371 : i32
      %multiple_of3A_373 = tpu.assume_multiple %mul3A_372, 128 : i32
      %dma_start3A_374 = arith.constant 0 : i32
      %dma_start3A_375 = tpu.memref_slice %arg3[%dma_start3A_374, %multiple_of3A_373] : memref<32x1000000xf32, #tpu.memory_space<hbm>> -> memref<32x128xf32, #tpu.memory_space<hbm>>
      %dma_start3A_376 = arith.constant 0 : i32
      %dma_start3A_377 = tpu.memref_slice %arg3[%dma_start3A_376, %multiple_of3A_373] : memref<32x1000000xf32, #tpu.memory_space<hbm>> -> memref<32x128xf32, #tpu.memory_space<hbm>>
      tpu.enqueue_dma source(%dma_start3A_377 : memref<32x128xf32, #tpu.memory_space<hbm>>) target(%arg18 : memref<32x128xf32, #tpu.memory_space<vmem>>) target_semaphore(%arg34 : memref<!tpu.dma_semaphore, #tpu.memory_space<semaphore_mem>>)
      %dma_wait3A_378 = arith.constant 0 : i32
      %dma_wait3A_379 = arith.constant 0 : i32
      %dma_wait3A_380 = tpu.memref_slice %arg2[%dma_wait3A_378, %dma_wait3A_379] : memref<32x1000000xf32, #tpu.memory_space<hbm>> -> memref<32x128xf32, #tpu.memory_space<hbm>>
      %dma_wait3A_381 = arith.constant 0 : i32
      %dma_wait3A_382 = arith.constant 0 : i32
      %dma_wait3A_383 = tpu.memref_slice %arg2[%dma_wait3A_381, %dma_wait3A_382] : memref<32x1000000xf32, #tpu.memory_space<hbm>> -> memref<32x128xf32, #tpu.memory_space<hbm>>
      tpu.wait_dma2 semaphore(%arg31 : memref<!tpu.dma_semaphore, #tpu.memory_space<semaphore_mem>>) src(%dma_wait3A_383 : memref<32x128xf32, #tpu.memory_space<hbm>>) dst(%arg15 : memref<32x128xf32, #tpu.memory_space<vmem>>)
      %dma_wait3A_384 = arith.constant 0 : i32
      %dma_wait3A_385 = arith.constant 0 : i32
      %dma_wait3A_386 = tpu.memref_slice %arg3[%dma_wait3A_384, %dma_wait3A_385] : memref<32x1000000xf32, #tpu.memory_space<hbm>> -> memref<32x128xf32, #tpu.memory_space<hbm>>
      %dma_wait3A_387 = arith.constant 0 : i32
      %dma_wait3A_388 = arith.constant 0 : i32
      %dma_wait3A_389 = tpu.memref_slice %arg3[%dma_wait3A_387, %dma_wait3A_388] : memref<32x1000000xf32, #tpu.memory_space<hbm>> -> memref<32x128xf32, #tpu.memory_space<hbm>>
      tpu.wait_dma2 semaphore(%arg35 : memref<!tpu.dma_semaphore, #tpu.memory_space<semaphore_mem>>) src(%dma_wait3A_389 : memref<32x128xf32, #tpu.memory_space<hbm>>) dst(%arg19 : memref<32x128xf32, #tpu.memory_space<vmem>>)
      %slice3A_390 = vector.extract_strided_slice %get3A_177 {offsets = [3], sizes = [1], strides = [1]} : vector<16xi32> to vector<1xi32>
      %squeeze3A_391 = vector.extract %slice3A_390[0] : i32 from vector<1xi32>
      %and3A_392 = arith.constant 127 : i32
      %and3A_393 = arith.andi %squeeze3A_391, %and3A_392 : i32
      %broadcast_in_dim3A_394 = vector.broadcast %and3A_393 : i32 to vector<16xi32>
      %slice3A_395 = vector.extract_strided_slice %get3A_179 {offsets = [3], sizes = [1], strides = [1]} : vector<16xi32> to vector<1xi32>
      %squeeze3A_396 = vector.extract %slice3A_395[0] : i32 from vector<1xi32>
      %and3A_397 = arith.constant 127 : i32
      %and3A_398 = arith.andi %squeeze3A_396, %and3A_397 : i32
      %broadcast_in_dim3A_399 = vector.broadcast %and3A_398 : i32 to vector<16xi32>
      %gather3A_400 = tpu.vector_load_idx %arg15[%iota3A, %broadcast_in_dim3A_394] : memref<32x128xf32, #tpu.memory_space<vmem>>[vector<16xi32>, vector<16xi32>], vector<16xf32>,
      %add3A_401 = arith.constant 16 : i32
      %add3A_402 = vector.broadcast %add3A_401 : i32 to vector<16xi32>
      %add3A_403 = arith.addi %iota3A, %add3A_402 : vector<16xi32>
      %gather3A_404 = tpu.vector_load_idx %arg15[%add3A_403, %broadcast_in_dim3A_394] : memref<32x128xf32, #tpu.memory_space<vmem>>[vector<16xi32>, vector<16xi32>], vector<16xf32>,
      %gather3A_405 = tpu.vector_load_idx %arg19[%iota3A, %broadcast_in_dim3A_399] : memref<32x128xf32, #tpu.memory_space<vmem>>[vector<16xi32>, vector<16xi32>], vector<16xf32>,
      %add3A_406 = arith.constant 16 : i32
      %add3A_407 = vector.broadcast %add3A_406 : i32 to vector<16xi32>
      %add3A_408 = arith.addi %iota3A, %add3A_407 : vector<16xi32>
      %gather3A_409 = tpu.vector_load_idx %arg19[%add3A_408, %broadcast_in_dim3A_399] : memref<32x128xf32, #tpu.memory_space<vmem>>[vector<16xi32>, vector<16xi32>], vector<16xf32>,
      %mul3A_410 = arith.mulf %gather3A_400, %gather3A_405 : vector<16xf32>
      %mul3A_411 = arith.mulf %gather3A_404, %gather3A_409 : vector<16xf32>
      %add3A_412 = arith.addf %mul3A_410, %mul3A_411 : vector<16xf32>
      %reduce_sum3A_413 = arith.constant true
      %reduce_sum3A_414 = vector.broadcast %reduce_sum3A_413 : i1 to vector<16xi1>
      %reduce_sum3A_415 = tpu.scan <sum>, %add3A_412 masked %reduce_sum3A_414 : vector<16xf32>, vector<16xi1> -> vector<16xf32>
      %reduce_sum3A_416 = vector.extract %reduce_sum3A_415[15] : f32 from vector<16xf32>
      %eq3A_417 = arith.constant 3 : i32
      %eq3A_418 = vector.broadcast %eq3A_417 : i32 to vector<16xi32>
      %eq3A_419 = arith.cmpi eq, %iota3A, %eq3A_418 : vector<16xi32>
      %broadcast_in_dim3A_420 = vector.broadcast %reduce_sum3A_416 : f32 to vector<16xf32>
      %select_n3A_421 = arith.select %eq3A_419, %broadcast_in_dim3A_420, %select_n3A_355 : vector<16xi1>, vector<16xf32>
      %slice3A_422 = vector.extract_strided_slice %get3A_177 {offsets = [7], sizes = [1], strides = [1]} : vector<16xi32> to vector<1xi32>
      %squeeze3A_423 = vector.extract %slice3A_422[0] : i32 from vector<1xi32>
      %slice3A_424 = vector.extract_strided_slice %get3A_179 {offsets = [7], sizes = [1], strides = [1]} : vector<16xi32> to vector<1xi32>
      %squeeze3A_425 = vector.extract %slice3A_424[0] : i32 from vector<1xi32>
      %shift_right_logical3A_426 = arith.constant 7 : i32
      %shift_right_logical3A_427 = arith.shrui %squeeze3A_423, %shift_right_logical3A_426 : i32
      %mul3A_428 = arith.constant 128 : i32
      %mul3A_429 = arith.muli %shift_right_logical3A_427, %mul3A_428 : i32
      %multiple_of3A_430 = tpu.assume_multiple %mul3A_429, 128 : i32
      %dma_start3A_431 = arith.constant 0 : i32
      %dma_start3A_432 = tpu.memref_slice %arg2[%dma_start3A_431, %multiple_of3A_430] : memref<32x1000000xf32, #tpu.memory_space<hbm>> -> memref<32x128xf32, #tpu.memory_space<hbm>>
      %dma_start3A_433 = arith.constant 0 : i32
      %dma_start3A_434 = tpu.memref_slice %arg2[%dma_start3A_433, %multiple_of3A_430] : memref<32x1000000xf32, #tpu.memory_space<hbm>> -> memref<32x128xf32, #tpu.memory_space<hbm>>
      tpu.enqueue_dma source(%dma_start3A_434 : memref<32x128xf32, #tpu.memory_space<hbm>>) target(%arg15 : memref<32x128xf32, #tpu.memory_space<vmem>>) target_semaphore(%arg31 : memref<!tpu.dma_semaphore, #tpu.memory_space<semaphore_mem>>)
      %shift_right_logical3A_435 = arith.constant 7 : i32
      %shift_right_logical3A_436 = arith.shrui %squeeze3A_425, %shift_right_logical3A_435 : i32
      %mul3A_437 = arith.constant 128 : i32
      %mul3A_438 = arith.muli %shift_right_logical3A_436, %mul3A_437 : i32
      %multiple_of3A_439 = tpu.assume_multiple %mul3A_438, 128 : i32
      %dma_start3A_440 = arith.constant 0 : i32
      %dma_start3A_441 = tpu.memref_slice %arg3[%dma_start3A_440, %multiple_of3A_439] : memref<32x1000000xf32, #tpu.memory_space<hbm>> -> memref<32x128xf32, #tpu.memory_space<hbm>>
      %dma_start3A_442 = arith.constant 0 : i32
      %dma_start3A_443 = tpu.memref_slice %arg3[%dma_start3A_442, %multiple_of3A_439] : memref<32x1000000xf32, #tpu.memory_space<hbm>> -> memref<32x128xf32, #tpu.memory_space<hbm>>
      tpu.enqueue_dma source(%dma_start3A_443 : memref<32x128xf32, #tpu.memory_space<hbm>>) target(%arg19 : memref<32x128xf32, #tpu.memory_space<vmem>>) target_semaphore(%arg35 : memref<!tpu.dma_semaphore, #tpu.memory_space<semaphore_mem>>)
      %dma_wait3A_444 = arith.constant 0 : i32
      %dma_wait3A_445 = arith.constant 0 : i32
      %dma_wait3A_446 = tpu.memref_slice %arg2[%dma_wait3A_444, %dma_wait3A_445] : memref<32x1000000xf32, #tpu.memory_space<hbm>> -> memref<32x128xf32, #tpu.memory_space<hbm>>
      %dma_wait3A_447 = arith.constant 0 : i32
      %dma_wait3A_448 = arith.constant 0 : i32
      %dma_wait3A_449 = tpu.memref_slice %arg2[%dma_wait3A_447, %dma_wait3A_448] : memref<32x1000000xf32, #tpu.memory_space<hbm>> -> memref<32x128xf32, #tpu.memory_space<hbm>>
      tpu.wait_dma2 semaphore(%arg28 : memref<!tpu.dma_semaphore, #tpu.memory_space<semaphore_mem>>) src(%dma_wait3A_449 : memref<32x128xf32, #tpu.memory_space<hbm>>) dst(%arg12 : memref<32x128xf32, #tpu.memory_space<vmem>>)
      %dma_wait3A_450 = arith.constant 0 : i32
      %dma_wait3A_451 = arith.constant 0 : i32
      %dma_wait3A_452 = tpu.memref_slice %arg3[%dma_wait3A_450, %dma_wait3A_451] : memref<32x1000000xf32, #tpu.memory_space<hbm>> -> memref<32x128xf32, #tpu.memory_space<hbm>>
      %dma_wait3A_453 = arith.constant 0 : i32
      %dma_wait3A_454 = arith.constant 0 : i32
      %dma_wait3A_455 = tpu.memref_slice %arg3[%dma_wait3A_453, %dma_wait3A_454] : memref<32x1000000xf32, #tpu.memory_space<hbm>> -> memref<32x128xf32, #tpu.memory_space<hbm>>
      tpu.wait_dma2 semaphore(%arg32 : memref<!tpu.dma_semaphore, #tpu.memory_space<semaphore_mem>>) src(%dma_wait3A_455 : memref<32x128xf32, #tpu.memory_space<hbm>>) dst(%arg16 : memref<32x128xf32, #tpu.memory_space<vmem>>)
      %slice3A_456 = vector.extract_strided_slice %get3A_177 {offsets = [4], sizes = [1], strides = [1]} : vector<16xi32> to vector<1xi32>
      %squeeze3A_457 = vector.extract %slice3A_456[0] : i32 from vector<1xi32>
      %and3A_458 = arith.constant 127 : i32
      %and3A_459 = arith.andi %squeeze3A_457, %and3A_458 : i32
      %broadcast_in_dim3A_460 = vector.broadcast %and3A_459 : i32 to vector<16xi32>
      %slice3A_461 = vector.extract_strided_slice %get3A_179 {offsets = [4], sizes = [1], strides = [1]} : vector<16xi32> to vector<1xi32>
      %squeeze3A_462 = vector.extract %slice3A_461[0] : i32 from vector<1xi32>
      %and3A_463 = arith.constant 127 : i32
      %and3A_464 = arith.andi %squeeze3A_462, %and3A_463 : i32
      %broadcast_in_dim3A_465 = vector.broadcast %and3A_464 : i32 to vector<16xi32>
      %gather3A_466 = tpu.vector_load_idx %arg12[%iota3A, %broadcast_in_dim3A_460] : memref<32x128xf32, #tpu.memory_space<vmem>>[vector<16xi32>, vector<16xi32>], vector<16xf32>,
      %add3A_467 = arith.constant 16 : i32
      %add3A_468 = vector.broadcast %add3A_467 : i32 to vector<16xi32>
      %add3A_469 = arith.addi %iota3A, %add3A_468 : vector<16xi32>
      %gather3A_470 = tpu.vector_load_idx %arg12[%add3A_469, %broadcast_in_dim3A_460] : memref<32x128xf32, #tpu.memory_space<vmem>>[vector<16xi32>, vector<16xi32>], vector<16xf32>,
      %gather3A_471 = tpu.vector_load_idx %arg16[%iota3A, %broadcast_in_dim3A_465] : memref<32x128xf32, #tpu.memory_space<vmem>>[vector<16xi32>, vector<16xi32>], vector<16xf32>,
      %add3A_472 = arith.constant 16 : i32
      %add3A_473 = vector.broadcast %add3A_472 : i32 to vector<16xi32>
      %add3A_474 = arith.addi %iota3A, %add3A_473 : vector<16xi32>
      %gather3A_475 = tpu.vector_load_idx %arg16[%add3A_474, %broadcast_in_dim3A_465] : memref<32x128xf32, #tpu.memory_space<vmem>>[vector<16xi32>, vector<16xi32>], vector<16xf32>,
      %mul3A_476 = arith.mulf %gather3A_466, %gather3A_471 : vector<16xf32>
      %mul3A_477 = arith.mulf %gather3A_470, %gather3A_475 : vector<16xf32>
      %add3A_478 = arith.addf %mul3A_476, %mul3A_477 : vector<16xf32>
      %reduce_sum3A_479 = arith.constant true
      %reduce_sum3A_480 = vector.broadcast %reduce_sum3A_479 : i1 to vector<16xi1>
      %reduce_sum3A_481 = tpu.scan <sum>, %add3A_478 masked %reduce_sum3A_480 : vector<16xf32>, vector<16xi1> -> vector<16xf32>
      %reduce_sum3A_482 = vector.extract %reduce_sum3A_481[15] : f32 from vector<16xf32>
      %eq3A_483 = arith.constant 4 : i32
      %eq3A_484 = vector.broadcast %eq3A_483 : i32 to vector<16xi32>
      %eq3A_485 = arith.cmpi eq, %iota3A, %eq3A_484 : vector<16xi32>
      %broadcast_in_dim3A_486 = vector.broadcast %reduce_sum3A_482 : f32 to vector<16xf32>
      %select_n3A_487 = arith.select %eq3A_485, %broadcast_in_dim3A_486, %select_n3A_421 : vector<16xi1>, vector<16xf32>
      %slice3A_488 = vector.extract_strided_slice %get3A_177 {offsets = [8], sizes = [1], strides = [1]} : vector<16xi32> to vector<1xi32>
      %squeeze3A_489 = vector.extract %slice3A_488[0] : i32 from vector<1xi32>
      %slice3A_490 = vector.extract_strided_slice %get3A_179 {offsets = [8], sizes = [1], strides = [1]} : vector<16xi32> to vector<1xi32>
      %squeeze3A_491 = vector.extract %slice3A_490[0] : i32 from vector<1xi32>
      %shift_right_logical3A_492 = arith.constant 7 : i32
      %shift_right_logical3A_493 = arith.shrui %squeeze3A_489, %shift_right_logical3A_492 : i32
      %mul3A_494 = arith.constant 128 : i32
      %mul3A_495 = arith.muli %shift_right_logical3A_493, %mul3A_494 : i32
      %multiple_of3A_496 = tpu.assume_multiple %mul3A_495, 128 : i32
      %dma_start3A_497 = arith.constant 0 : i32
      %dma_start3A_498 = tpu.memref_slice %arg2[%dma_start3A_497, %multiple_of3A_496] : memref<32x1000000xf32, #tpu.memory_space<hbm>> -> memref<32x128xf32, #tpu.memory_space<hbm>>
      %dma_start3A_499 = arith.constant 0 : i32
      %dma_start3A_500 = tpu.memref_slice %arg2[%dma_start3A_499, %multiple_of3A_496] : memref<32x1000000xf32, #tpu.memory_space<hbm>> -> memref<32x128xf32, #tpu.memory_space<hbm>>
      tpu.enqueue_dma source(%dma_start3A_500 : memref<32x128xf32, #tpu.memory_space<hbm>>) target(%arg12 : memref<32x128xf32, #tpu.memory_space<vmem>>) target_semaphore(%arg28 : memref<!tpu.dma_semaphore, #tpu.memory_space<semaphore_mem>>)
      %shift_right_logical3A_501 = arith.constant 7 : i32
      %shift_right_logical3A_502 = arith.shrui %squeeze3A_491, %shift_right_logical3A_501 : i32
      %mul3A_503 = arith.constant 128 : i32
      %mul3A_504 = arith.muli %shift_right_logical3A_502, %mul3A_503 : i32
      %multiple_of3A_505 = tpu.assume_multiple %mul3A_504, 128 : i32
      %dma_start3A_506 = arith.constant 0 : i32
      %dma_start3A_507 = tpu.memref_slice %arg3[%dma_start3A_506, %multiple_of3A_505] : memref<32x1000000xf32, #tpu.memory_space<hbm>> -> memref<32x128xf32, #tpu.memory_space<hbm>>
      %dma_start3A_508 = arith.constant 0 : i32
      %dma_start3A_509 = tpu.memref_slice %arg3[%dma_start3A_508, %multiple_of3A_505] : memref<32x1000000xf32, #tpu.memory_space<hbm>> -> memref<32x128xf32, #tpu.memory_space<hbm>>
      tpu.enqueue_dma source(%dma_start3A_509 : memref<32x128xf32, #tpu.memory_space<hbm>>) target(%arg16 : memref<32x128xf32, #tpu.memory_space<vmem>>) target_semaphore(%arg32 : memref<!tpu.dma_semaphore, #tpu.memory_space<semaphore_mem>>)
      %dma_wait3A_510 = arith.constant 0 : i32
      %dma_wait3A_511 = arith.constant 0 : i32
      %dma_wait3A_512 = tpu.memref_slice %arg2[%dma_wait3A_510, %dma_wait3A_511] : memref<32x1000000xf32, #tpu.memory_space<hbm>> -> memref<32x128xf32, #tpu.memory_space<hbm>>
      %dma_wait3A_513 = arith.constant 0 : i32
      %dma_wait3A_514 = arith.constant 0 : i32
      %dma_wait3A_515 = tpu.memref_slice %arg2[%dma_wait3A_513, %dma_wait3A_514] : memref<32x1000000xf32, #tpu.memory_space<hbm>> -> memref<32x128xf32, #tpu.memory_space<hbm>>
      tpu.wait_dma2 semaphore(%arg29 : memref<!tpu.dma_semaphore, #tpu.memory_space<semaphore_mem>>) src(%dma_wait3A_515 : memref<32x128xf32, #tpu.memory_space<hbm>>) dst(%arg13 : memref<32x128xf32, #tpu.memory_space<vmem>>)
      %dma_wait3A_516 = arith.constant 0 : i32
      %dma_wait3A_517 = arith.constant 0 : i32
      %dma_wait3A_518 = tpu.memref_slice %arg3[%dma_wait3A_516, %dma_wait3A_517] : memref<32x1000000xf32, #tpu.memory_space<hbm>> -> memref<32x128xf32, #tpu.memory_space<hbm>>
      %dma_wait3A_519 = arith.constant 0 : i32
      %dma_wait3A_520 = arith.constant 0 : i32
      %dma_wait3A_521 = tpu.memref_slice %arg3[%dma_wait3A_519, %dma_wait3A_520] : memref<32x1000000xf32, #tpu.memory_space<hbm>> -> memref<32x128xf32, #tpu.memory_space<hbm>>
      tpu.wait_dma2 semaphore(%arg33 : memref<!tpu.dma_semaphore, #tpu.memory_space<semaphore_mem>>) src(%dma_wait3A_521 : memref<32x128xf32, #tpu.memory_space<hbm>>) dst(%arg17 : memref<32x128xf32, #tpu.memory_space<vmem>>)
      %slice3A_522 = vector.extract_strided_slice %get3A_177 {offsets = [5], sizes = [1], strides = [1]} : vector<16xi32> to vector<1xi32>
      %squeeze3A_523 = vector.extract %slice3A_522[0] : i32 from vector<1xi32>
      %and3A_524 = arith.constant 127 : i32
      %and3A_525 = arith.andi %squeeze3A_523, %and3A_524 : i32
      %broadcast_in_dim3A_526 = vector.broadcast %and3A_525 : i32 to vector<16xi32>
      %slice3A_527 = vector.extract_strided_slice %get3A_179 {offsets = [5], sizes = [1], strides = [1]} : vector<16xi32> to vector<1xi32>
      %squeeze3A_528 = vector.extract %slice3A_527[0] : i32 from vector<1xi32>
      %and3A_529 = arith.constant 127 : i32
      %and3A_530 = arith.andi %squeeze3A_528, %and3A_529 : i32
      %broadcast_in_dim3A_531 = vector.broadcast %and3A_530 : i32 to vector<16xi32>
      %gather3A_532 = tpu.vector_load_idx %arg13[%iota3A, %broadcast_in_dim3A_526] : memref<32x128xf32, #tpu.memory_space<vmem>>[vector<16xi32>, vector<16xi32>], vector<16xf32>,
      %add3A_533 = arith.constant 16 : i32
      %add3A_534 = vector.broadcast %add3A_533 : i32 to vector<16xi32>
      %add3A_535 = arith.addi %iota3A, %add3A_534 : vector<16xi32>
      %gather3A_536 = tpu.vector_load_idx %arg13[%add3A_535, %broadcast_in_dim3A_526] : memref<32x128xf32, #tpu.memory_space<vmem>>[vector<16xi32>, vector<16xi32>], vector<16xf32>,
      %gather3A_537 = tpu.vector_load_idx %arg17[%iota3A, %broadcast_in_dim3A_531] : memref<32x128xf32, #tpu.memory_space<vmem>>[vector<16xi32>, vector<16xi32>], vector<16xf32>,
      %add3A_538 = arith.constant 16 : i32
      %add3A_539 = vector.broadcast %add3A_538 : i32 to vector<16xi32>
      %add3A_540 = arith.addi %iota3A, %add3A_539 : vector<16xi32>
      %gather3A_541 = tpu.vector_load_idx %arg17[%add3A_540, %broadcast_in_dim3A_531] : memref<32x128xf32, #tpu.memory_space<vmem>>[vector<16xi32>, vector<16xi32>], vector<16xf32>,
      %mul3A_542 = arith.mulf %gather3A_532, %gather3A_537 : vector<16xf32>
      %mul3A_543 = arith.mulf %gather3A_536, %gather3A_541 : vector<16xf32>
      %add3A_544 = arith.addf %mul3A_542, %mul3A_543 : vector<16xf32>
      %reduce_sum3A_545 = arith.constant true
      %reduce_sum3A_546 = vector.broadcast %reduce_sum3A_545 : i1 to vector<16xi1>
      %reduce_sum3A_547 = tpu.scan <sum>, %add3A_544 masked %reduce_sum3A_546 : vector<16xf32>, vector<16xi1> -> vector<16xf32>
      %reduce_sum3A_548 = vector.extract %reduce_sum3A_547[15] : f32 from vector<16xf32>
      %eq3A_549 = arith.constant 5 : i32
      %eq3A_550 = vector.broadcast %eq3A_549 : i32 to vector<16xi32>
      %eq3A_551 = arith.cmpi eq, %iota3A, %eq3A_550 : vector<16xi32>
      %broadcast_in_dim3A_552 = vector.broadcast %reduce_sum3A_548 : f32 to vector<16xf32>
      %select_n3A_553 = arith.select %eq3A_551, %broadcast_in_dim3A_552, %select_n3A_487 : vector<16xi1>, vector<16xf32>
      %slice3A_554 = vector.extract_strided_slice %get3A_177 {offsets = [9], sizes = [1], strides = [1]} : vector<16xi32> to vector<1xi32>
      %squeeze3A_555 = vector.extract %slice3A_554[0] : i32 from vector<1xi32>
      %slice3A_556 = vector.extract_strided_slice %get3A_179 {offsets = [9], sizes = [1], strides = [1]} : vector<16xi32> to vector<1xi32>
      %squeeze3A_557 = vector.extract %slice3A_556[0] : i32 from vector<1xi32>
      %shift_right_logical3A_558 = arith.constant 7 : i32
      %shift_right_logical3A_559 = arith.shrui %squeeze3A_555, %shift_right_logical3A_558 : i32
      %mul3A_560 = arith.constant 128 : i32
      %mul3A_561 = arith.muli %shift_right_logical3A_559, %mul3A_560 : i32
      %multiple_of3A_562 = tpu.assume_multiple %mul3A_561, 128 : i32
      %dma_start3A_563 = arith.constant 0 : i32
      %dma_start3A_564 = tpu.memref_slice %arg2[%dma_start3A_563, %multiple_of3A_562] : memref<32x1000000xf32, #tpu.memory_space<hbm>> -> memref<32x128xf32, #tpu.memory_space<hbm>>
      %dma_start3A_565 = arith.constant 0 : i32
      %dma_start3A_566 = tpu.memref_slice %arg2[%dma_start3A_565, %multiple_of3A_562] : memref<32x1000000xf32, #tpu.memory_space<hbm>> -> memref<32x128xf32, #tpu.memory_space<hbm>>
      tpu.enqueue_dma source(%dma_start3A_566 : memref<32x128xf32, #tpu.memory_space<hbm>>) target(%arg13 : memref<32x128xf32, #tpu.memory_space<vmem>>) target_semaphore(%arg29 : memref<!tpu.dma_semaphore, #tpu.memory_space<semaphore_mem>>)
      %shift_right_logical3A_567 = arith.constant 7 : i32
      %shift_right_logical3A_568 = arith.shrui %squeeze3A_557, %shift_right_logical3A_567 : i32
      %mul3A_569 = arith.constant 128 : i32
      %mul3A_570 = arith.muli %shift_right_logical3A_568, %mul3A_569 : i32
      %multiple_of3A_571 = tpu.assume_multiple %mul3A_570, 128 : i32
      %dma_start3A_572 = arith.constant 0 : i32
      %dma_start3A_573 = tpu.memref_slice %arg3[%dma_start3A_572, %multiple_of3A_571] : memref<32x1000000xf32, #tpu.memory_space<hbm>> -> memref<32x128xf32, #tpu.memory_space<hbm>>
      %dma_start3A_574 = arith.constant 0 : i32
      %dma_start3A_575 = tpu.memref_slice %arg3[%dma_start3A_574, %multiple_of3A_571] : memref<32x1000000xf32, #tpu.memory_space<hbm>> -> memref<32x128xf32, #tpu.memory_space<hbm>>
      tpu.enqueue_dma source(%dma_start3A_575 : memref<32x128xf32, #tpu.memory_space<hbm>>) target(%arg17 : memref<32x128xf32, #tpu.memory_space<vmem>>) target_semaphore(%arg33 : memref<!tpu.dma_semaphore, #tpu.memory_space<semaphore_mem>>)
      %dma_wait3A_576 = arith.constant 0 : i32
      %dma_wait3A_577 = arith.constant 0 : i32
      %dma_wait3A_578 = tpu.memref_slice %arg2[%dma_wait3A_576, %dma_wait3A_577] : memref<32x1000000xf32, #tpu.memory_space<hbm>> -> memref<32x128xf32, #tpu.memory_space<hbm>>
      %dma_wait3A_579 = arith.constant 0 : i32
      %dma_wait3A_580 = arith.constant 0 : i32
      %dma_wait3A_581 = tpu.memref_slice %arg2[%dma_wait3A_579, %dma_wait3A_580] : memref<32x1000000xf32, #tpu.memory_space<hbm>> -> memref<32x128xf32, #tpu.memory_space<hbm>>
      tpu.wait_dma2 semaphore(%arg30 : memref<!tpu.dma_semaphore, #tpu.memory_space<semaphore_mem>>) src(%dma_wait3A_581 : memref<32x128xf32, #tpu.memory_space<hbm>>) dst(%arg14 : memref<32x128xf32, #tpu.memory_space<vmem>>)
      %dma_wait3A_582 = arith.constant 0 : i32
      %dma_wait3A_583 = arith.constant 0 : i32
      %dma_wait3A_584 = tpu.memref_slice %arg3[%dma_wait3A_582, %dma_wait3A_583] : memref<32x1000000xf32, #tpu.memory_space<hbm>> -> memref<32x128xf32, #tpu.memory_space<hbm>>
      %dma_wait3A_585 = arith.constant 0 : i32
      %dma_wait3A_586 = arith.constant 0 : i32
      %dma_wait3A_587 = tpu.memref_slice %arg3[%dma_wait3A_585, %dma_wait3A_586] : memref<32x1000000xf32, #tpu.memory_space<hbm>> -> memref<32x128xf32, #tpu.memory_space<hbm>>
      tpu.wait_dma2 semaphore(%arg34 : memref<!tpu.dma_semaphore, #tpu.memory_space<semaphore_mem>>) src(%dma_wait3A_587 : memref<32x128xf32, #tpu.memory_space<hbm>>) dst(%arg18 : memref<32x128xf32, #tpu.memory_space<vmem>>)
      %slice3A_588 = vector.extract_strided_slice %get3A_177 {offsets = [6], sizes = [1], strides = [1]} : vector<16xi32> to vector<1xi32>
      %squeeze3A_589 = vector.extract %slice3A_588[0] : i32 from vector<1xi32>
      %and3A_590 = arith.constant 127 : i32
      %and3A_591 = arith.andi %squeeze3A_589, %and3A_590 : i32
      %broadcast_in_dim3A_592 = vector.broadcast %and3A_591 : i32 to vector<16xi32>
      %slice3A_593 = vector.extract_strided_slice %get3A_179 {offsets = [6], sizes = [1], strides = [1]} : vector<16xi32> to vector<1xi32>
      %squeeze3A_594 = vector.extract %slice3A_593[0] : i32 from vector<1xi32>
      %and3A_595 = arith.constant 127 : i32
      %and3A_596 = arith.andi %squeeze3A_594, %and3A_595 : i32
      %broadcast_in_dim3A_597 = vector.broadcast %and3A_596 : i32 to vector<16xi32>
      %gather3A_598 = tpu.vector_load_idx %arg14[%iota3A, %broadcast_in_dim3A_592] : memref<32x128xf32, #tpu.memory_space<vmem>>[vector<16xi32>, vector<16xi32>], vector<16xf32>,
      %add3A_599 = arith.constant 16 : i32
      %add3A_600 = vector.broadcast %add3A_599 : i32 to vector<16xi32>
      %add3A_601 = arith.addi %iota3A, %add3A_600 : vector<16xi32>
      %gather3A_602 = tpu.vector_load_idx %arg14[%add3A_601, %broadcast_in_dim3A_592] : memref<32x128xf32, #tpu.memory_space<vmem>>[vector<16xi32>, vector<16xi32>], vector<16xf32>,
      %gather3A_603 = tpu.vector_load_idx %arg18[%iota3A, %broadcast_in_dim3A_597] : memref<32x128xf32, #tpu.memory_space<vmem>>[vector<16xi32>, vector<16xi32>], vector<16xf32>,
      %add3A_604 = arith.constant 16 : i32
      %add3A_605 = vector.broadcast %add3A_604 : i32 to vector<16xi32>
      %add3A_606 = arith.addi %iota3A, %add3A_605 : vector<16xi32>
      %gather3A_607 = tpu.vector_load_idx %arg18[%add3A_606, %broadcast_in_dim3A_597] : memref<32x128xf32, #tpu.memory_space<vmem>>[vector<16xi32>, vector<16xi32>], vector<16xf32>,
      %mul3A_608 = arith.mulf %gather3A_598, %gather3A_603 : vector<16xf32>
      %mul3A_609 = arith.mulf %gather3A_602, %gather3A_607 : vector<16xf32>
      %add3A_610 = arith.addf %mul3A_608, %mul3A_609 : vector<16xf32>
      %reduce_sum3A_611 = arith.constant true
      %reduce_sum3A_612 = vector.broadcast %reduce_sum3A_611 : i1 to vector<16xi1>
      %reduce_sum3A_613 = tpu.scan <sum>, %add3A_610 masked %reduce_sum3A_612 : vector<16xf32>, vector<16xi1> -> vector<16xf32>
      %reduce_sum3A_614 = vector.extract %reduce_sum3A_613[15] : f32 from vector<16xf32>
      %eq3A_615 = arith.constant 6 : i32
      %eq3A_616 = vector.broadcast %eq3A_615 : i32 to vector<16xi32>
      %eq3A_617 = arith.cmpi eq, %iota3A, %eq3A_616 : vector<16xi32>
      %broadcast_in_dim3A_618 = vector.broadcast %reduce_sum3A_614 : f32 to vector<16xf32>
      %select_n3A_619 = arith.select %eq3A_617, %broadcast_in_dim3A_618, %select_n3A_553 : vector<16xi1>, vector<16xf32>
      %slice3A_620 = vector.extract_strided_slice %get3A_177 {offsets = [10], sizes = [1], strides = [1]} : vector<16xi32> to vector<1xi32>
      %squeeze3A_621 = vector.extract %slice3A_620[0] : i32 from vector<1xi32>
      %slice3A_622 = vector.extract_strided_slice %get3A_179 {offsets = [10], sizes = [1], strides = [1]} : vector<16xi32> to vector<1xi32>
      %squeeze3A_623 = vector.extract %slice3A_622[0] : i32 from vector<1xi32>
      %shift_right_logical3A_624 = arith.constant 7 : i32
      %shift_right_logical3A_625 = arith.shrui %squeeze3A_621, %shift_right_logical3A_624 : i32
      %mul3A_626 = arith.constant 128 : i32
      %mul3A_627 = arith.muli %shift_right_logical3A_625, %mul3A_626 : i32
      %multiple_of3A_628 = tpu.assume_multiple %mul3A_627, 128 : i32
      %dma_start3A_629 = arith.constant 0 : i32
      %dma_start3A_630 = tpu.memref_slice %arg2[%dma_start3A_629, %multiple_of3A_628] : memref<32x1000000xf32, #tpu.memory_space<hbm>> -> memref<32x128xf32, #tpu.memory_space<hbm>>
      %dma_start3A_631 = arith.constant 0 : i32
      %dma_start3A_632 = tpu.memref_slice %arg2[%dma_start3A_631, %multiple_of3A_628] : memref<32x1000000xf32, #tpu.memory_space<hbm>> -> memref<32x128xf32, #tpu.memory_space<hbm>>
      tpu.enqueue_dma source(%dma_start3A_632 : memref<32x128xf32, #tpu.memory_space<hbm>>) target(%arg14 : memref<32x128xf32, #tpu.memory_space<vmem>>) target_semaphore(%arg30 : memref<!tpu.dma_semaphore, #tpu.memory_space<semaphore_mem>>)
      %shift_right_logical3A_633 = arith.constant 7 : i32
      %shift_right_logical3A_634 = arith.shrui %squeeze3A_623, %shift_right_logical3A_633 : i32
      %mul3A_635 = arith.constant 128 : i32
      %mul3A_636 = arith.muli %shift_right_logical3A_634, %mul3A_635 : i32
      %multiple_of3A_637 = tpu.assume_multiple %mul3A_636, 128 : i32
      %dma_start3A_638 = arith.constant 0 : i32
      %dma_start3A_639 = tpu.memref_slice %arg3[%dma_start3A_638, %multiple_of3A_637] : memref<32x1000000xf32, #tpu.memory_space<hbm>> -> memref<32x128xf32, #tpu.memory_space<hbm>>
      %dma_start3A_640 = arith.constant 0 : i32
      %dma_start3A_641 = tpu.memref_slice %arg3[%dma_start3A_640, %multiple_of3A_637] : memref<32x1000000xf32, #tpu.memory_space<hbm>> -> memref<32x128xf32, #tpu.memory_space<hbm>>
      tpu.enqueue_dma source(%dma_start3A_641 : memref<32x128xf32, #tpu.memory_space<hbm>>) target(%arg18 : memref<32x128xf32, #tpu.memory_space<vmem>>) target_semaphore(%arg34 : memref<!tpu.dma_semaphore, #tpu.memory_space<semaphore_mem>>)
      %dma_wait3A_642 = arith.constant 0 : i32
      %dma_wait3A_643 = arith.constant 0 : i32
      %dma_wait3A_644 = tpu.memref_slice %arg2[%dma_wait3A_642, %dma_wait3A_643] : memref<32x1000000xf32, #tpu.memory_space<hbm>> -> memref<32x128xf32, #tpu.memory_space<hbm>>
      %dma_wait3A_645 = arith.constant 0 : i32
      %dma_wait3A_646 = arith.constant 0 : i32
      %dma_wait3A_647 = tpu.memref_slice %arg2[%dma_wait3A_645, %dma_wait3A_646] : memref<32x1000000xf32, #tpu.memory_space<hbm>> -> memref<32x128xf32, #tpu.memory_space<hbm>>
      tpu.wait_dma2 semaphore(%arg31 : memref<!tpu.dma_semaphore, #tpu.memory_space<semaphore_mem>>) src(%dma_wait3A_647 : memref<32x128xf32, #tpu.memory_space<hbm>>) dst(%arg15 : memref<32x128xf32, #tpu.memory_space<vmem>>)
      %dma_wait3A_648 = arith.constant 0 : i32
      %dma_wait3A_649 = arith.constant 0 : i32
      %dma_wait3A_650 = tpu.memref_slice %arg3[%dma_wait3A_648, %dma_wait3A_649] : memref<32x1000000xf32, #tpu.memory_space<hbm>> -> memref<32x128xf32, #tpu.memory_space<hbm>>
      %dma_wait3A_651 = arith.constant 0 : i32
      %dma_wait3A_652 = arith.constant 0 : i32
      %dma_wait3A_653 = tpu.memref_slice %arg3[%dma_wait3A_651, %dma_wait3A_652] : memref<32x1000000xf32, #tpu.memory_space<hbm>> -> memref<32x128xf32, #tpu.memory_space<hbm>>
      tpu.wait_dma2 semaphore(%arg35 : memref<!tpu.dma_semaphore, #tpu.memory_space<semaphore_mem>>) src(%dma_wait3A_653 : memref<32x128xf32, #tpu.memory_space<hbm>>) dst(%arg19 : memref<32x128xf32, #tpu.memory_space<vmem>>)
      %slice3A_654 = vector.extract_strided_slice %get3A_177 {offsets = [7], sizes = [1], strides = [1]} : vector<16xi32> to vector<1xi32>
      %squeeze3A_655 = vector.extract %slice3A_654[0] : i32 from vector<1xi32>
      %and3A_656 = arith.constant 127 : i32
      %and3A_657 = arith.andi %squeeze3A_655, %and3A_656 : i32
      %broadcast_in_dim3A_658 = vector.broadcast %and3A_657 : i32 to vector<16xi32>
      %slice3A_659 = vector.extract_strided_slice %get3A_179 {offsets = [7], sizes = [1], strides = [1]} : vector<16xi32> to vector<1xi32>
      %squeeze3A_660 = vector.extract %slice3A_659[0] : i32 from vector<1xi32>
      %and3A_661 = arith.constant 127 : i32
      %and3A_662 = arith.andi %squeeze3A_660, %and3A_661 : i32
      %broadcast_in_dim3A_663 = vector.broadcast %and3A_662 : i32 to vector<16xi32>
      %gather3A_664 = tpu.vector_load_idx %arg15[%iota3A, %broadcast_in_dim3A_658] : memref<32x128xf32, #tpu.memory_space<vmem>>[vector<16xi32>, vector<16xi32>], vector<16xf32>,
      %add3A_665 = arith.constant 16 : i32
      %add3A_666 = vector.broadcast %add3A_665 : i32 to vector<16xi32>
      %add3A_667 = arith.addi %iota3A, %add3A_666 : vector<16xi32>
      %gather3A_668 = tpu.vector_load_idx %arg15[%add3A_667, %broadcast_in_dim3A_658] : memref<32x128xf32, #tpu.memory_space<vmem>>[vector<16xi32>, vector<16xi32>], vector<16xf32>,
      %gather3A_669 = tpu.vector_load_idx %arg19[%iota3A, %broadcast_in_dim3A_663] : memref<32x128xf32, #tpu.memory_space<vmem>>[vector<16xi32>, vector<16xi32>], vector<16xf32>,
      %add3A_670 = arith.constant 16 : i32
      %add3A_671 = vector.broadcast %add3A_670 : i32 to vector<16xi32>
      %add3A_672 = arith.addi %iota3A, %add3A_671 : vector<16xi32>
      %gather3A_673 = tpu.vector_load_idx %arg19[%add3A_672, %broadcast_in_dim3A_663] : memref<32x128xf32, #tpu.memory_space<vmem>>[vector<16xi32>, vector<16xi32>], vector<16xf32>,
      %mul3A_674 = arith.mulf %gather3A_664, %gather3A_669 : vector<16xf32>
      %mul3A_675 = arith.mulf %gather3A_668, %gather3A_673 : vector<16xf32>
      %add3A_676 = arith.addf %mul3A_674, %mul3A_675 : vector<16xf32>
      %reduce_sum3A_677 = arith.constant true
      %reduce_sum3A_678 = vector.broadcast %reduce_sum3A_677 : i1 to vector<16xi1>
      %reduce_sum3A_679 = tpu.scan <sum>, %add3A_676 masked %reduce_sum3A_678 : vector<16xf32>, vector<16xi1> -> vector<16xf32>
      %reduce_sum3A_680 = vector.extract %reduce_sum3A_679[15] : f32 from vector<16xf32>
      %eq3A_681 = arith.constant 7 : i32
      %eq3A_682 = vector.broadcast %eq3A_681 : i32 to vector<16xi32>
      %eq3A_683 = arith.cmpi eq, %iota3A, %eq3A_682 : vector<16xi32>
      %broadcast_in_dim3A_684 = vector.broadcast %reduce_sum3A_680 : f32 to vector<16xf32>
      %select_n3A_685 = arith.select %eq3A_683, %broadcast_in_dim3A_684, %select_n3A_619 : vector<16xi1>, vector<16xf32>
      %slice3A_686 = vector.extract_strided_slice %get3A_177 {offsets = [11], sizes = [1], strides = [1]} : vector<16xi32> to vector<1xi32>
      %squeeze3A_687 = vector.extract %slice3A_686[0] : i32 from vector<1xi32>
      %slice3A_688 = vector.extract_strided_slice %get3A_179 {offsets = [11], sizes = [1], strides = [1]} : vector<16xi32> to vector<1xi32>
      %squeeze3A_689 = vector.extract %slice3A_688[0] : i32 from vector<1xi32>
      %shift_right_logical3A_690 = arith.constant 7 : i32
      %shift_right_logical3A_691 = arith.shrui %squeeze3A_687, %shift_right_logical3A_690 : i32
      %mul3A_692 = arith.constant 128 : i32
      %mul3A_693 = arith.muli %shift_right_logical3A_691, %mul3A_692 : i32
      %multiple_of3A_694 = tpu.assume_multiple %mul3A_693, 128 : i32
      %dma_start3A_695 = arith.constant 0 : i32
      %dma_start3A_696 = tpu.memref_slice %arg2[%dma_start3A_695, %multiple_of3A_694] : memref<32x1000000xf32, #tpu.memory_space<hbm>> -> memref<32x128xf32, #tpu.memory_space<hbm>>
      %dma_start3A_697 = arith.constant 0 : i32
      %dma_start3A_698 = tpu.memref_slice %arg2[%dma_start3A_697, %multiple_of3A_694] : memref<32x1000000xf32, #tpu.memory_space<hbm>> -> memref<32x128xf32, #tpu.memory_space<hbm>>
      tpu.enqueue_dma source(%dma_start3A_698 : memref<32x128xf32, #tpu.memory_space<hbm>>) target(%arg15 : memref<32x128xf32, #tpu.memory_space<vmem>>) target_semaphore(%arg31 : memref<!tpu.dma_semaphore, #tpu.memory_space<semaphore_mem>>)
      %shift_right_logical3A_699 = arith.constant 7 : i32
      %shift_right_logical3A_700 = arith.shrui %squeeze3A_689, %shift_right_logical3A_699 : i32
      %mul3A_701 = arith.constant 128 : i32
      %mul3A_702 = arith.muli %shift_right_logical3A_700, %mul3A_701 : i32
      %multiple_of3A_703 = tpu.assume_multiple %mul3A_702, 128 : i32
      %dma_start3A_704 = arith.constant 0 : i32
      %dma_start3A_705 = tpu.memref_slice %arg3[%dma_start3A_704, %multiple_of3A_703] : memref<32x1000000xf32, #tpu.memory_space<hbm>> -> memref<32x128xf32, #tpu.memory_space<hbm>>
      %dma_start3A_706 = arith.constant 0 : i32
      %dma_start3A_707 = tpu.memref_slice %arg3[%dma_start3A_706, %multiple_of3A_703] : memref<32x1000000xf32, #tpu.memory_space<hbm>> -> memref<32x128xf32, #tpu.memory_space<hbm>>
      tpu.enqueue_dma source(%dma_start3A_707 : memref<32x128xf32, #tpu.memory_space<hbm>>) target(%arg19 : memref<32x128xf32, #tpu.memory_space<vmem>>) target_semaphore(%arg35 : memref<!tpu.dma_semaphore, #tpu.memory_space<semaphore_mem>>)
      %dma_wait3A_708 = arith.constant 0 : i32
      %dma_wait3A_709 = arith.constant 0 : i32
      %dma_wait3A_710 = tpu.memref_slice %arg2[%dma_wait3A_708, %dma_wait3A_709] : memref<32x1000000xf32, #tpu.memory_space<hbm>> -> memref<32x128xf32, #tpu.memory_space<hbm>>
      %dma_wait3A_711 = arith.constant 0 : i32
      %dma_wait3A_712 = arith.constant 0 : i32
      %dma_wait3A_713 = tpu.memref_slice %arg2[%dma_wait3A_711, %dma_wait3A_712] : memref<32x1000000xf32, #tpu.memory_space<hbm>> -> memref<32x128xf32, #tpu.memory_space<hbm>>
      tpu.wait_dma2 semaphore(%arg28 : memref<!tpu.dma_semaphore, #tpu.memory_space<semaphore_mem>>) src(%dma_wait3A_713 : memref<32x128xf32, #tpu.memory_space<hbm>>) dst(%arg12 : memref<32x128xf32, #tpu.memory_space<vmem>>)
      %dma_wait3A_714 = arith.constant 0 : i32
      %dma_wait3A_715 = arith.constant 0 : i32
      %dma_wait3A_716 = tpu.memref_slice %arg3[%dma_wait3A_714, %dma_wait3A_715] : memref<32x1000000xf32, #tpu.memory_space<hbm>> -> memref<32x128xf32, #tpu.memory_space<hbm>>
      %dma_wait3A_717 = arith.constant 0 : i32
      %dma_wait3A_718 = arith.constant 0 : i32
      %dma_wait3A_719 = tpu.memref_slice %arg3[%dma_wait3A_717, %dma_wait3A_718] : memref<32x1000000xf32, #tpu.memory_space<hbm>> -> memref<32x128xf32, #tpu.memory_space<hbm>>
      tpu.wait_dma2 semaphore(%arg32 : memref<!tpu.dma_semaphore, #tpu.memory_space<semaphore_mem>>) src(%dma_wait3A_719 : memref<32x128xf32, #tpu.memory_space<hbm>>) dst(%arg16 : memref<32x128xf32, #tpu.memory_space<vmem>>)
      %slice3A_720 = vector.extract_strided_slice %get3A_177 {offsets = [8], sizes = [1], strides = [1]} : vector<16xi32> to vector<1xi32>
      %squeeze3A_721 = vector.extract %slice3A_720[0] : i32 from vector<1xi32>
      %and3A_722 = arith.constant 127 : i32
      %and3A_723 = arith.andi %squeeze3A_721, %and3A_722 : i32
      %broadcast_in_dim3A_724 = vector.broadcast %and3A_723 : i32 to vector<16xi32>
      %slice3A_725 = vector.extract_strided_slice %get3A_179 {offsets = [8], sizes = [1], strides = [1]} : vector<16xi32> to vector<1xi32>
      %squeeze3A_726 = vector.extract %slice3A_725[0] : i32 from vector<1xi32>
      %and3A_727 = arith.constant 127 : i32
      %and3A_728 = arith.andi %squeeze3A_726, %and3A_727 : i32
      %broadcast_in_dim3A_729 = vector.broadcast %and3A_728 : i32 to vector<16xi32>
      %gather3A_730 = tpu.vector_load_idx %arg12[%iota3A, %broadcast_in_dim3A_724] : memref<32x128xf32, #tpu.memory_space<vmem>>[vector<16xi32>, vector<16xi32>], vector<16xf32>,
      %add3A_731 = arith.constant 16 : i32
      %add3A_732 = vector.broadcast %add3A_731 : i32 to vector<16xi32>
      %add3A_733 = arith.addi %iota3A, %add3A_732 : vector<16xi32>
      %gather3A_734 = tpu.vector_load_idx %arg12[%add3A_733, %broadcast_in_dim3A_724] : memref<32x128xf32, #tpu.memory_space<vmem>>[vector<16xi32>, vector<16xi32>], vector<16xf32>,
      %gather3A_735 = tpu.vector_load_idx %arg16[%iota3A, %broadcast_in_dim3A_729] : memref<32x128xf32, #tpu.memory_space<vmem>>[vector<16xi32>, vector<16xi32>], vector<16xf32>,
      %add3A_736 = arith.constant 16 : i32
      %add3A_737 = vector.broadcast %add3A_736 : i32 to vector<16xi32>
      %add3A_738 = arith.addi %iota3A, %add3A_737 : vector<16xi32>
      %gather3A_739 = tpu.vector_load_idx %arg16[%add3A_738, %broadcast_in_dim3A_729] : memref<32x128xf32, #tpu.memory_space<vmem>>[vector<16xi32>, vector<16xi32>], vector<16xf32>,
      %mul3A_740 = arith.mulf %gather3A_730, %gather3A_735 : vector<16xf32>
      %mul3A_741 = arith.mulf %gather3A_734, %gather3A_739 : vector<16xf32>
      %add3A_742 = arith.addf %mul3A_740, %mul3A_741 : vector<16xf32>
      %reduce_sum3A_743 = arith.constant true
      %reduce_sum3A_744 = vector.broadcast %reduce_sum3A_743 : i1 to vector<16xi1>
      %reduce_sum3A_745 = tpu.scan <sum>, %add3A_742 masked %reduce_sum3A_744 : vector<16xf32>, vector<16xi1> -> vector<16xf32>
      %reduce_sum3A_746 = vector.extract %reduce_sum3A_745[15] : f32 from vector<16xf32>
      %eq3A_747 = arith.constant 8 : i32
      %eq3A_748 = vector.broadcast %eq3A_747 : i32 to vector<16xi32>
      %eq3A_749 = arith.cmpi eq, %iota3A, %eq3A_748 : vector<16xi32>
      %broadcast_in_dim3A_750 = vector.broadcast %reduce_sum3A_746 : f32 to vector<16xf32>
      %select_n3A_751 = arith.select %eq3A_749, %broadcast_in_dim3A_750, %select_n3A_685 : vector<16xi1>, vector<16xf32>
      %slice3A_752 = vector.extract_strided_slice %get3A_177 {offsets = [12], sizes = [1], strides = [1]} : vector<16xi32> to vector<1xi32>
      %squeeze3A_753 = vector.extract %slice3A_752[0] : i32 from vector<1xi32>
      %slice3A_754 = vector.extract_strided_slice %get3A_179 {offsets = [12], sizes = [1], strides = [1]} : vector<16xi32> to vector<1xi32>
      %squeeze3A_755 = vector.extract %slice3A_754[0] : i32 from vector<1xi32>
      %shift_right_logical3A_756 = arith.constant 7 : i32
      %shift_right_logical3A_757 = arith.shrui %squeeze3A_753, %shift_right_logical3A_756 : i32
      %mul3A_758 = arith.constant 128 : i32
      %mul3A_759 = arith.muli %shift_right_logical3A_757, %mul3A_758 : i32
      %multiple_of3A_760 = tpu.assume_multiple %mul3A_759, 128 : i32
      %dma_start3A_761 = arith.constant 0 : i32
      %dma_start3A_762 = tpu.memref_slice %arg2[%dma_start3A_761, %multiple_of3A_760] : memref<32x1000000xf32, #tpu.memory_space<hbm>> -> memref<32x128xf32, #tpu.memory_space<hbm>>
      %dma_start3A_763 = arith.constant 0 : i32
      %dma_start3A_764 = tpu.memref_slice %arg2[%dma_start3A_763, %multiple_of3A_760] : memref<32x1000000xf32, #tpu.memory_space<hbm>> -> memref<32x128xf32, #tpu.memory_space<hbm>>
      tpu.enqueue_dma source(%dma_start3A_764 : memref<32x128xf32, #tpu.memory_space<hbm>>) target(%arg12 : memref<32x128xf32, #tpu.memory_space<vmem>>) target_semaphore(%arg28 : memref<!tpu.dma_semaphore, #tpu.memory_space<semaphore_mem>>)
      %shift_right_logical3A_765 = arith.constant 7 : i32
      %shift_right_logical3A_766 = arith.shrui %squeeze3A_755, %shift_right_logical3A_765 : i32
      %mul3A_767 = arith.constant 128 : i32
      %mul3A_768 = arith.muli %shift_right_logical3A_766, %mul3A_767 : i32
      %multiple_of3A_769 = tpu.assume_multiple %mul3A_768, 128 : i32
      %dma_start3A_770 = arith.constant 0 : i32
      %dma_start3A_771 = tpu.memref_slice %arg3[%dma_start3A_770, %multiple_of3A_769] : memref<32x1000000xf32, #tpu.memory_space<hbm>> -> memref<32x128xf32, #tpu.memory_space<hbm>>
      %dma_start3A_772 = arith.constant 0 : i32
      %dma_start3A_773 = tpu.memref_slice %arg3[%dma_start3A_772, %multiple_of3A_769] : memref<32x1000000xf32, #tpu.memory_space<hbm>> -> memref<32x128xf32, #tpu.memory_space<hbm>>
      tpu.enqueue_dma source(%dma_start3A_773 : memref<32x128xf32, #tpu.memory_space<hbm>>) target(%arg16 : memref<32x128xf32, #tpu.memory_space<vmem>>) target_semaphore(%arg32 : memref<!tpu.dma_semaphore, #tpu.memory_space<semaphore_mem>>)
      %dma_wait3A_774 = arith.constant 0 : i32
      %dma_wait3A_775 = arith.constant 0 : i32
      %dma_wait3A_776 = tpu.memref_slice %arg2[%dma_wait3A_774, %dma_wait3A_775] : memref<32x1000000xf32, #tpu.memory_space<hbm>> -> memref<32x128xf32, #tpu.memory_space<hbm>>
      %dma_wait3A_777 = arith.constant 0 : i32
      %dma_wait3A_778 = arith.constant 0 : i32
      %dma_wait3A_779 = tpu.memref_slice %arg2[%dma_wait3A_777, %dma_wait3A_778] : memref<32x1000000xf32, #tpu.memory_space<hbm>> -> memref<32x128xf32, #tpu.memory_space<hbm>>
      tpu.wait_dma2 semaphore(%arg29 : memref<!tpu.dma_semaphore, #tpu.memory_space<semaphore_mem>>) src(%dma_wait3A_779 : memref<32x128xf32, #tpu.memory_space<hbm>>) dst(%arg13 : memref<32x128xf32, #tpu.memory_space<vmem>>)
      %dma_wait3A_780 = arith.constant 0 : i32
      %dma_wait3A_781 = arith.constant 0 : i32
      %dma_wait3A_782 = tpu.memref_slice %arg3[%dma_wait3A_780, %dma_wait3A_781] : memref<32x1000000xf32, #tpu.memory_space<hbm>> -> memref<32x128xf32, #tpu.memory_space<hbm>>
      %dma_wait3A_783 = arith.constant 0 : i32
      %dma_wait3A_784 = arith.constant 0 : i32
      %dma_wait3A_785 = tpu.memref_slice %arg3[%dma_wait3A_783, %dma_wait3A_784] : memref<32x1000000xf32, #tpu.memory_space<hbm>> -> memref<32x128xf32, #tpu.memory_space<hbm>>
      tpu.wait_dma2 semaphore(%arg33 : memref<!tpu.dma_semaphore, #tpu.memory_space<semaphore_mem>>) src(%dma_wait3A_785 : memref<32x128xf32, #tpu.memory_space<hbm>>) dst(%arg17 : memref<32x128xf32, #tpu.memory_space<vmem>>)
      %slice3A_786 = vector.extract_strided_slice %get3A_177 {offsets = [9], sizes = [1], strides = [1]} : vector<16xi32> to vector<1xi32>
      %squeeze3A_787 = vector.extract %slice3A_786[0] : i32 from vector<1xi32>
      %and3A_788 = arith.constant 127 : i32
      %and3A_789 = arith.andi %squeeze3A_787, %and3A_788 : i32
      %broadcast_in_dim3A_790 = vector.broadcast %and3A_789 : i32 to vector<16xi32>
      %slice3A_791 = vector.extract_strided_slice %get3A_179 {offsets = [9], sizes = [1], strides = [1]} : vector<16xi32> to vector<1xi32>
      %squeeze3A_792 = vector.extract %slice3A_791[0] : i32 from vector<1xi32>
      %and3A_793 = arith.constant 127 : i32
      %and3A_794 = arith.andi %squeeze3A_792, %and3A_793 : i32
      %broadcast_in_dim3A_795 = vector.broadcast %and3A_794 : i32 to vector<16xi32>
      %gather3A_796 = tpu.vector_load_idx %arg13[%iota3A, %broadcast_in_dim3A_790] : memref<32x128xf32, #tpu.memory_space<vmem>>[vector<16xi32>, vector<16xi32>], vector<16xf32>,
      %add3A_797 = arith.constant 16 : i32
      %add3A_798 = vector.broadcast %add3A_797 : i32 to vector<16xi32>
      %add3A_799 = arith.addi %iota3A, %add3A_798 : vector<16xi32>
      %gather3A_800 = tpu.vector_load_idx %arg13[%add3A_799, %broadcast_in_dim3A_790] : memref<32x128xf32, #tpu.memory_space<vmem>>[vector<16xi32>, vector<16xi32>], vector<16xf32>,
      %gather3A_801 = tpu.vector_load_idx %arg17[%iota3A, %broadcast_in_dim3A_795] : memref<32x128xf32, #tpu.memory_space<vmem>>[vector<16xi32>, vector<16xi32>], vector<16xf32>,
      %add3A_802 = arith.constant 16 : i32
      %add3A_803 = vector.broadcast %add3A_802 : i32 to vector<16xi32>
      %add3A_804 = arith.addi %iota3A, %add3A_803 : vector<16xi32>
      %gather3A_805 = tpu.vector_load_idx %arg17[%add3A_804, %broadcast_in_dim3A_795] : memref<32x128xf32, #tpu.memory_space<vmem>>[vector<16xi32>, vector<16xi32>], vector<16xf32>,
      %mul3A_806 = arith.mulf %gather3A_796, %gather3A_801 : vector<16xf32>
      %mul3A_807 = arith.mulf %gather3A_800, %gather3A_805 : vector<16xf32>
      %add3A_808 = arith.addf %mul3A_806, %mul3A_807 : vector<16xf32>
      %reduce_sum3A_809 = arith.constant true
      %reduce_sum3A_810 = vector.broadcast %reduce_sum3A_809 : i1 to vector<16xi1>
      %reduce_sum3A_811 = tpu.scan <sum>, %add3A_808 masked %reduce_sum3A_810 : vector<16xf32>, vector<16xi1> -> vector<16xf32>
      %reduce_sum3A_812 = vector.extract %reduce_sum3A_811[15] : f32 from vector<16xf32>
      %eq3A_813 = arith.constant 9 : i32
      %eq3A_814 = vector.broadcast %eq3A_813 : i32 to vector<16xi32>
      %eq3A_815 = arith.cmpi eq, %iota3A, %eq3A_814 : vector<16xi32>
      %broadcast_in_dim3A_816 = vector.broadcast %reduce_sum3A_812 : f32 to vector<16xf32>
      %select_n3A_817 = arith.select %eq3A_815, %broadcast_in_dim3A_816, %select_n3A_751 : vector<16xi1>, vector<16xf32>
      %slice3A_818 = vector.extract_strided_slice %get3A_177 {offsets = [13], sizes = [1], strides = [1]} : vector<16xi32> to vector<1xi32>
      %squeeze3A_819 = vector.extract %slice3A_818[0] : i32 from vector<1xi32>
      %slice3A_820 = vector.extract_strided_slice %get3A_179 {offsets = [13], sizes = [1], strides = [1]} : vector<16xi32> to vector<1xi32>
      %squeeze3A_821 = vector.extract %slice3A_820[0] : i32 from vector<1xi32>
      %shift_right_logical3A_822 = arith.constant 7 : i32
      %shift_right_logical3A_823 = arith.shrui %squeeze3A_819, %shift_right_logical3A_822 : i32
      %mul3A_824 = arith.constant 128 : i32
      %mul3A_825 = arith.muli %shift_right_logical3A_823, %mul3A_824 : i32
      %multiple_of3A_826 = tpu.assume_multiple %mul3A_825, 128 : i32
      %dma_start3A_827 = arith.constant 0 : i32
      %dma_start3A_828 = tpu.memref_slice %arg2[%dma_start3A_827, %multiple_of3A_826] : memref<32x1000000xf32, #tpu.memory_space<hbm>> -> memref<32x128xf32, #tpu.memory_space<hbm>>
      %dma_start3A_829 = arith.constant 0 : i32
      %dma_start3A_830 = tpu.memref_slice %arg2[%dma_start3A_829, %multiple_of3A_826] : memref<32x1000000xf32, #tpu.memory_space<hbm>> -> memref<32x128xf32, #tpu.memory_space<hbm>>
      tpu.enqueue_dma source(%dma_start3A_830 : memref<32x128xf32, #tpu.memory_space<hbm>>) target(%arg13 : memref<32x128xf32, #tpu.memory_space<vmem>>) target_semaphore(%arg29 : memref<!tpu.dma_semaphore, #tpu.memory_space<semaphore_mem>>)
      %shift_right_logical3A_831 = arith.constant 7 : i32
      %shift_right_logical3A_832 = arith.shrui %squeeze3A_821, %shift_right_logical3A_831 : i32
      %mul3A_833 = arith.constant 128 : i32
      %mul3A_834 = arith.muli %shift_right_logical3A_832, %mul3A_833 : i32
      %multiple_of3A_835 = tpu.assume_multiple %mul3A_834, 128 : i32
      %dma_start3A_836 = arith.constant 0 : i32
      %dma_start3A_837 = tpu.memref_slice %arg3[%dma_start3A_836, %multiple_of3A_835] : memref<32x1000000xf32, #tpu.memory_space<hbm>> -> memref<32x128xf32, #tpu.memory_space<hbm>>
      %dma_start3A_838 = arith.constant 0 : i32
      %dma_start3A_839 = tpu.memref_slice %arg3[%dma_start3A_838, %multiple_of3A_835] : memref<32x1000000xf32, #tpu.memory_space<hbm>> -> memref<32x128xf32, #tpu.memory_space<hbm>>
      tpu.enqueue_dma source(%dma_start3A_839 : memref<32x128xf32, #tpu.memory_space<hbm>>) target(%arg17 : memref<32x128xf32, #tpu.memory_space<vmem>>) target_semaphore(%arg33 : memref<!tpu.dma_semaphore, #tpu.memory_space<semaphore_mem>>)
      %dma_wait3A_840 = arith.constant 0 : i32
      %dma_wait3A_841 = arith.constant 0 : i32
      %dma_wait3A_842 = tpu.memref_slice %arg2[%dma_wait3A_840, %dma_wait3A_841] : memref<32x1000000xf32, #tpu.memory_space<hbm>> -> memref<32x128xf32, #tpu.memory_space<hbm>>
      %dma_wait3A_843 = arith.constant 0 : i32
      %dma_wait3A_844 = arith.constant 0 : i32
      %dma_wait3A_845 = tpu.memref_slice %arg2[%dma_wait3A_843, %dma_wait3A_844] : memref<32x1000000xf32, #tpu.memory_space<hbm>> -> memref<32x128xf32, #tpu.memory_space<hbm>>
      tpu.wait_dma2 semaphore(%arg30 : memref<!tpu.dma_semaphore, #tpu.memory_space<semaphore_mem>>) src(%dma_wait3A_845 : memref<32x128xf32, #tpu.memory_space<hbm>>) dst(%arg14 : memref<32x128xf32, #tpu.memory_space<vmem>>)
      %dma_wait3A_846 = arith.constant 0 : i32
      %dma_wait3A_847 = arith.constant 0 : i32
      %dma_wait3A_848 = tpu.memref_slice %arg3[%dma_wait3A_846, %dma_wait3A_847] : memref<32x1000000xf32, #tpu.memory_space<hbm>> -> memref<32x128xf32, #tpu.memory_space<hbm>>
      %dma_wait3A_849 = arith.constant 0 : i32
      %dma_wait3A_850 = arith.constant 0 : i32
      %dma_wait3A_851 = tpu.memref_slice %arg3[%dma_wait3A_849, %dma_wait3A_850] : memref<32x1000000xf32, #tpu.memory_space<hbm>> -> memref<32x128xf32, #tpu.memory_space<hbm>>
      tpu.wait_dma2 semaphore(%arg34 : memref<!tpu.dma_semaphore, #tpu.memory_space<semaphore_mem>>) src(%dma_wait3A_851 : memref<32x128xf32, #tpu.memory_space<hbm>>) dst(%arg18 : memref<32x128xf32, #tpu.memory_space<vmem>>)
      %slice3A_852 = vector.extract_strided_slice %get3A_177 {offsets = [10], sizes = [1], strides = [1]} : vector<16xi32> to vector<1xi32>
      %squeeze3A_853 = vector.extract %slice3A_852[0] : i32 from vector<1xi32>
      %and3A_854 = arith.constant 127 : i32
      %and3A_855 = arith.andi %squeeze3A_853, %and3A_854 : i32
      %broadcast_in_dim3A_856 = vector.broadcast %and3A_855 : i32 to vector<16xi32>
      %slice3A_857 = vector.extract_strided_slice %get3A_179 {offsets = [10], sizes = [1], strides = [1]} : vector<16xi32> to vector<1xi32>
      %squeeze3A_858 = vector.extract %slice3A_857[0] : i32 from vector<1xi32>
      %and3A_859 = arith.constant 127 : i32
      %and3A_860 = arith.andi %squeeze3A_858, %and3A_859 : i32
      %broadcast_in_dim3A_861 = vector.broadcast %and3A_860 : i32 to vector<16xi32>
      %gather3A_862 = tpu.vector_load_idx %arg14[%iota3A, %broadcast_in_dim3A_856] : memref<32x128xf32, #tpu.memory_space<vmem>>[vector<16xi32>, vector<16xi32>], vector<16xf32>,
      %add3A_863 = arith.constant 16 : i32
      %add3A_864 = vector.broadcast %add3A_863 : i32 to vector<16xi32>
      %add3A_865 = arith.addi %iota3A, %add3A_864 : vector<16xi32>
      %gather3A_866 = tpu.vector_load_idx %arg14[%add3A_865, %broadcast_in_dim3A_856] : memref<32x128xf32, #tpu.memory_space<vmem>>[vector<16xi32>, vector<16xi32>], vector<16xf32>,
      %gather3A_867 = tpu.vector_load_idx %arg18[%iota3A, %broadcast_in_dim3A_861] : memref<32x128xf32, #tpu.memory_space<vmem>>[vector<16xi32>, vector<16xi32>], vector<16xf32>,
      %add3A_868 = arith.constant 16 : i32
      %add3A_869 = vector.broadcast %add3A_868 : i32 to vector<16xi32>
      %add3A_870 = arith.addi %iota3A, %add3A_869 : vector<16xi32>
      %gather3A_871 = tpu.vector_load_idx %arg18[%add3A_870, %broadcast_in_dim3A_861] : memref<32x128xf32, #tpu.memory_space<vmem>>[vector<16xi32>, vector<16xi32>], vector<16xf32>,
      %mul3A_872 = arith.mulf %gather3A_862, %gather3A_867 : vector<16xf32>
      %mul3A_873 = arith.mulf %gather3A_866, %gather3A_871 : vector<16xf32>
      %add3A_874 = arith.addf %mul3A_872, %mul3A_873 : vector<16xf32>
      %reduce_sum3A_875 = arith.constant true
      %reduce_sum3A_876 = vector.broadcast %reduce_sum3A_875 : i1 to vector<16xi1>
      %reduce_sum3A_877 = tpu.scan <sum>, %add3A_874 masked %reduce_sum3A_876 : vector<16xf32>, vector<16xi1> -> vector<16xf32>
      %reduce_sum3A_878 = vector.extract %reduce_sum3A_877[15] : f32 from vector<16xf32>
      %eq3A_879 = arith.constant 10 : i32
      %eq3A_880 = vector.broadcast %eq3A_879 : i32 to vector<16xi32>
      %eq3A_881 = arith.cmpi eq, %iota3A, %eq3A_880 : vector<16xi32>
      %broadcast_in_dim3A_882 = vector.broadcast %reduce_sum3A_878 : f32 to vector<16xf32>
      %select_n3A_883 = arith.select %eq3A_881, %broadcast_in_dim3A_882, %select_n3A_817 : vector<16xi1>, vector<16xf32>
      %slice3A_884 = vector.extract_strided_slice %get3A_177 {offsets = [14], sizes = [1], strides = [1]} : vector<16xi32> to vector<1xi32>
      %squeeze3A_885 = vector.extract %slice3A_884[0] : i32 from vector<1xi32>
      %slice3A_886 = vector.extract_strided_slice %get3A_179 {offsets = [14], sizes = [1], strides = [1]} : vector<16xi32> to vector<1xi32>
      %squeeze3A_887 = vector.extract %slice3A_886[0] : i32 from vector<1xi32>
      %shift_right_logical3A_888 = arith.constant 7 : i32
      %shift_right_logical3A_889 = arith.shrui %squeeze3A_885, %shift_right_logical3A_888 : i32
      %mul3A_890 = arith.constant 128 : i32
      %mul3A_891 = arith.muli %shift_right_logical3A_889, %mul3A_890 : i32
      %multiple_of3A_892 = tpu.assume_multiple %mul3A_891, 128 : i32
      %dma_start3A_893 = arith.constant 0 : i32
      %dma_start3A_894 = tpu.memref_slice %arg2[%dma_start3A_893, %multiple_of3A_892] : memref<32x1000000xf32, #tpu.memory_space<hbm>> -> memref<32x128xf32, #tpu.memory_space<hbm>>
      %dma_start3A_895 = arith.constant 0 : i32
      %dma_start3A_896 = tpu.memref_slice %arg2[%dma_start3A_895, %multiple_of3A_892] : memref<32x1000000xf32, #tpu.memory_space<hbm>> -> memref<32x128xf32, #tpu.memory_space<hbm>>
      tpu.enqueue_dma source(%dma_start3A_896 : memref<32x128xf32, #tpu.memory_space<hbm>>) target(%arg14 : memref<32x128xf32, #tpu.memory_space<vmem>>) target_semaphore(%arg30 : memref<!tpu.dma_semaphore, #tpu.memory_space<semaphore_mem>>)
      %shift_right_logical3A_897 = arith.constant 7 : i32
      %shift_right_logical3A_898 = arith.shrui %squeeze3A_887, %shift_right_logical3A_897 : i32
      %mul3A_899 = arith.constant 128 : i32
      %mul3A_900 = arith.muli %shift_right_logical3A_898, %mul3A_899 : i32
      %multiple_of3A_901 = tpu.assume_multiple %mul3A_900, 128 : i32
      %dma_start3A_902 = arith.constant 0 : i32
      %dma_start3A_903 = tpu.memref_slice %arg3[%dma_start3A_902, %multiple_of3A_901] : memref<32x1000000xf32, #tpu.memory_space<hbm>> -> memref<32x128xf32, #tpu.memory_space<hbm>>
      %dma_start3A_904 = arith.constant 0 : i32
      %dma_start3A_905 = tpu.memref_slice %arg3[%dma_start3A_904, %multiple_of3A_901] : memref<32x1000000xf32, #tpu.memory_space<hbm>> -> memref<32x128xf32, #tpu.memory_space<hbm>>
      tpu.enqueue_dma source(%dma_start3A_905 : memref<32x128xf32, #tpu.memory_space<hbm>>) target(%arg18 : memref<32x128xf32, #tpu.memory_space<vmem>>) target_semaphore(%arg34 : memref<!tpu.dma_semaphore, #tpu.memory_space<semaphore_mem>>)
      %dma_wait3A_906 = arith.constant 0 : i32
      %dma_wait3A_907 = arith.constant 0 : i32
      %dma_wait3A_908 = tpu.memref_slice %arg2[%dma_wait3A_906, %dma_wait3A_907] : memref<32x1000000xf32, #tpu.memory_space<hbm>> -> memref<32x128xf32, #tpu.memory_space<hbm>>
      %dma_wait3A_909 = arith.constant 0 : i32
      %dma_wait3A_910 = arith.constant 0 : i32
      %dma_wait3A_911 = tpu.memref_slice %arg2[%dma_wait3A_909, %dma_wait3A_910] : memref<32x1000000xf32, #tpu.memory_space<hbm>> -> memref<32x128xf32, #tpu.memory_space<hbm>>
      tpu.wait_dma2 semaphore(%arg31 : memref<!tpu.dma_semaphore, #tpu.memory_space<semaphore_mem>>) src(%dma_wait3A_911 : memref<32x128xf32, #tpu.memory_space<hbm>>) dst(%arg15 : memref<32x128xf32, #tpu.memory_space<vmem>>)
      %dma_wait3A_912 = arith.constant 0 : i32
      %dma_wait3A_913 = arith.constant 0 : i32
      %dma_wait3A_914 = tpu.memref_slice %arg3[%dma_wait3A_912, %dma_wait3A_913] : memref<32x1000000xf32, #tpu.memory_space<hbm>> -> memref<32x128xf32, #tpu.memory_space<hbm>>
      %dma_wait3A_915 = arith.constant 0 : i32
      %dma_wait3A_916 = arith.constant 0 : i32
      %dma_wait3A_917 = tpu.memref_slice %arg3[%dma_wait3A_915, %dma_wait3A_916] : memref<32x1000000xf32, #tpu.memory_space<hbm>> -> memref<32x128xf32, #tpu.memory_space<hbm>>
      tpu.wait_dma2 semaphore(%arg35 : memref<!tpu.dma_semaphore, #tpu.memory_space<semaphore_mem>>) src(%dma_wait3A_917 : memref<32x128xf32, #tpu.memory_space<hbm>>) dst(%arg19 : memref<32x128xf32, #tpu.memory_space<vmem>>)
      %slice3A_918 = vector.extract_strided_slice %get3A_177 {offsets = [11], sizes = [1], strides = [1]} : vector<16xi32> to vector<1xi32>
      %squeeze3A_919 = vector.extract %slice3A_918[0] : i32 from vector<1xi32>
      %and3A_920 = arith.constant 127 : i32
      %and3A_921 = arith.andi %squeeze3A_919, %and3A_920 : i32
      %broadcast_in_dim3A_922 = vector.broadcast %and3A_921 : i32 to vector<16xi32>
      %slice3A_923 = vector.extract_strided_slice %get3A_179 {offsets = [11], sizes = [1], strides = [1]} : vector<16xi32> to vector<1xi32>
      %squeeze3A_924 = vector.extract %slice3A_923[0] : i32 from vector<1xi32>
      %and3A_925 = arith.constant 127 : i32
      %and3A_926 = arith.andi %squeeze3A_924, %and3A_925 : i32
      %broadcast_in_dim3A_927 = vector.broadcast %and3A_926 : i32 to vector<16xi32>
      %gather3A_928 = tpu.vector_load_idx %arg15[%iota3A, %broadcast_in_dim3A_922] : memref<32x128xf32, #tpu.memory_space<vmem>>[vector<16xi32>, vector<16xi32>], vector<16xf32>,
      %add3A_929 = arith.constant 16 : i32
      %add3A_930 = vector.broadcast %add3A_929 : i32 to vector<16xi32>
      %add3A_931 = arith.addi %iota3A, %add3A_930 : vector<16xi32>
      %gather3A_932 = tpu.vector_load_idx %arg15[%add3A_931, %broadcast_in_dim3A_922] : memref<32x128xf32, #tpu.memory_space<vmem>>[vector<16xi32>, vector<16xi32>], vector<16xf32>,
      %gather3A_933 = tpu.vector_load_idx %arg19[%iota3A, %broadcast_in_dim3A_927] : memref<32x128xf32, #tpu.memory_space<vmem>>[vector<16xi32>, vector<16xi32>], vector<16xf32>,
      %add3A_934 = arith.constant 16 : i32
      %add3A_935 = vector.broadcast %add3A_934 : i32 to vector<16xi32>
      %add3A_936 = arith.addi %iota3A, %add3A_935 : vector<16xi32>
      %gather3A_937 = tpu.vector_load_idx %arg19[%add3A_936, %broadcast_in_dim3A_927] : memref<32x128xf32, #tpu.memory_space<vmem>>[vector<16xi32>, vector<16xi32>], vector<16xf32>,
      %mul3A_938 = arith.mulf %gather3A_928, %gather3A_933 : vector<16xf32>
      %mul3A_939 = arith.mulf %gather3A_932, %gather3A_937 : vector<16xf32>
      %add3A_940 = arith.addf %mul3A_938, %mul3A_939 : vector<16xf32>
      %reduce_sum3A_941 = arith.constant true
      %reduce_sum3A_942 = vector.broadcast %reduce_sum3A_941 : i1 to vector<16xi1>
      %reduce_sum3A_943 = tpu.scan <sum>, %add3A_940 masked %reduce_sum3A_942 : vector<16xf32>, vector<16xi1> -> vector<16xf32>
      %reduce_sum3A_944 = vector.extract %reduce_sum3A_943[15] : f32 from vector<16xf32>
      %eq3A_945 = arith.constant 11 : i32
      %eq3A_946 = vector.broadcast %eq3A_945 : i32 to vector<16xi32>
      %eq3A_947 = arith.cmpi eq, %iota3A, %eq3A_946 : vector<16xi32>
      %broadcast_in_dim3A_948 = vector.broadcast %reduce_sum3A_944 : f32 to vector<16xf32>
      %select_n3A_949 = arith.select %eq3A_947, %broadcast_in_dim3A_948, %select_n3A_883 : vector<16xi1>, vector<16xf32>
      %slice3A_950 = vector.extract_strided_slice %get3A_177 {offsets = [15], sizes = [1], strides = [1]} : vector<16xi32> to vector<1xi32>
      %squeeze3A_951 = vector.extract %slice3A_950[0] : i32 from vector<1xi32>
      %slice3A_952 = vector.extract_strided_slice %get3A_179 {offsets = [15], sizes = [1], strides = [1]} : vector<16xi32> to vector<1xi32>
      %squeeze3A_953 = vector.extract %slice3A_952[0] : i32 from vector<1xi32>
      %shift_right_logical3A_954 = arith.constant 7 : i32
      %shift_right_logical3A_955 = arith.shrui %squeeze3A_951, %shift_right_logical3A_954 : i32
      %mul3A_956 = arith.constant 128 : i32
      %mul3A_957 = arith.muli %shift_right_logical3A_955, %mul3A_956 : i32
      %multiple_of3A_958 = tpu.assume_multiple %mul3A_957, 128 : i32
      %dma_start3A_959 = arith.constant 0 : i32
      %dma_start3A_960 = tpu.memref_slice %arg2[%dma_start3A_959, %multiple_of3A_958] : memref<32x1000000xf32, #tpu.memory_space<hbm>> -> memref<32x128xf32, #tpu.memory_space<hbm>>
      %dma_start3A_961 = arith.constant 0 : i32
      %dma_start3A_962 = tpu.memref_slice %arg2[%dma_start3A_961, %multiple_of3A_958] : memref<32x1000000xf32, #tpu.memory_space<hbm>> -> memref<32x128xf32, #tpu.memory_space<hbm>>
      tpu.enqueue_dma source(%dma_start3A_962 : memref<32x128xf32, #tpu.memory_space<hbm>>) target(%arg15 : memref<32x128xf32, #tpu.memory_space<vmem>>) target_semaphore(%arg31 : memref<!tpu.dma_semaphore, #tpu.memory_space<semaphore_mem>>)
      %shift_right_logical3A_963 = arith.constant 7 : i32
      %shift_right_logical3A_964 = arith.shrui %squeeze3A_953, %shift_right_logical3A_963 : i32
      %mul3A_965 = arith.constant 128 : i32
      %mul3A_966 = arith.muli %shift_right_logical3A_964, %mul3A_965 : i32
      %multiple_of3A_967 = tpu.assume_multiple %mul3A_966, 128 : i32
      %dma_start3A_968 = arith.constant 0 : i32
      %dma_start3A_969 = tpu.memref_slice %arg3[%dma_start3A_968, %multiple_of3A_967] : memref<32x1000000xf32, #tpu.memory_space<hbm>> -> memref<32x128xf32, #tpu.memory_space<hbm>>
      %dma_start3A_970 = arith.constant 0 : i32
      %dma_start3A_971 = tpu.memref_slice %arg3[%dma_start3A_970, %multiple_of3A_967] : memref<32x1000000xf32, #tpu.memory_space<hbm>> -> memref<32x128xf32, #tpu.memory_space<hbm>>
      tpu.enqueue_dma source(%dma_start3A_971 : memref<32x128xf32, #tpu.memory_space<hbm>>) target(%arg19 : memref<32x128xf32, #tpu.memory_space<vmem>>) target_semaphore(%arg35 : memref<!tpu.dma_semaphore, #tpu.memory_space<semaphore_mem>>)
      %dma_wait3A_972 = arith.constant 0 : i32
      %dma_wait3A_973 = arith.constant 0 : i32
      %dma_wait3A_974 = tpu.memref_slice %arg2[%dma_wait3A_972, %dma_wait3A_973] : memref<32x1000000xf32, #tpu.memory_space<hbm>> -> memref<32x128xf32, #tpu.memory_space<hbm>>
      %dma_wait3A_975 = arith.constant 0 : i32
      %dma_wait3A_976 = arith.constant 0 : i32
      %dma_wait3A_977 = tpu.memref_slice %arg2[%dma_wait3A_975, %dma_wait3A_976] : memref<32x1000000xf32, #tpu.memory_space<hbm>> -> memref<32x128xf32, #tpu.memory_space<hbm>>
      tpu.wait_dma2 semaphore(%arg28 : memref<!tpu.dma_semaphore, #tpu.memory_space<semaphore_mem>>) src(%dma_wait3A_977 : memref<32x128xf32, #tpu.memory_space<hbm>>) dst(%arg12 : memref<32x128xf32, #tpu.memory_space<vmem>>)
      %dma_wait3A_978 = arith.constant 0 : i32
      %dma_wait3A_979 = arith.constant 0 : i32
      %dma_wait3A_980 = tpu.memref_slice %arg3[%dma_wait3A_978, %dma_wait3A_979] : memref<32x1000000xf32, #tpu.memory_space<hbm>> -> memref<32x128xf32, #tpu.memory_space<hbm>>
      %dma_wait3A_981 = arith.constant 0 : i32
      %dma_wait3A_982 = arith.constant 0 : i32
      %dma_wait3A_983 = tpu.memref_slice %arg3[%dma_wait3A_981, %dma_wait3A_982] : memref<32x1000000xf32, #tpu.memory_space<hbm>> -> memref<32x128xf32, #tpu.memory_space<hbm>>
      tpu.wait_dma2 semaphore(%arg32 : memref<!tpu.dma_semaphore, #tpu.memory_space<semaphore_mem>>) src(%dma_wait3A_983 : memref<32x128xf32, #tpu.memory_space<hbm>>) dst(%arg16 : memref<32x128xf32, #tpu.memory_space<vmem>>)
      %slice3A_984 = vector.extract_strided_slice %get3A_177 {offsets = [12], sizes = [1], strides = [1]} : vector<16xi32> to vector<1xi32>
      %squeeze3A_985 = vector.extract %slice3A_984[0] : i32 from vector<1xi32>
      %and3A_986 = arith.constant 127 : i32
      %and3A_987 = arith.andi %squeeze3A_985, %and3A_986 : i32
      %broadcast_in_dim3A_988 = vector.broadcast %and3A_987 : i32 to vector<16xi32>
      %slice3A_989 = vector.extract_strided_slice %get3A_179 {offsets = [12], sizes = [1], strides = [1]} : vector<16xi32> to vector<1xi32>
      %squeeze3A_990 = vector.extract %slice3A_989[0] : i32 from vector<1xi32>
      %and3A_991 = arith.constant 127 : i32
      %and3A_992 = arith.andi %squeeze3A_990, %and3A_991 : i32
      %broadcast_in_dim3A_993 = vector.broadcast %and3A_992 : i32 to vector<16xi32>
      %gather3A_994 = tpu.vector_load_idx %arg12[%iota3A, %broadcast_in_dim3A_988] : memref<32x128xf32, #tpu.memory_space<vmem>>[vector<16xi32>, vector<16xi32>], vector<16xf32>,
      %add3A_995 = arith.constant 16 : i32
      %add3A_996 = vector.broadcast %add3A_995 : i32 to vector<16xi32>
      %add3A_997 = arith.addi %iota3A, %add3A_996 : vector<16xi32>
      %gather3A_998 = tpu.vector_load_idx %arg12[%add3A_997, %broadcast_in_dim3A_988] : memref<32x128xf32, #tpu.memory_space<vmem>>[vector<16xi32>, vector<16xi32>], vector<16xf32>,
      %gather3A_999 = tpu.vector_load_idx %arg16[%iota3A, %broadcast_in_dim3A_993] : memref<32x128xf32, #tpu.memory_space<vmem>>[vector<16xi32>, vector<16xi32>], vector<16xf32>,
      %add3A_1000 = arith.constant 16 : i32
      %add3A_1001 = vector.broadcast %add3A_1000 : i32 to vector<16xi32>
      %add3A_1002 = arith.addi %iota3A, %add3A_1001 : vector<16xi32>
      %gather3A_1003 = tpu.vector_load_idx %arg16[%add3A_1002, %broadcast_in_dim3A_993] : memref<32x128xf32, #tpu.memory_space<vmem>>[vector<16xi32>, vector<16xi32>], vector<16xf32>,
      %mul3A_1004 = arith.mulf %gather3A_994, %gather3A_999 : vector<16xf32>
      %mul3A_1005 = arith.mulf %gather3A_998, %gather3A_1003 : vector<16xf32>
      %add3A_1006 = arith.addf %mul3A_1004, %mul3A_1005 : vector<16xf32>
      %reduce_sum3A_1007 = arith.constant true
      %reduce_sum3A_1008 = vector.broadcast %reduce_sum3A_1007 : i1 to vector<16xi1>
      %reduce_sum3A_1009 = tpu.scan <sum>, %add3A_1006 masked %reduce_sum3A_1008 : vector<16xf32>, vector<16xi1> -> vector<16xf32>
      %reduce_sum3A_1010 = vector.extract %reduce_sum3A_1009[15] : f32 from vector<16xf32>
      %eq3A_1011 = arith.constant 12 : i32
      %eq3A_1012 = vector.broadcast %eq3A_1011 : i32 to vector<16xi32>
      %eq3A_1013 = arith.cmpi eq, %iota3A, %eq3A_1012 : vector<16xi32>
      %broadcast_in_dim3A_1014 = vector.broadcast %reduce_sum3A_1010 : f32 to vector<16xf32>
      %select_n3A_1015 = arith.select %eq3A_1013, %broadcast_in_dim3A_1014, %select_n3A_949 : vector<16xi1>, vector<16xf32>
      %slice3A_1016 = vector.extract_strided_slice %get3A_181 {offsets = [0], sizes = [1], strides = [1]} : vector<16xi32> to vector<1xi32>
      %squeeze3A_1017 = vector.extract %slice3A_1016[0] : i32 from vector<1xi32>
      %slice3A_1018 = vector.extract_strided_slice %get3A_183 {offsets = [0], sizes = [1], strides = [1]} : vector<16xi32> to vector<1xi32>
      %squeeze3A_1019 = vector.extract %slice3A_1018[0] : i32 from vector<1xi32>
      %shift_right_logical3A_1020 = arith.constant 7 : i32
      %shift_right_logical3A_1021 = arith.shrui %squeeze3A_1017, %shift_right_logical3A_1020 : i32
      %mul3A_1022 = arith.constant 128 : i32
      %mul3A_1023 = arith.muli %shift_right_logical3A_1021, %mul3A_1022 : i32
      %multiple_of3A_1024 = tpu.assume_multiple %mul3A_1023, 128 : i32
      %dma_start3A_1025 = arith.constant 0 : i32
      %dma_start3A_1026 = tpu.memref_slice %arg2[%dma_start3A_1025, %multiple_of3A_1024] : memref<32x1000000xf32, #tpu.memory_space<hbm>> -> memref<32x128xf32, #tpu.memory_space<hbm>>
      %dma_start3A_1027 = arith.constant 0 : i32
      %dma_start3A_1028 = tpu.memref_slice %arg2[%dma_start3A_1027, %multiple_of3A_1024] : memref<32x1000000xf32, #tpu.memory_space<hbm>> -> memref<32x128xf32, #tpu.memory_space<hbm>>
      tpu.enqueue_dma source(%dma_start3A_1028 : memref<32x128xf32, #tpu.memory_space<hbm>>) target(%arg12 : memref<32x128xf32, #tpu.memory_space<vmem>>) target_semaphore(%arg28 : memref<!tpu.dma_semaphore, #tpu.memory_space<semaphore_mem>>)
      %shift_right_logical3A_1029 = arith.constant 7 : i32
      %shift_right_logical3A_1030 = arith.shrui %squeeze3A_1019, %shift_right_logical3A_1029 : i32
      %mul3A_1031 = arith.constant 128 : i32
      %mul3A_1032 = arith.muli %shift_right_logical3A_1030, %mul3A_1031 : i32
      %multiple_of3A_1033 = tpu.assume_multiple %mul3A_1032, 128 : i32
      %dma_start3A_1034 = arith.constant 0 : i32
      %dma_start3A_1035 = tpu.memref_slice %arg3[%dma_start3A_1034, %multiple_of3A_1033] : memref<32x1000000xf32, #tpu.memory_space<hbm>> -> memref<32x128xf32, #tpu.memory_space<hbm>>
      %dma_start3A_1036 = arith.constant 0 : i32
      %dma_start3A_1037 = tpu.memref_slice %arg3[%dma_start3A_1036, %multiple_of3A_1033] : memref<32x1000000xf32, #tpu.memory_space<hbm>> -> memref<32x128xf32, #tpu.memory_space<hbm>>
      tpu.enqueue_dma source(%dma_start3A_1037 : memref<32x128xf32, #tpu.memory_space<hbm>>) target(%arg16 : memref<32x128xf32, #tpu.memory_space<vmem>>) target_semaphore(%arg32 : memref<!tpu.dma_semaphore, #tpu.memory_space<semaphore_mem>>)
      %dma_wait3A_1038 = arith.constant 0 : i32
      %dma_wait3A_1039 = arith.constant 0 : i32
      %dma_wait3A_1040 = tpu.memref_slice %arg2[%dma_wait3A_1038, %dma_wait3A_1039] : memref<32x1000000xf32, #tpu.memory_space<hbm>> -> memref<32x128xf32, #tpu.memory_space<hbm>>
      %dma_wait3A_1041 = arith.constant 0 : i32
      %dma_wait3A_1042 = arith.constant 0 : i32
      %dma_wait3A_1043 = tpu.memref_slice %arg2[%dma_wait3A_1041, %dma_wait3A_1042] : memref<32x1000000xf32, #tpu.memory_space<hbm>> -> memref<32x128xf32, #tpu.memory_space<hbm>>
      tpu.wait_dma2 semaphore(%arg29 : memref<!tpu.dma_semaphore, #tpu.memory_space<semaphore_mem>>) src(%dma_wait3A_1043 : memref<32x128xf32, #tpu.memory_space<hbm>>) dst(%arg13 : memref<32x128xf32, #tpu.memory_space<vmem>>)
      %dma_wait3A_1044 = arith.constant 0 : i32
      %dma_wait3A_1045 = arith.constant 0 : i32
      %dma_wait3A_1046 = tpu.memref_slice %arg3[%dma_wait3A_1044, %dma_wait3A_1045] : memref<32x1000000xf32, #tpu.memory_space<hbm>> -> memref<32x128xf32, #tpu.memory_space<hbm>>
      %dma_wait3A_1047 = arith.constant 0 : i32
      %dma_wait3A_1048 = arith.constant 0 : i32
      %dma_wait3A_1049 = tpu.memref_slice %arg3[%dma_wait3A_1047, %dma_wait3A_1048] : memref<32x1000000xf32, #tpu.memory_space<hbm>> -> memref<32x128xf32, #tpu.memory_space<hbm>>
      tpu.wait_dma2 semaphore(%arg33 : memref<!tpu.dma_semaphore, #tpu.memory_space<semaphore_mem>>) src(%dma_wait3A_1049 : memref<32x128xf32, #tpu.memory_space<hbm>>) dst(%arg17 : memref<32x128xf32, #tpu.memory_space<vmem>>)
      %slice3A_1050 = vector.extract_strided_slice %get3A_177 {offsets = [13], sizes = [1], strides = [1]} : vector<16xi32> to vector<1xi32>
      %squeeze3A_1051 = vector.extract %slice3A_1050[0] : i32 from vector<1xi32>
      %and3A_1052 = arith.constant 127 : i32
      %and3A_1053 = arith.andi %squeeze3A_1051, %and3A_1052 : i32
      %broadcast_in_dim3A_1054 = vector.broadcast %and3A_1053 : i32 to vector<16xi32>
      %slice3A_1055 = vector.extract_strided_slice %get3A_179 {offsets = [13], sizes = [1], strides = [1]} : vector<16xi32> to vector<1xi32>
      %squeeze3A_1056 = vector.extract %slice3A_1055[0] : i32 from vector<1xi32>
      %and3A_1057 = arith.constant 127 : i32
      %and3A_1058 = arith.andi %squeeze3A_1056, %and3A_1057 : i32
      %broadcast_in_dim3A_1059 = vector.broadcast %and3A_1058 : i32 to vector<16xi32>
      %gather3A_1060 = tpu.vector_load_idx %arg13[%iota3A, %broadcast_in_dim3A_1054] : memref<32x128xf32, #tpu.memory_space<vmem>>[vector<16xi32>, vector<16xi32>], vector<16xf32>,
      %add3A_1061 = arith.constant 16 : i32
      %add3A_1062 = vector.broadcast %add3A_1061 : i32 to vector<16xi32>
      %add3A_1063 = arith.addi %iota3A, %add3A_1062 : vector<16xi32>
      %gather3A_1064 = tpu.vector_load_idx %arg13[%add3A_1063, %broadcast_in_dim3A_1054] : memref<32x128xf32, #tpu.memory_space<vmem>>[vector<16xi32>, vector<16xi32>], vector<16xf32>,
      %gather3A_1065 = tpu.vector_load_idx %arg17[%iota3A, %broadcast_in_dim3A_1059] : memref<32x128xf32, #tpu.memory_space<vmem>>[vector<16xi32>, vector<16xi32>], vector<16xf32>,
      %add3A_1066 = arith.constant 16 : i32
      %add3A_1067 = vector.broadcast %add3A_1066 : i32 to vector<16xi32>
      %add3A_1068 = arith.addi %iota3A, %add3A_1067 : vector<16xi32>
      %gather3A_1069 = tpu.vector_load_idx %arg17[%add3A_1068, %broadcast_in_dim3A_1059] : memref<32x128xf32, #tpu.memory_space<vmem>>[vector<16xi32>, vector<16xi32>], vector<16xf32>,
      %mul3A_1070 = arith.mulf %gather3A_1060, %gather3A_1065 : vector<16xf32>
      %mul3A_1071 = arith.mulf %gather3A_1064, %gather3A_1069 : vector<16xf32>
      %add3A_1072 = arith.addf %mul3A_1070, %mul3A_1071 : vector<16xf32>
      %reduce_sum3A_1073 = arith.constant true
      %reduce_sum3A_1074 = vector.broadcast %reduce_sum3A_1073 : i1 to vector<16xi1>
      %reduce_sum3A_1075 = tpu.scan <sum>, %add3A_1072 masked %reduce_sum3A_1074 : vector<16xf32>, vector<16xi1> -> vector<16xf32>
      %reduce_sum3A_1076 = vector.extract %reduce_sum3A_1075[15] : f32 from vector<16xf32>
      %eq3A_1077 = arith.constant 13 : i32
      %eq3A_1078 = vector.broadcast %eq3A_1077 : i32 to vector<16xi32>
      %eq3A_1079 = arith.cmpi eq, %iota3A, %eq3A_1078 : vector<16xi32>
      %broadcast_in_dim3A_1080 = vector.broadcast %reduce_sum3A_1076 : f32 to vector<16xf32>
      %select_n3A_1081 = arith.select %eq3A_1079, %broadcast_in_dim3A_1080, %select_n3A_1015 : vector<16xi1>, vector<16xf32>
      %slice3A_1082 = vector.extract_strided_slice %get3A_181 {offsets = [1], sizes = [1], strides = [1]} : vector<16xi32> to vector<1xi32>
      %squeeze3A_1083 = vector.extract %slice3A_1082[0] : i32 from vector<1xi32>
      %slice3A_1084 = vector.extract_strided_slice %get3A_183 {offsets = [1], sizes = [1], strides = [1]} : vector<16xi32> to vector<1xi32>
      %squeeze3A_1085 = vector.extract %slice3A_1084[0] : i32 from vector<1xi32>
      %shift_right_logical3A_1086 = arith.constant 7 : i32
      %shift_right_logical3A_1087 = arith.shrui %squeeze3A_1083, %shift_right_logical3A_1086 : i32
      %mul3A_1088 = arith.constant 128 : i32
      %mul3A_1089 = arith.muli %shift_right_logical3A_1087, %mul3A_1088 : i32
      %multiple_of3A_1090 = tpu.assume_multiple %mul3A_1089, 128 : i32
      %dma_start3A_1091 = arith.constant 0 : i32
      %dma_start3A_1092 = tpu.memref_slice %arg2[%dma_start3A_1091, %multiple_of3A_1090] : memref<32x1000000xf32, #tpu.memory_space<hbm>> -> memref<32x128xf32, #tpu.memory_space<hbm>>
      %dma_start3A_1093 = arith.constant 0 : i32
      %dma_start3A_1094 = tpu.memref_slice %arg2[%dma_start3A_1093, %multiple_of3A_1090] : memref<32x1000000xf32, #tpu.memory_space<hbm>> -> memref<32x128xf32, #tpu.memory_space<hbm>>
      tpu.enqueue_dma source(%dma_start3A_1094 : memref<32x128xf32, #tpu.memory_space<hbm>>) target(%arg13 : memref<32x128xf32, #tpu.memory_space<vmem>>) target_semaphore(%arg29 : memref<!tpu.dma_semaphore, #tpu.memory_space<semaphore_mem>>)
      %shift_right_logical3A_1095 = arith.constant 7 : i32
      %shift_right_logical3A_1096 = arith.shrui %squeeze3A_1085, %shift_right_logical3A_1095 : i32
      %mul3A_1097 = arith.constant 128 : i32
      %mul3A_1098 = arith.muli %shift_right_logical3A_1096, %mul3A_1097 : i32
      %multiple_of3A_1099 = tpu.assume_multiple %mul3A_1098, 128 : i32
      %dma_start3A_1100 = arith.constant 0 : i32
      %dma_start3A_1101 = tpu.memref_slice %arg3[%dma_start3A_1100, %multiple_of3A_1099] : memref<32x1000000xf32, #tpu.memory_space<hbm>> -> memref<32x128xf32, #tpu.memory_space<hbm>>
      %dma_start3A_1102 = arith.constant 0 : i32
      %dma_start3A_1103 = tpu.memref_slice %arg3[%dma_start3A_1102, %multiple_of3A_1099] : memref<32x1000000xf32, #tpu.memory_space<hbm>> -> memref<32x128xf32, #tpu.memory_space<hbm>>
      tpu.enqueue_dma source(%dma_start3A_1103 : memref<32x128xf32, #tpu.memory_space<hbm>>) target(%arg17 : memref<32x128xf32, #tpu.memory_space<vmem>>) target_semaphore(%arg33 : memref<!tpu.dma_semaphore, #tpu.memory_space<semaphore_mem>>)
      %dma_wait3A_1104 = arith.constant 0 : i32
      %dma_wait3A_1105 = arith.constant 0 : i32
      %dma_wait3A_1106 = tpu.memref_slice %arg2[%dma_wait3A_1104, %dma_wait3A_1105] : memref<32x1000000xf32, #tpu.memory_space<hbm>> -> memref<32x128xf32, #tpu.memory_space<hbm>>
      %dma_wait3A_1107 = arith.constant 0 : i32
      %dma_wait3A_1108 = arith.constant 0 : i32
      %dma_wait3A_1109 = tpu.memref_slice %arg2[%dma_wait3A_1107, %dma_wait3A_1108] : memref<32x1000000xf32, #tpu.memory_space<hbm>> -> memref<32x128xf32, #tpu.memory_space<hbm>>
      tpu.wait_dma2 semaphore(%arg30 : memref<!tpu.dma_semaphore, #tpu.memory_space<semaphore_mem>>) src(%dma_wait3A_1109 : memref<32x128xf32, #tpu.memory_space<hbm>>) dst(%arg14 : memref<32x128xf32, #tpu.memory_space<vmem>>)
      %dma_wait3A_1110 = arith.constant 0 : i32
      %dma_wait3A_1111 = arith.constant 0 : i32
      %dma_wait3A_1112 = tpu.memref_slice %arg3[%dma_wait3A_1110, %dma_wait3A_1111] : memref<32x1000000xf32, #tpu.memory_space<hbm>> -> memref<32x128xf32, #tpu.memory_space<hbm>>
      %dma_wait3A_1113 = arith.constant 0 : i32
      %dma_wait3A_1114 = arith.constant 0 : i32
      %dma_wait3A_1115 = tpu.memref_slice %arg3[%dma_wait3A_1113, %dma_wait3A_1114] : memref<32x1000000xf32, #tpu.memory_space<hbm>> -> memref<32x128xf32, #tpu.memory_space<hbm>>
      tpu.wait_dma2 semaphore(%arg34 : memref<!tpu.dma_semaphore, #tpu.memory_space<semaphore_mem>>) src(%dma_wait3A_1115 : memref<32x128xf32, #tpu.memory_space<hbm>>) dst(%arg18 : memref<32x128xf32, #tpu.memory_space<vmem>>)
      %slice3A_1116 = vector.extract_strided_slice %get3A_177 {offsets = [14], sizes = [1], strides = [1]} : vector<16xi32> to vector<1xi32>
      %squeeze3A_1117 = vector.extract %slice3A_1116[0] : i32 from vector<1xi32>
      %and3A_1118 = arith.constant 127 : i32
      %and3A_1119 = arith.andi %squeeze3A_1117, %and3A_1118 : i32
      %broadcast_in_dim3A_1120 = vector.broadcast %and3A_1119 : i32 to vector<16xi32>
      %slice3A_1121 = vector.extract_strided_slice %get3A_179 {offsets = [14], sizes = [1], strides = [1]} : vector<16xi32> to vector<1xi32>
      %squeeze3A_1122 = vector.extract %slice3A_1121[0] : i32 from vector<1xi32>
      %and3A_1123 = arith.constant 127 : i32
      %and3A_1124 = arith.andi %squeeze3A_1122, %and3A_1123 : i32
      %broadcast_in_dim3A_1125 = vector.broadcast %and3A_1124 : i32 to vector<16xi32>
      %gather3A_1126 = tpu.vector_load_idx %arg14[%iota3A, %broadcast_in_dim3A_1120] : memref<32x128xf32, #tpu.memory_space<vmem>>[vector<16xi32>, vector<16xi32>], vector<16xf32>,
      %add3A_1127 = arith.constant 16 : i32
      %add3A_1128 = vector.broadcast %add3A_1127 : i32 to vector<16xi32>
      %add3A_1129 = arith.addi %iota3A, %add3A_1128 : vector<16xi32>
      %gather3A_1130 = tpu.vector_load_idx %arg14[%add3A_1129, %broadcast_in_dim3A_1120] : memref<32x128xf32, #tpu.memory_space<vmem>>[vector<16xi32>, vector<16xi32>], vector<16xf32>,
      %gather3A_1131 = tpu.vector_load_idx %arg18[%iota3A, %broadcast_in_dim3A_1125] : memref<32x128xf32, #tpu.memory_space<vmem>>[vector<16xi32>, vector<16xi32>], vector<16xf32>,
      %add3A_1132 = arith.constant 16 : i32
      %add3A_1133 = vector.broadcast %add3A_1132 : i32 to vector<16xi32>
      %add3A_1134 = arith.addi %iota3A, %add3A_1133 : vector<16xi32>
      %gather3A_1135 = tpu.vector_load_idx %arg18[%add3A_1134, %broadcast_in_dim3A_1125] : memref<32x128xf32, #tpu.memory_space<vmem>>[vector<16xi32>, vector<16xi32>], vector<16xf32>,
      %mul3A_1136 = arith.mulf %gather3A_1126, %gather3A_1131 : vector<16xf32>
      %mul3A_1137 = arith.mulf %gather3A_1130, %gather3A_1135 : vector<16xf32>
      %add3A_1138 = arith.addf %mul3A_1136, %mul3A_1137 : vector<16xf32>
      %reduce_sum3A_1139 = arith.constant true
      %reduce_sum3A_1140 = vector.broadcast %reduce_sum3A_1139 : i1 to vector<16xi1>
      %reduce_sum3A_1141 = tpu.scan <sum>, %add3A_1138 masked %reduce_sum3A_1140 : vector<16xf32>, vector<16xi1> -> vector<16xf32>
      %reduce_sum3A_1142 = vector.extract %reduce_sum3A_1141[15] : f32 from vector<16xf32>
      %eq3A_1143 = arith.constant 14 : i32
      %eq3A_1144 = vector.broadcast %eq3A_1143 : i32 to vector<16xi32>
      %eq3A_1145 = arith.cmpi eq, %iota3A, %eq3A_1144 : vector<16xi32>
      %broadcast_in_dim3A_1146 = vector.broadcast %reduce_sum3A_1142 : f32 to vector<16xf32>
      %select_n3A_1147 = arith.select %eq3A_1145, %broadcast_in_dim3A_1146, %select_n3A_1081 : vector<16xi1>, vector<16xf32>
      %slice3A_1148 = vector.extract_strided_slice %get3A_181 {offsets = [2], sizes = [1], strides = [1]} : vector<16xi32> to vector<1xi32>
      %squeeze3A_1149 = vector.extract %slice3A_1148[0] : i32 from vector<1xi32>
      %slice3A_1150 = vector.extract_strided_slice %get3A_183 {offsets = [2], sizes = [1], strides = [1]} : vector<16xi32> to vector<1xi32>
      %squeeze3A_1151 = vector.extract %slice3A_1150[0] : i32 from vector<1xi32>
      %shift_right_logical3A_1152 = arith.constant 7 : i32
      %shift_right_logical3A_1153 = arith.shrui %squeeze3A_1149, %shift_right_logical3A_1152 : i32
      %mul3A_1154 = arith.constant 128 : i32
      %mul3A_1155 = arith.muli %shift_right_logical3A_1153, %mul3A_1154 : i32
      %multiple_of3A_1156 = tpu.assume_multiple %mul3A_1155, 128 : i32
      %dma_start3A_1157 = arith.constant 0 : i32
      %dma_start3A_1158 = tpu.memref_slice %arg2[%dma_start3A_1157, %multiple_of3A_1156] : memref<32x1000000xf32, #tpu.memory_space<hbm>> -> memref<32x128xf32, #tpu.memory_space<hbm>>
      %dma_start3A_1159 = arith.constant 0 : i32
      %dma_start3A_1160 = tpu.memref_slice %arg2[%dma_start3A_1159, %multiple_of3A_1156] : memref<32x1000000xf32, #tpu.memory_space<hbm>> -> memref<32x128xf32, #tpu.memory_space<hbm>>
      tpu.enqueue_dma source(%dma_start3A_1160 : memref<32x128xf32, #tpu.memory_space<hbm>>) target(%arg14 : memref<32x128xf32, #tpu.memory_space<vmem>>) target_semaphore(%arg30 : memref<!tpu.dma_semaphore, #tpu.memory_space<semaphore_mem>>)
      %shift_right_logical3A_1161 = arith.constant 7 : i32
      %shift_right_logical3A_1162 = arith.shrui %squeeze3A_1151, %shift_right_logical3A_1161 : i32
      %mul3A_1163 = arith.constant 128 : i32
      %mul3A_1164 = arith.muli %shift_right_logical3A_1162, %mul3A_1163 : i32
      %multiple_of3A_1165 = tpu.assume_multiple %mul3A_1164, 128 : i32
      %dma_start3A_1166 = arith.constant 0 : i32
      %dma_start3A_1167 = tpu.memref_slice %arg3[%dma_start3A_1166, %multiple_of3A_1165] : memref<32x1000000xf32, #tpu.memory_space<hbm>> -> memref<32x128xf32, #tpu.memory_space<hbm>>
      %dma_start3A_1168 = arith.constant 0 : i32
      %dma_start3A_1169 = tpu.memref_slice %arg3[%dma_start3A_1168, %multiple_of3A_1165] : memref<32x1000000xf32, #tpu.memory_space<hbm>> -> memref<32x128xf32, #tpu.memory_space<hbm>>
      tpu.enqueue_dma source(%dma_start3A_1169 : memref<32x128xf32, #tpu.memory_space<hbm>>) target(%arg18 : memref<32x128xf32, #tpu.memory_space<vmem>>) target_semaphore(%arg34 : memref<!tpu.dma_semaphore, #tpu.memory_space<semaphore_mem>>)
      %dma_wait3A_1170 = arith.constant 0 : i32
      %dma_wait3A_1171 = arith.constant 0 : i32
      %dma_wait3A_1172 = tpu.memref_slice %arg2[%dma_wait3A_1170, %dma_wait3A_1171] : memref<32x1000000xf32, #tpu.memory_space<hbm>> -> memref<32x128xf32, #tpu.memory_space<hbm>>
      %dma_wait3A_1173 = arith.constant 0 : i32
      %dma_wait3A_1174 = arith.constant 0 : i32
      %dma_wait3A_1175 = tpu.memref_slice %arg2[%dma_wait3A_1173, %dma_wait3A_1174] : memref<32x1000000xf32, #tpu.memory_space<hbm>> -> memref<32x128xf32, #tpu.memory_space<hbm>>
      tpu.wait_dma2 semaphore(%arg31 : memref<!tpu.dma_semaphore, #tpu.memory_space<semaphore_mem>>) src(%dma_wait3A_1175 : memref<32x128xf32, #tpu.memory_space<hbm>>) dst(%arg15 : memref<32x128xf32, #tpu.memory_space<vmem>>)
      %dma_wait3A_1176 = arith.constant 0 : i32
      %dma_wait3A_1177 = arith.constant 0 : i32
      %dma_wait3A_1178 = tpu.memref_slice %arg3[%dma_wait3A_1176, %dma_wait3A_1177] : memref<32x1000000xf32, #tpu.memory_space<hbm>> -> memref<32x128xf32, #tpu.memory_space<hbm>>
      %dma_wait3A_1179 = arith.constant 0 : i32
      %dma_wait3A_1180 = arith.constant 0 : i32
      %dma_wait3A_1181 = tpu.memref_slice %arg3[%dma_wait3A_1179, %dma_wait3A_1180] : memref<32x1000000xf32, #tpu.memory_space<hbm>> -> memref<32x128xf32, #tpu.memory_space<hbm>>
      tpu.wait_dma2 semaphore(%arg35 : memref<!tpu.dma_semaphore, #tpu.memory_space<semaphore_mem>>) src(%dma_wait3A_1181 : memref<32x128xf32, #tpu.memory_space<hbm>>) dst(%arg19 : memref<32x128xf32, #tpu.memory_space<vmem>>)
      %slice3A_1182 = vector.extract_strided_slice %get3A_177 {offsets = [15], sizes = [1], strides = [1]} : vector<16xi32> to vector<1xi32>
      %squeeze3A_1183 = vector.extract %slice3A_1182[0] : i32 from vector<1xi32>
      %and3A_1184 = arith.constant 127 : i32
      %and3A_1185 = arith.andi %squeeze3A_1183, %and3A_1184 : i32
      %broadcast_in_dim3A_1186 = vector.broadcast %and3A_1185 : i32 to vector<16xi32>
      %slice3A_1187 = vector.extract_strided_slice %get3A_179 {offsets = [15], sizes = [1], strides = [1]} : vector<16xi32> to vector<1xi32>
      %squeeze3A_1188 = vector.extract %slice3A_1187[0] : i32 from vector<1xi32>
      %and3A_1189 = arith.constant 127 : i32
      %and3A_1190 = arith.andi %squeeze3A_1188, %and3A_1189 : i32
      %broadcast_in_dim3A_1191 = vector.broadcast %and3A_1190 : i32 to vector<16xi32>
      %gather3A_1192 = tpu.vector_load_idx %arg15[%iota3A, %broadcast_in_dim3A_1186] : memref<32x128xf32, #tpu.memory_space<vmem>>[vector<16xi32>, vector<16xi32>], vector<16xf32>,
      %add3A_1193 = arith.constant 16 : i32
      %add3A_1194 = vector.broadcast %add3A_1193 : i32 to vector<16xi32>
      %add3A_1195 = arith.addi %iota3A, %add3A_1194 : vector<16xi32>
      %gather3A_1196 = tpu.vector_load_idx %arg15[%add3A_1195, %broadcast_in_dim3A_1186] : memref<32x128xf32, #tpu.memory_space<vmem>>[vector<16xi32>, vector<16xi32>], vector<16xf32>,
      %gather3A_1197 = tpu.vector_load_idx %arg19[%iota3A, %broadcast_in_dim3A_1191] : memref<32x128xf32, #tpu.memory_space<vmem>>[vector<16xi32>, vector<16xi32>], vector<16xf32>,
      %add3A_1198 = arith.constant 16 : i32
      %add3A_1199 = vector.broadcast %add3A_1198 : i32 to vector<16xi32>
      %add3A_1200 = arith.addi %iota3A, %add3A_1199 : vector<16xi32>
      %gather3A_1201 = tpu.vector_load_idx %arg19[%add3A_1200, %broadcast_in_dim3A_1191] : memref<32x128xf32, #tpu.memory_space<vmem>>[vector<16xi32>, vector<16xi32>], vector<16xf32>,
      %mul3A_1202 = arith.mulf %gather3A_1192, %gather3A_1197 : vector<16xf32>
      %mul3A_1203 = arith.mulf %gather3A_1196, %gather3A_1201 : vector<16xf32>
      %add3A_1204 = arith.addf %mul3A_1202, %mul3A_1203 : vector<16xf32>
      %reduce_sum3A_1205 = arith.constant true
      %reduce_sum3A_1206 = vector.broadcast %reduce_sum3A_1205 : i1 to vector<16xi1>
      %reduce_sum3A_1207 = tpu.scan <sum>, %add3A_1204 masked %reduce_sum3A_1206 : vector<16xf32>, vector<16xi1> -> vector<16xf32>
      %reduce_sum3A_1208 = vector.extract %reduce_sum3A_1207[15] : f32 from vector<16xf32>
      %eq3A_1209 = arith.constant 15 : i32
      %eq3A_1210 = vector.broadcast %eq3A_1209 : i32 to vector<16xi32>
      %eq3A_1211 = arith.cmpi eq, %iota3A, %eq3A_1210 : vector<16xi32>
      %broadcast_in_dim3A_1212 = vector.broadcast %reduce_sum3A_1208 : f32 to vector<16xf32>
      %select_n3A_1213 = arith.select %eq3A_1211, %broadcast_in_dim3A_1212, %select_n3A_1147 : vector<16xi1>, vector<16xf32>
      %slice3A_1214 = vector.extract_strided_slice %get3A_181 {offsets = [3], sizes = [1], strides = [1]} : vector<16xi32> to vector<1xi32>
      %squeeze3A_1215 = vector.extract %slice3A_1214[0] : i32 from vector<1xi32>
      %slice3A_1216 = vector.extract_strided_slice %get3A_183 {offsets = [3], sizes = [1], strides = [1]} : vector<16xi32> to vector<1xi32>
      %squeeze3A_1217 = vector.extract %slice3A_1216[0] : i32 from vector<1xi32>
      %shift_right_logical3A_1218 = arith.constant 7 : i32
      %shift_right_logical3A_1219 = arith.shrui %squeeze3A_1215, %shift_right_logical3A_1218 : i32
      %mul3A_1220 = arith.constant 128 : i32
      %mul3A_1221 = arith.muli %shift_right_logical3A_1219, %mul3A_1220 : i32
      %multiple_of3A_1222 = tpu.assume_multiple %mul3A_1221, 128 : i32
      %dma_start3A_1223 = arith.constant 0 : i32
      %dma_start3A_1224 = tpu.memref_slice %arg2[%dma_start3A_1223, %multiple_of3A_1222] : memref<32x1000000xf32, #tpu.memory_space<hbm>> -> memref<32x128xf32, #tpu.memory_space<hbm>>
      %dma_start3A_1225 = arith.constant 0 : i32
      %dma_start3A_1226 = tpu.memref_slice %arg2[%dma_start3A_1225, %multiple_of3A_1222] : memref<32x1000000xf32, #tpu.memory_space<hbm>> -> memref<32x128xf32, #tpu.memory_space<hbm>>
      tpu.enqueue_dma source(%dma_start3A_1226 : memref<32x128xf32, #tpu.memory_space<hbm>>) target(%arg15 : memref<32x128xf32, #tpu.memory_space<vmem>>) target_semaphore(%arg31 : memref<!tpu.dma_semaphore, #tpu.memory_space<semaphore_mem>>)
      %shift_right_logical3A_1227 = arith.constant 7 : i32
      %shift_right_logical3A_1228 = arith.shrui %squeeze3A_1217, %shift_right_logical3A_1227 : i32
      %mul3A_1229 = arith.constant 128 : i32
      %mul3A_1230 = arith.muli %shift_right_logical3A_1228, %mul3A_1229 : i32
      %multiple_of3A_1231 = tpu.assume_multiple %mul3A_1230, 128 : i32
      %dma_start3A_1232 = arith.constant 0 : i32
      %dma_start3A_1233 = tpu.memref_slice %arg3[%dma_start3A_1232, %multiple_of3A_1231] : memref<32x1000000xf32, #tpu.memory_space<hbm>> -> memref<32x128xf32, #tpu.memory_space<hbm>>
      %dma_start3A_1234 = arith.constant 0 : i32
      %dma_start3A_1235 = tpu.memref_slice %arg3[%dma_start3A_1234, %multiple_of3A_1231] : memref<32x1000000xf32, #tpu.memory_space<hbm>> -> memref<32x128xf32, #tpu.memory_space<hbm>>
      tpu.enqueue_dma source(%dma_start3A_1235 : memref<32x128xf32, #tpu.memory_space<hbm>>) target(%arg19 : memref<32x128xf32, #tpu.memory_space<vmem>>) target_semaphore(%arg35 : memref<!tpu.dma_semaphore, #tpu.memory_space<semaphore_mem>>)
      %multiple_of3A_1236 = tpu.assume_multiple %multiple_of3A_171, 16 : i32
      %get3A_1237 = arith.index_cast %multiple_of3A_1236 : i32 to index
      %get3A_1238 = tpu.vector_load %arg23[%get3A_1237] {strides = array<i32>} : memref<128xf32, #tpu.memory_space<vmem>>, vector<16xf32>,
      %bitcast3A = vector.bitcast %get3A_1238 : vector<16xf32> to vector<16xi32>
      %shift_right_logical3A_1239 = arith.constant 23 : i32
      %shift_right_logical3A_1240 = vector.broadcast %shift_right_logical3A_1239 : i32 to vector<16xi32>
      %shift_right_logical3A_1241 = arith.shrui %bitcast3A, %shift_right_logical3A_1240 : vector<16xi32>
      %and3A_1242 = arith.constant 255 : i32
      %and3A_1243 = vector.broadcast %and3A_1242 : i32 to vector<16xi32>
      %and3A_1244 = arith.andi %shift_right_logical3A_1241, %and3A_1243 : vector<16xi32>
      %sub3A = arith.constant 127 : i32
      %sub3A_1245 = vector.broadcast %sub3A : i32 to vector<16xi32>
      %sub3A_1246 = arith.subi %and3A_1244, %sub3A_1245 : vector<16xi32>
      %and3A_1247 = arith.constant 8388607 : i32
      %and3A_1248 = vector.broadcast %and3A_1247 : i32 to vector<16xi32>
      %and3A_1249 = arith.andi %bitcast3A, %and3A_1248 : vector<16xi32>
      %or3A = arith.constant 1065353216 : i32
      %or3A_1250 = vector.broadcast %or3A : i32 to vector<16xi32>
      %or3A_1251 = arith.ori %and3A_1249, %or3A_1250 : vector<16xi32>
      %bitcast3A_1252 = vector.bitcast %or3A_1251 : vector<16xi32> to vector<16xf32>
      %ge3A = arith.constant 1.41421354 : f32
      %ge3A_1253 = vector.broadcast %ge3A : f32 to vector<16xf32>
      %ge3A_1254 = arith.cmpf oge, %bitcast3A_1252, %ge3A_1253 : vector<16xf32>
      %mul3A_1255 = arith.constant 5.000000e-01 : f32
      %mul3A_1256 = vector.broadcast %mul3A_1255 : f32 to vector<16xf32>
      %mul3A_1257 = arith.mulf %bitcast3A_1252, %mul3A_1256 : vector<16xf32>
      %select_n3A_1258 = arith.select %ge3A_1254, %mul3A_1257, %bitcast3A_1252 : vector<16xi1>, vector<16xf32>
      %jit3A = arith.constant 1 : i32
      %jit3A_1259 = arith.constant 0 : i32
      %broadcast_in_dim3A_1260 = vector.broadcast %jit3A : i32 to vector<16xi32>
      %broadcast_in_dim3A_1261 = vector.broadcast %jit3A_1259 : i32 to vector<16xi32>
      %select_n3A_1262 = arith.select %ge3A_1254, %broadcast_in_dim3A_1260, %broadcast_in_dim3A_1261 : vector<16xi1>, vector<16xi32>
      %add3A_1263 = arith.addi %sub3A_1246, %select_n3A_1262 : vector<16xi32>
      %sub3A_1264 = arith.constant 1.000000e+00 : f32
      %sub3A_1265 = vector.broadcast %sub3A_1264 : f32 to vector<16xf32>
      %sub3A_1266 = arith.subf %select_n3A_1258, %sub3A_1265 : vector<16xf32>
      %add3A_1267 = arith.constant 1.000000e+00 : f32
      %add3A_1268 = vector.broadcast %add3A_1267 : f32 to vector<16xf32>
      %add3A_1269 = arith.addf %select_n3A_1258, %add3A_1268 : vector<16xf32>
      %div3A = arith.divf %sub3A_1266, %add3A_1269 : vector<16xf32>
      %mul3A_1270 = arith.mulf %div3A, %div3A : vector<16xf32>
      %mul3A_1271 = arith.constant 2.000000e+00 : f32
      %mul3A_1272 = vector.broadcast %mul3A_1271 : f32 to vector<16xf32>
      %mul3A_1273 = arith.mulf %mul3A_1272, %div3A : vector<16xf32>
      %mul3A_1274 = arith.constant 0.142857149 : f32
      %mul3A_1275 = vector.broadcast %mul3A_1274 : f32 to vector<16xf32>
      %mul3A_1276 = arith.mulf %mul3A_1270, %mul3A_1275 : vector<16xf32>
      %add3A_1277 = arith.constant 2.000000e-01 : f32
      %add3A_1278 = vector.broadcast %add3A_1277 : f32 to vector<16xf32>
      %add3A_1279 = arith.addf %add3A_1278, %mul3A_1276 : vector<16xf32>
      %mul3A_1280 = arith.mulf %mul3A_1270, %add3A_1279 : vector<16xf32>
      %add3A_1281 = arith.constant 0.333333343 : f32
      %add3A_1282 = vector.broadcast %add3A_1281 : f32 to vector<16xf32>
      %add3A_1283 = arith.addf %add3A_1282, %mul3A_1280 : vector<16xf32>
      %mul3A_1284 = arith.mulf %mul3A_1270, %add3A_1283 : vector<16xf32>
      %add3A_1285 = arith.constant 1.000000e+00 : f32
      %add3A_1286 = vector.broadcast %add3A_1285 : f32 to vector<16xf32>
      %add3A_1287 = arith.addf %add3A_1286, %mul3A_1284 : vector<16xf32>
      %mul3A_1288 = arith.mulf %mul3A_1273, %add3A_1287 : vector<16xf32>
      %convert_element_type3A_1289 = arith.sitofp %add3A_1263 : vector<16xi32> to vector<16xf32>
      %mul3A_1290 = arith.constant 0.693147182 : f32
      %mul3A_1291 = vector.broadcast %mul3A_1290 : f32 to vector<16xf32>
      %mul3A_1292 = arith.mulf %mul3A_1291, %convert_element_type3A_1289 : vector<16xf32>
      %add3A_1293 = arith.addf %mul3A_1292, %mul3A_1288 : vector<16xf32>
      %add3A_1294 = arith.addf %select_n3A_1213, %add3A_1293 : vector<16xf32>
      %sub3A_1295 = arith.constant 4.60517025 : f32
      %sub3A_1296 = vector.broadcast %sub3A_1295 : f32 to vector<16xf32>
      %sub3A_1297 = arith.subf %add3A_1293, %sub3A_1296 : vector<16xf32>
      %mul3A_1298 = arith.constant 7.500000e-01 : f32
      %mul3A_1299 = vector.broadcast %mul3A_1298 : f32 to vector<16xf32>
      %mul3A_1300 = arith.mulf %mul3A_1299, %sub3A_1297 : vector<16xf32>
      %exp3A = math.exp %mul3A_1300 : vector<16xf32>
      %min3A_1301 = arith.constant 1.000000e+00 : f32
      %min3A_1302 = vector.broadcast %min3A_1301 : f32 to vector<16xf32>
      %min3A_1303 = arith.minimumf %exp3A, %min3A_1302 : vector<16xf32>
      %multiple_of3A_1304 = tpu.assume_multiple %multiple_of3A_171, 16 : i32
      %get3A_1305 = arith.index_cast %multiple_of3A_1304 : i32 to index
      %get3A_1306 = tpu.vector_load %arg21[%get3A_1305] {strides = array<i32>} : memref<128xf32, #tpu.memory_space<vmem>>, vector<16xf32>,
      %multiple_of3A_1307 = tpu.assume_multiple %multiple_of3A_171, 16 : i32
      %get3A_1308 = arith.index_cast %multiple_of3A_1307 : i32 to index
      %get3A_1309 = tpu.vector_load %arg22[%get3A_1308] {strides = array<i32>} : memref<128xf32, #tpu.memory_space<vmem>>, vector<16xf32>,
      %add3A_1310 = arith.addf %get3A_1306, %get3A_1309 : vector<16xf32>
      %mul3A_1311 = arith.mulf %min3A_1303, %add3A_1294 : vector<16xf32>
      %mul3A_1312 = arith.mulf %mul3A_1311, %add3A_1294 : vector<16xf32>
      %add3A_1313 = arith.addf %scan3A_164, %mul3A_1312 : vector<16xf32>
      %mul3A_1314 = arith.mulf %min3A_1303, %add3A_1294 : vector<16xf32>
      %add3A_1315 = arith.addf %scan3A_165, %mul3A_1314 : vector<16xf32>
      %add3A_1316 = arith.addf %scan3A_166, %min3A_1303 : vector<16xf32>
      %add3A_1317 = arith.addf %scan3A_167, %add3A_1310 : vector<16xf32>
      %mul3A_1318 = arith.mulf %add3A_1310, %add3A_1310 : vector<16xf32>
      %add3A_1319 = arith.addf %scan3A_168, %mul3A_1318 : vector<16xf32>
      scf.yield %add3A_1313, %add3A_1315, %add3A_1316, %add3A_1317, %add3A_1319 : vector<16xf32>, vector<16xf32>, vector<16xf32>, vector<16xf32>, vector<16xf32>
    }
    %scan3A_101 = arith.constant 8 : i32
    %dma_wait3A_102 = arith.constant 0 : i32
    %dma_wait3A_103 = arith.constant 0 : i32
    %dma_wait3A_104 = tpu.memref_slice %arg2[%dma_wait3A_102, %dma_wait3A_103] : memref<32x1000000xf32, #tpu.memory_space<hbm>> -> memref<32x128xf32, #tpu.memory_space<hbm>>
    %dma_wait3A_105 = arith.constant 0 : i32
    %dma_wait3A_106 = arith.constant 0 : i32
    %dma_wait3A_107 = tpu.memref_slice %arg2[%dma_wait3A_105, %dma_wait3A_106] : memref<32x1000000xf32, #tpu.memory_space<hbm>> -> memref<32x128xf32, #tpu.memory_space<hbm>>
    tpu.wait_dma2 semaphore(%arg28 : memref<!tpu.dma_semaphore, #tpu.memory_space<semaphore_mem>>) src(%dma_wait3A_107 : memref<32x128xf32, #tpu.memory_space<hbm>>) dst(%arg12 : memref<32x128xf32, #tpu.memory_space<vmem>>)
    %dma_wait3A_108 = arith.constant 0 : i32
    %dma_wait3A_109 = arith.constant 0 : i32
    %dma_wait3A_110 = tpu.memref_slice %arg3[%dma_wait3A_108, %dma_wait3A_109] : memref<32x1000000xf32, #tpu.memory_space<hbm>> -> memref<32x128xf32, #tpu.memory_space<hbm>>
    %dma_wait3A_111 = arith.constant 0 : i32
    %dma_wait3A_112 = arith.constant 0 : i32
    %dma_wait3A_113 = tpu.memref_slice %arg3[%dma_wait3A_111, %dma_wait3A_112] : memref<32x1000000xf32, #tpu.memory_space<hbm>> -> memref<32x128xf32, #tpu.memory_space<hbm>>
    tpu.wait_dma2 semaphore(%arg32 : memref<!tpu.dma_semaphore, #tpu.memory_space<semaphore_mem>>) src(%dma_wait3A_113 : memref<32x128xf32, #tpu.memory_space<hbm>>) dst(%arg16 : memref<32x128xf32, #tpu.memory_space<vmem>>)
    %dma_wait3A_114 = arith.constant 0 : i32
    %dma_wait3A_115 = arith.constant 0 : i32
    %dma_wait3A_116 = tpu.memref_slice %arg2[%dma_wait3A_114, %dma_wait3A_115] : memref<32x1000000xf32, #tpu.memory_space<hbm>> -> memref<32x128xf32, #tpu.memory_space<hbm>>
    %dma_wait3A_117 = arith.constant 0 : i32
    %dma_wait3A_118 = arith.constant 0 : i32
    %dma_wait3A_119 = tpu.memref_slice %arg2[%dma_wait3A_117, %dma_wait3A_118] : memref<32x1000000xf32, #tpu.memory_space<hbm>> -> memref<32x128xf32, #tpu.memory_space<hbm>>
    tpu.wait_dma2 semaphore(%arg29 : memref<!tpu.dma_semaphore, #tpu.memory_space<semaphore_mem>>) src(%dma_wait3A_119 : memref<32x128xf32, #tpu.memory_space<hbm>>) dst(%arg13 : memref<32x128xf32, #tpu.memory_space<vmem>>)
    %dma_wait3A_120 = arith.constant 0 : i32
    %dma_wait3A_121 = arith.constant 0 : i32
    %dma_wait3A_122 = tpu.memref_slice %arg3[%dma_wait3A_120, %dma_wait3A_121] : memref<32x1000000xf32, #tpu.memory_space<hbm>> -> memref<32x128xf32, #tpu.memory_space<hbm>>
    %dma_wait3A_123 = arith.constant 0 : i32
    %dma_wait3A_124 = arith.constant 0 : i32
    %dma_wait3A_125 = tpu.memref_slice %arg3[%dma_wait3A_123, %dma_wait3A_124] : memref<32x1000000xf32, #tpu.memory_space<hbm>> -> memref<32x128xf32, #tpu.memory_space<hbm>>
    tpu.wait_dma2 semaphore(%arg33 : memref<!tpu.dma_semaphore, #tpu.memory_space<semaphore_mem>>) src(%dma_wait3A_125 : memref<32x128xf32, #tpu.memory_space<hbm>>) dst(%arg17 : memref<32x128xf32, #tpu.memory_space<vmem>>)
    %dma_wait3A_126 = arith.constant 0 : i32
    %dma_wait3A_127 = arith.constant 0 : i32
    %dma_wait3A_128 = tpu.memref_slice %arg2[%dma_wait3A_126, %dma_wait3A_127] : memref<32x1000000xf32, #tpu.memory_space<hbm>> -> memref<32x128xf32, #tpu.memory_space<hbm>>
    %dma_wait3A_129 = arith.constant 0 : i32
    %dma_wait3A_130 = arith.constant 0 : i32
    %dma_wait3A_131 = tpu.memref_slice %arg2[%dma_wait3A_129, %dma_wait3A_130] : memref<32x1000000xf32, #tpu.memory_space<hbm>> -> memref<32x128xf32, #tpu.memory_space<hbm>>
    tpu.wait_dma2 semaphore(%arg30 : memref<!tpu.dma_semaphore, #tpu.memory_space<semaphore_mem>>) src(%dma_wait3A_131 : memref<32x128xf32, #tpu.memory_space<hbm>>) dst(%arg14 : memref<32x128xf32, #tpu.memory_space<vmem>>)
    %dma_wait3A_132 = arith.constant 0 : i32
    %dma_wait3A_133 = arith.constant 0 : i32
    %dma_wait3A_134 = tpu.memref_slice %arg3[%dma_wait3A_132, %dma_wait3A_133] : memref<32x1000000xf32, #tpu.memory_space<hbm>> -> memref<32x128xf32, #tpu.memory_space<hbm>>
    %dma_wait3A_135 = arith.constant 0 : i32
    %dma_wait3A_136 = arith.constant 0 : i32
    %dma_wait3A_137 = tpu.memref_slice %arg3[%dma_wait3A_135, %dma_wait3A_136] : memref<32x1000000xf32, #tpu.memory_space<hbm>> -> memref<32x128xf32, #tpu.memory_space<hbm>>
    tpu.wait_dma2 semaphore(%arg34 : memref<!tpu.dma_semaphore, #tpu.memory_space<semaphore_mem>>) src(%dma_wait3A_137 : memref<32x128xf32, #tpu.memory_space<hbm>>) dst(%arg18 : memref<32x128xf32, #tpu.memory_space<vmem>>)
    %dma_wait3A_138 = arith.constant 0 : i32
    %dma_wait3A_139 = arith.constant 0 : i32
    %dma_wait3A_140 = tpu.memref_slice %arg2[%dma_wait3A_138, %dma_wait3A_139] : memref<32x1000000xf32, #tpu.memory_space<hbm>> -> memref<32x128xf32, #tpu.memory_space<hbm>>
    %dma_wait3A_141 = arith.constant 0 : i32
    %dma_wait3A_142 = arith.constant 0 : i32
    %dma_wait3A_143 = tpu.memref_slice %arg2[%dma_wait3A_141, %dma_wait3A_142] : memref<32x1000000xf32, #tpu.memory_space<hbm>> -> memref<32x128xf32, #tpu.memory_space<hbm>>
    tpu.wait_dma2 semaphore(%arg31 : memref<!tpu.dma_semaphore, #tpu.memory_space<semaphore_mem>>) src(%dma_wait3A_143 : memref<32x128xf32, #tpu.memory_space<hbm>>) dst(%arg15 : memref<32x128xf32, #tpu.memory_space<vmem>>)
    %dma_wait3A_144 = arith.constant 0 : i32
    %dma_wait3A_145 = arith.constant 0 : i32
    %dma_wait3A_146 = tpu.memref_slice %arg3[%dma_wait3A_144, %dma_wait3A_145] : memref<32x1000000xf32, #tpu.memory_space<hbm>> -> memref<32x128xf32, #tpu.memory_space<hbm>>
    %dma_wait3A_147 = arith.constant 0 : i32
    %dma_wait3A_148 = arith.constant 0 : i32
    %dma_wait3A_149 = tpu.memref_slice %arg3[%dma_wait3A_147, %dma_wait3A_148] : memref<32x1000000xf32, #tpu.memory_space<hbm>> -> memref<32x128xf32, #tpu.memory_space<hbm>>
    tpu.wait_dma2 semaphore(%arg35 : memref<!tpu.dma_semaphore, #tpu.memory_space<semaphore_mem>>) src(%dma_wait3A_149 : memref<32x128xf32, #tpu.memory_space<hbm>>) dst(%arg19 : memref<32x128xf32, #tpu.memory_space<vmem>>)
    %swap3A = arith.constant 0 : index
    %swap3A_150 = tpu.vector_load %arg24[%swap3A] {strides = array<i32>} : memref<80xf32, #tpu.memory_space<vmem>>, vector<16xf32>,
    tpu.vector_store %arg24[%swap3A], %scan3A_100#0 {strides = array<i32>} : memref<80xf32, #tpu.memory_space<vmem>>, vector<16xf32>,
    %swap3A_151 = arith.constant 16 : index
    %swap3A_152 = tpu.vector_load %arg24[%swap3A_151] {strides = array<i32>} : memref<80xf32, #tpu.memory_space<vmem>>, vector<16xf32>,
    tpu.vector_store %arg24[%swap3A_151], %scan3A_100#1 {strides = array<i32>} : memref<80xf32, #tpu.memory_space<vmem>>, vector<16xf32>,
    %swap3A_153 = arith.constant 32 : index
    %swap3A_154 = tpu.vector_load %arg24[%swap3A_153] {strides = array<i32>} : memref<80xf32, #tpu.memory_space<vmem>>, vector<16xf32>,
    tpu.vector_store %arg24[%swap3A_153], %scan3A_100#2 {strides = array<i32>} : memref<80xf32, #tpu.memory_space<vmem>>, vector<16xf32>,
    %swap3A_155 = arith.constant 48 : index
    %swap3A_156 = tpu.vector_load %arg24[%swap3A_155] {strides = array<i32>} : memref<80xf32, #tpu.memory_space<vmem>>, vector<16xf32>,
    tpu.vector_store %arg24[%swap3A_155], %scan3A_100#3 {strides = array<i32>} : memref<80xf32, #tpu.memory_space<vmem>>, vector<16xf32>,
    %swap3A_157 = arith.constant 64 : index
    %swap3A_158 = tpu.vector_load %arg24[%swap3A_157] {strides = array<i32>} : memref<80xf32, #tpu.memory_space<vmem>>, vector<16xf32>,
    tpu.vector_store %arg24[%swap3A_157], %scan3A_100#4 {strides = array<i32>} : memref<80xf32, #tpu.memory_space<vmem>>, vector<16xf32>,
    %mul3A_159 = arith.constant 80 : i32
    %mul3A_160 = arith.muli %arg1, %mul3A_159 : i32
    "tpu.region"() ({
      %run_scoped3A = tpu.sem_alloc : memref<!tpu.dma_semaphore, #tpu.memory_space<semaphore_mem>>
      %dma_start3A_163 = tpu.memref_slice %arg25[%mul3A_160] : memref<1280xf32, #tpu.memory_space<vmem_shared>> -> memref<80xf32, #tpu.memory_space<vmem_shared>>
      %dma_start3A_164 = tpu.memref_slice %arg25[%mul3A_160] : memref<1280xf32, #tpu.memory_space<vmem_shared>> -> memref<80xf32, #tpu.memory_space<vmem_shared>>
      tpu.enqueue_dma source(%arg24 : memref<80xf32, #tpu.memory_space<vmem>>) target(%dma_start3A_164 : memref<80xf32, #tpu.memory_space<vmem_shared>>) target_semaphore(%run_scoped3A : memref<!tpu.dma_semaphore, #tpu.memory_space<semaphore_mem>>)
      %dma_wait3A_165 = tpu.memref_slice %arg25[%mul3A_160] : memref<1280xf32, #tpu.memory_space<vmem_shared>> -> memref<80xf32, #tpu.memory_space<vmem_shared>>
      %dma_wait3A_166 = tpu.memref_slice %arg25[%mul3A_160] : memref<1280xf32, #tpu.memory_space<vmem_shared>> -> memref<80xf32, #tpu.memory_space<vmem_shared>>
      tpu.wait_dma2 semaphore(%run_scoped3A : memref<!tpu.dma_semaphore, #tpu.memory_space<semaphore_mem>>) src(%arg24 : memref<80xf32, #tpu.memory_space<vmem>>) dst(%dma_wait3A_166 : memref<80xf32, #tpu.memory_space<vmem_shared>>)
      tpu.yield
    }) : () -> ()
    %barrier3A = arith.constant 0 : index
    tpu.barrier barrier_id(%barrier3A)
    %eq3A = arith.constant 0 : i32
    %eq3A_161 = arith.cmpi eq, %arg1, %eq3A : i32
    %convert_element_type3A = arith.extui %eq3A_161 : i1 to i32
    %cond3A = arith.constant 0 : i32
    %cond3A_162 = arith.cmpi ne, %convert_element_type3A, %cond3A : i32
    scf.if %cond3A_162 {
      "tpu.region"() ({
        %run_scoped3A = tpu.sem_alloc : memref<!tpu.dma_semaphore, #tpu.memory_space<semaphore_mem>>
        tpu.enqueue_dma source(%arg25 : memref<1280xf32, #tpu.memory_space<vmem_shared>>) target(%arg26 : memref<1280xf32, #tpu.memory_space<vmem>>) target_semaphore(%run_scoped3A : memref<!tpu.dma_semaphore, #tpu.memory_space<semaphore_mem>>)
        tpu.wait_dma2 semaphore(%run_scoped3A : memref<!tpu.dma_semaphore, #tpu.memory_space<semaphore_mem>>) src(%arg25 : memref<1280xf32, #tpu.memory_space<vmem_shared>>) dst(%arg26 : memref<1280xf32, #tpu.memory_space<vmem>>)
        tpu.yield
      }) : () -> ()
      %get3A_163 = arith.constant 0 : index
      %get3A_164 = tpu.vector_load %arg26[%get3A_163] {strides = array<i32>} : memref<1280xf32, #tpu.memory_space<vmem>>, vector<16xf32>,
      %add3A_165 = arith.addf %broadcast_in_dim3A_93, %get3A_164 : vector<16xf32>
      %get3A_166 = arith.constant 16 : index
      %get3A_167 = tpu.vector_load %arg26[%get3A_166] {strides = array<i32>} : memref<1280xf32, #tpu.memory_space<vmem>>, vector<16xf32>,
      %add3A_168 = arith.addf %broadcast_in_dim3A_93, %get3A_167 : vector<16xf32>
      %get3A_169 = arith.constant 32 : index
      %get3A_170 = tpu.vector_load %arg26[%get3A_169] {strides = array<i32>} : memref<1280xf32, #tpu.memory_space<vmem>>, vector<16xf32>,
      %add3A_171 = arith.addf %broadcast_in_dim3A_93, %get3A_170 : vector<16xf32>
      %get3A_172 = arith.constant 48 : index
      %get3A_173 = tpu.vector_load %arg26[%get3A_172] {strides = array<i32>} : memref<1280xf32, #tpu.memory_space<vmem>>, vector<16xf32>,
      %add3A_174 = arith.addf %broadcast_in_dim3A_93, %get3A_173 : vector<16xf32>
      %get3A_175 = arith.constant 64 : index
      %get3A_176 = tpu.vector_load %arg26[%get3A_175] {strides = array<i32>} : memref<1280xf32, #tpu.memory_space<vmem>>, vector<16xf32>,
      %add3A_177 = arith.addf %broadcast_in_dim3A_93, %get3A_176 : vector<16xf32>
      %get3A_178 = arith.constant 80 : index
      %get3A_179 = tpu.vector_load %arg26[%get3A_178] {strides = array<i32>} : memref<1280xf32, #tpu.memory_space<vmem>>, vector<16xf32>,
      %add3A_180 = arith.addf %add3A_165, %get3A_179 : vector<16xf32>
      %get3A_181 = arith.constant 96 : index
      %get3A_182 = tpu.vector_load %arg26[%get3A_181] {strides = array<i32>} : memref<1280xf32, #tpu.memory_space<vmem>>, vector<16xf32>,
      %add3A_183 = arith.addf %add3A_168, %get3A_182 : vector<16xf32>
      %get3A_184 = arith.constant 112 : index
      %get3A_185 = tpu.vector_load %arg26[%get3A_184] {strides = array<i32>} : memref<1280xf32, #tpu.memory_space<vmem>>, vector<16xf32>,
      %add3A_186 = arith.addf %add3A_171, %get3A_185 : vector<16xf32>
      %get3A_187 = arith.constant 128 : index
      %get3A_188 = tpu.vector_load %arg26[%get3A_187] {strides = array<i32>} : memref<1280xf32, #tpu.memory_space<vmem>>, vector<16xf32>,
      %add3A_189 = arith.addf %add3A_174, %get3A_188 : vector<16xf32>
      %get3A_190 = arith.constant 144 : index
      %get3A_191 = tpu.vector_load %arg26[%get3A_190] {strides = array<i32>} : memref<1280xf32, #tpu.memory_space<vmem>>, vector<16xf32>,
      %add3A_192 = arith.addf %add3A_177, %get3A_191 : vector<16xf32>
      %get3A_193 = arith.constant 160 : index
      %get3A_194 = tpu.vector_load %arg26[%get3A_193] {strides = array<i32>} : memref<1280xf32, #tpu.memory_space<vmem>>, vector<16xf32>,
      %add3A_195 = arith.addf %add3A_180, %get3A_194 : vector<16xf32>
      %get3A_196 = arith.constant 176 : index
      %get3A_197 = tpu.vector_load %arg26[%get3A_196] {strides = array<i32>} : memref<1280xf32, #tpu.memory_space<vmem>>, vector<16xf32>,
      %add3A_198 = arith.addf %add3A_183, %get3A_197 : vector<16xf32>
      %get3A_199 = arith.constant 192 : index
      %get3A_200 = tpu.vector_load %arg26[%get3A_199] {strides = array<i32>} : memref<1280xf32, #tpu.memory_space<vmem>>, vector<16xf32>,
      %add3A_201 = arith.addf %add3A_186, %get3A_200 : vector<16xf32>
      %get3A_202 = arith.constant 208 : index
      %get3A_203 = tpu.vector_load %arg26[%get3A_202] {strides = array<i32>} : memref<1280xf32, #tpu.memory_space<vmem>>, vector<16xf32>,
      %add3A_204 = arith.addf %add3A_189, %get3A_203 : vector<16xf32>
      %get3A_205 = arith.constant 224 : index
      %get3A_206 = tpu.vector_load %arg26[%get3A_205] {strides = array<i32>} : memref<1280xf32, #tpu.memory_space<vmem>>, vector<16xf32>,
      %add3A_207 = arith.addf %add3A_192, %get3A_206 : vector<16xf32>
      %get3A_208 = arith.constant 240 : index
      %get3A_209 = tpu.vector_load %arg26[%get3A_208] {strides = array<i32>} : memref<1280xf32, #tpu.memory_space<vmem>>, vector<16xf32>,
      %add3A_210 = arith.addf %add3A_195, %get3A_209 : vector<16xf32>
      %get3A_211 = arith.constant 256 : index
      %get3A_212 = tpu.vector_load %arg26[%get3A_211] {strides = array<i32>} : memref<1280xf32, #tpu.memory_space<vmem>>, vector<16xf32>,
      %add3A_213 = arith.addf %add3A_198, %get3A_212 : vector<16xf32>
      %get3A_214 = arith.constant 272 : index
      %get3A_215 = tpu.vector_load %arg26[%get3A_214] {strides = array<i32>} : memref<1280xf32, #tpu.memory_space<vmem>>, vector<16xf32>,
      %add3A_216 = arith.addf %add3A_201, %get3A_215 : vector<16xf32>
      %get3A_217 = arith.constant 288 : index
      %get3A_218 = tpu.vector_load %arg26[%get3A_217] {strides = array<i32>} : memref<1280xf32, #tpu.memory_space<vmem>>, vector<16xf32>,
      %add3A_219 = arith.addf %add3A_204, %get3A_218 : vector<16xf32>
      %get3A_220 = arith.constant 304 : index
      %get3A_221 = tpu.vector_load %arg26[%get3A_220] {strides = array<i32>} : memref<1280xf32, #tpu.memory_space<vmem>>, vector<16xf32>,
      %add3A_222 = arith.addf %add3A_207, %get3A_221 : vector<16xf32>
      %get3A_223 = arith.constant 320 : index
      %get3A_224 = tpu.vector_load %arg26[%get3A_223] {strides = array<i32>} : memref<1280xf32, #tpu.memory_space<vmem>>, vector<16xf32>,
      %add3A_225 = arith.addf %add3A_210, %get3A_224 : vector<16xf32>
      %get3A_226 = arith.constant 336 : index
      %get3A_227 = tpu.vector_load %arg26[%get3A_226] {strides = array<i32>} : memref<1280xf32, #tpu.memory_space<vmem>>, vector<16xf32>,
      %add3A_228 = arith.addf %add3A_213, %get3A_227 : vector<16xf32>
      %get3A_229 = arith.constant 352 : index
      %get3A_230 = tpu.vector_load %arg26[%get3A_229] {strides = array<i32>} : memref<1280xf32, #tpu.memory_space<vmem>>, vector<16xf32>,
      %add3A_231 = arith.addf %add3A_216, %get3A_230 : vector<16xf32>
      %get3A_232 = arith.constant 368 : index
      %get3A_233 = tpu.vector_load %arg26[%get3A_232] {strides = array<i32>} : memref<1280xf32, #tpu.memory_space<vmem>>, vector<16xf32>,
      %add3A_234 = arith.addf %add3A_219, %get3A_233 : vector<16xf32>
      %get3A_235 = arith.constant 384 : index
      %get3A_236 = tpu.vector_load %arg26[%get3A_235] {strides = array<i32>} : memref<1280xf32, #tpu.memory_space<vmem>>, vector<16xf32>,
      %add3A_237 = arith.addf %add3A_222, %get3A_236 : vector<16xf32>
      %get3A_238 = arith.constant 400 : index
      %get3A_239 = tpu.vector_load %arg26[%get3A_238] {strides = array<i32>} : memref<1280xf32, #tpu.memory_space<vmem>>, vector<16xf32>,
      %add3A_240 = arith.addf %add3A_225, %get3A_239 : vector<16xf32>
      %get3A_241 = arith.constant 416 : index
      %get3A_242 = tpu.vector_load %arg26[%get3A_241] {strides = array<i32>} : memref<1280xf32, #tpu.memory_space<vmem>>, vector<16xf32>,
      %add3A_243 = arith.addf %add3A_228, %get3A_242 : vector<16xf32>
      %get3A_244 = arith.constant 432 : index
      %get3A_245 = tpu.vector_load %arg26[%get3A_244] {strides = array<i32>} : memref<1280xf32, #tpu.memory_space<vmem>>, vector<16xf32>,
      %add3A_246 = arith.addf %add3A_231, %get3A_245 : vector<16xf32>
      %get3A_247 = arith.constant 448 : index
      %get3A_248 = tpu.vector_load %arg26[%get3A_247] {strides = array<i32>} : memref<1280xf32, #tpu.memory_space<vmem>>, vector<16xf32>,
      %add3A_249 = arith.addf %add3A_234, %get3A_248 : vector<16xf32>
      %get3A_250 = arith.constant 464 : index
      %get3A_251 = tpu.vector_load %arg26[%get3A_250] {strides = array<i32>} : memref<1280xf32, #tpu.memory_space<vmem>>, vector<16xf32>,
      %add3A_252 = arith.addf %add3A_237, %get3A_251 : vector<16xf32>
      %get3A_253 = arith.constant 480 : index
      %get3A_254 = tpu.vector_load %arg26[%get3A_253] {strides = array<i32>} : memref<1280xf32, #tpu.memory_space<vmem>>, vector<16xf32>,
      %add3A_255 = arith.addf %add3A_240, %get3A_254 : vector<16xf32>
      %get3A_256 = arith.constant 496 : index
      %get3A_257 = tpu.vector_load %arg26[%get3A_256] {strides = array<i32>} : memref<1280xf32, #tpu.memory_space<vmem>>, vector<16xf32>,
      %add3A_258 = arith.addf %add3A_243, %get3A_257 : vector<16xf32>
      %get3A_259 = arith.constant 512 : index
      %get3A_260 = tpu.vector_load %arg26[%get3A_259] {strides = array<i32>} : memref<1280xf32, #tpu.memory_space<vmem>>, vector<16xf32>,
      %add3A_261 = arith.addf %add3A_246, %get3A_260 : vector<16xf32>
      %get3A_262 = arith.constant 528 : index
      %get3A_263 = tpu.vector_load %arg26[%get3A_262] {strides = array<i32>} : memref<1280xf32, #tpu.memory_space<vmem>>, vector<16xf32>,
      %add3A_264 = arith.addf %add3A_249, %get3A_263 : vector<16xf32>
      %get3A_265 = arith.constant 544 : index
      %get3A_266 = tpu.vector_load %arg26[%get3A_265] {strides = array<i32>} : memref<1280xf32, #tpu.memory_space<vmem>>, vector<16xf32>,
      %add3A_267 = arith.addf %add3A_252, %get3A_266 : vector<16xf32>
      %get3A_268 = arith.constant 560 : index
      %get3A_269 = tpu.vector_load %arg26[%get3A_268] {strides = array<i32>} : memref<1280xf32, #tpu.memory_space<vmem>>, vector<16xf32>,
      %add3A_270 = arith.addf %add3A_255, %get3A_269 : vector<16xf32>
      %get3A_271 = arith.constant 576 : index
      %get3A_272 = tpu.vector_load %arg26[%get3A_271] {strides = array<i32>} : memref<1280xf32, #tpu.memory_space<vmem>>, vector<16xf32>,
      %add3A_273 = arith.addf %add3A_258, %get3A_272 : vector<16xf32>
      %get3A_274 = arith.constant 592 : index
      %get3A_275 = tpu.vector_load %arg26[%get3A_274] {strides = array<i32>} : memref<1280xf32, #tpu.memory_space<vmem>>, vector<16xf32>,
      %add3A_276 = arith.addf %add3A_261, %get3A_275 : vector<16xf32>
      %get3A_277 = arith.constant 608 : index
      %get3A_278 = tpu.vector_load %arg26[%get3A_277] {strides = array<i32>} : memref<1280xf32, #tpu.memory_space<vmem>>, vector<16xf32>,
      %add3A_279 = arith.addf %add3A_264, %get3A_278 : vector<16xf32>
      %get3A_280 = arith.constant 624 : index
      %get3A_281 = tpu.vector_load %arg26[%get3A_280] {strides = array<i32>} : memref<1280xf32, #tpu.memory_space<vmem>>, vector<16xf32>,
      %add3A_282 = arith.addf %add3A_267, %get3A_281 : vector<16xf32>
      %get3A_283 = arith.constant 640 : index
      %get3A_284 = tpu.vector_load %arg26[%get3A_283] {strides = array<i32>} : memref<1280xf32, #tpu.memory_space<vmem>>, vector<16xf32>,
      %add3A_285 = arith.addf %add3A_270, %get3A_284 : vector<16xf32>
      %get3A_286 = arith.constant 656 : index
      %get3A_287 = tpu.vector_load %arg26[%get3A_286] {strides = array<i32>} : memref<1280xf32, #tpu.memory_space<vmem>>, vector<16xf32>,
      %add3A_288 = arith.addf %add3A_273, %get3A_287 : vector<16xf32>
      %get3A_289 = arith.constant 672 : index
      %get3A_290 = tpu.vector_load %arg26[%get3A_289] {strides = array<i32>} : memref<1280xf32, #tpu.memory_space<vmem>>, vector<16xf32>,
      %add3A_291 = arith.addf %add3A_276, %get3A_290 : vector<16xf32>
      %get3A_292 = arith.constant 688 : index
      %get3A_293 = tpu.vector_load %arg26[%get3A_292] {strides = array<i32>} : memref<1280xf32, #tpu.memory_space<vmem>>, vector<16xf32>,
      %add3A_294 = arith.addf %add3A_279, %get3A_293 : vector<16xf32>
      %get3A_295 = arith.constant 704 : index
      %get3A_296 = tpu.vector_load %arg26[%get3A_295] {strides = array<i32>} : memref<1280xf32, #tpu.memory_space<vmem>>, vector<16xf32>,
      %add3A_297 = arith.addf %add3A_282, %get3A_296 : vector<16xf32>
      %get3A_298 = arith.constant 720 : index
      %get3A_299 = tpu.vector_load %arg26[%get3A_298] {strides = array<i32>} : memref<1280xf32, #tpu.memory_space<vmem>>, vector<16xf32>,
      %add3A_300 = arith.addf %add3A_285, %get3A_299 : vector<16xf32>
      %get3A_301 = arith.constant 736 : index
      %get3A_302 = tpu.vector_load %arg26[%get3A_301] {strides = array<i32>} : memref<1280xf32, #tpu.memory_space<vmem>>, vector<16xf32>,
      %add3A_303 = arith.addf %add3A_288, %get3A_302 : vector<16xf32>
      %get3A_304 = arith.constant 752 : index
      %get3A_305 = tpu.vector_load %arg26[%get3A_304] {strides = array<i32>} : memref<1280xf32, #tpu.memory_space<vmem>>, vector<16xf32>,
      %add3A_306 = arith.addf %add3A_291, %get3A_305 : vector<16xf32>
      %get3A_307 = arith.constant 768 : index
      %get3A_308 = tpu.vector_load %arg26[%get3A_307] {strides = array<i32>} : memref<1280xf32, #tpu.memory_space<vmem>>, vector<16xf32>,
      %add3A_309 = arith.addf %add3A_294, %get3A_308 : vector<16xf32>
      %get3A_310 = arith.constant 784 : index
      %get3A_311 = tpu.vector_load %arg26[%get3A_310] {strides = array<i32>} : memref<1280xf32, #tpu.memory_space<vmem>>, vector<16xf32>,
      %add3A_312 = arith.addf %add3A_297, %get3A_311 : vector<16xf32>
      %get3A_313 = arith.constant 800 : index
      %get3A_314 = tpu.vector_load %arg26[%get3A_313] {strides = array<i32>} : memref<1280xf32, #tpu.memory_space<vmem>>, vector<16xf32>,
      %add3A_315 = arith.addf %add3A_300, %get3A_314 : vector<16xf32>
      %get3A_316 = arith.constant 816 : index
      %get3A_317 = tpu.vector_load %arg26[%get3A_316] {strides = array<i32>} : memref<1280xf32, #tpu.memory_space<vmem>>, vector<16xf32>,
      %add3A_318 = arith.addf %add3A_303, %get3A_317 : vector<16xf32>
      %get3A_319 = arith.constant 832 : index
      %get3A_320 = tpu.vector_load %arg26[%get3A_319] {strides = array<i32>} : memref<1280xf32, #tpu.memory_space<vmem>>, vector<16xf32>,
      %add3A_321 = arith.addf %add3A_306, %get3A_320 : vector<16xf32>
      %get3A_322 = arith.constant 848 : index
      %get3A_323 = tpu.vector_load %arg26[%get3A_322] {strides = array<i32>} : memref<1280xf32, #tpu.memory_space<vmem>>, vector<16xf32>,
      %add3A_324 = arith.addf %add3A_309, %get3A_323 : vector<16xf32>
      %get3A_325 = arith.constant 864 : index
      %get3A_326 = tpu.vector_load %arg26[%get3A_325] {strides = array<i32>} : memref<1280xf32, #tpu.memory_space<vmem>>, vector<16xf32>,
      %add3A_327 = arith.addf %add3A_312, %get3A_326 : vector<16xf32>
      %get3A_328 = arith.constant 880 : index
      %get3A_329 = tpu.vector_load %arg26[%get3A_328] {strides = array<i32>} : memref<1280xf32, #tpu.memory_space<vmem>>, vector<16xf32>,
      %add3A_330 = arith.addf %add3A_315, %get3A_329 : vector<16xf32>
      %get3A_331 = arith.constant 896 : index
      %get3A_332 = tpu.vector_load %arg26[%get3A_331] {strides = array<i32>} : memref<1280xf32, #tpu.memory_space<vmem>>, vector<16xf32>,
      %add3A_333 = arith.addf %add3A_318, %get3A_332 : vector<16xf32>
      %get3A_334 = arith.constant 912 : index
      %get3A_335 = tpu.vector_load %arg26[%get3A_334] {strides = array<i32>} : memref<1280xf32, #tpu.memory_space<vmem>>, vector<16xf32>,
      %add3A_336 = arith.addf %add3A_321, %get3A_335 : vector<16xf32>
      %get3A_337 = arith.constant 928 : index
      %get3A_338 = tpu.vector_load %arg26[%get3A_337] {strides = array<i32>} : memref<1280xf32, #tpu.memory_space<vmem>>, vector<16xf32>,
      %add3A_339 = arith.addf %add3A_324, %get3A_338 : vector<16xf32>
      %get3A_340 = arith.constant 944 : index
      %get3A_341 = tpu.vector_load %arg26[%get3A_340] {strides = array<i32>} : memref<1280xf32, #tpu.memory_space<vmem>>, vector<16xf32>,
      %add3A_342 = arith.addf %add3A_327, %get3A_341 : vector<16xf32>
      %get3A_343 = arith.constant 960 : index
      %get3A_344 = tpu.vector_load %arg26[%get3A_343] {strides = array<i32>} : memref<1280xf32, #tpu.memory_space<vmem>>, vector<16xf32>,
      %add3A_345 = arith.addf %add3A_330, %get3A_344 : vector<16xf32>
      %get3A_346 = arith.constant 976 : index
      %get3A_347 = tpu.vector_load %arg26[%get3A_346] {strides = array<i32>} : memref<1280xf32, #tpu.memory_space<vmem>>, vector<16xf32>,
      %add3A_348 = arith.addf %add3A_333, %get3A_347 : vector<16xf32>
      %get3A_349 = arith.constant 992 : index
      %get3A_350 = tpu.vector_load %arg26[%get3A_349] {strides = array<i32>} : memref<1280xf32, #tpu.memory_space<vmem>>, vector<16xf32>,
      %add3A_351 = arith.addf %add3A_336, %get3A_350 : vector<16xf32>
      %get3A_352 = arith.constant 1008 : index
      %get3A_353 = tpu.vector_load %arg26[%get3A_352] {strides = array<i32>} : memref<1280xf32, #tpu.memory_space<vmem>>, vector<16xf32>,
      %add3A_354 = arith.addf %add3A_339, %get3A_353 : vector<16xf32>
      %get3A_355 = arith.constant 1024 : index
      %get3A_356 = tpu.vector_load %arg26[%get3A_355] {strides = array<i32>} : memref<1280xf32, #tpu.memory_space<vmem>>, vector<16xf32>,
      %add3A_357 = arith.addf %add3A_342, %get3A_356 : vector<16xf32>
      %get3A_358 = arith.constant 1040 : index
      %get3A_359 = tpu.vector_load %arg26[%get3A_358] {strides = array<i32>} : memref<1280xf32, #tpu.memory_space<vmem>>, vector<16xf32>,
      %add3A_360 = arith.addf %add3A_345, %get3A_359 : vector<16xf32>
      %get3A_361 = arith.constant 1056 : index
      %get3A_362 = tpu.vector_load %arg26[%get3A_361] {strides = array<i32>} : memref<1280xf32, #tpu.memory_space<vmem>>, vector<16xf32>,
      %add3A_363 = arith.addf %add3A_348, %get3A_362 : vector<16xf32>
      %get3A_364 = arith.constant 1072 : index
      %get3A_365 = tpu.vector_load %arg26[%get3A_364] {strides = array<i32>} : memref<1280xf32, #tpu.memory_space<vmem>>, vector<16xf32>,
      %add3A_366 = arith.addf %add3A_351, %get3A_365 : vector<16xf32>
      %get3A_367 = arith.constant 1088 : index
      %get3A_368 = tpu.vector_load %arg26[%get3A_367] {strides = array<i32>} : memref<1280xf32, #tpu.memory_space<vmem>>, vector<16xf32>,
      %add3A_369 = arith.addf %add3A_354, %get3A_368 : vector<16xf32>
      %get3A_370 = arith.constant 1104 : index
      %get3A_371 = tpu.vector_load %arg26[%get3A_370] {strides = array<i32>} : memref<1280xf32, #tpu.memory_space<vmem>>, vector<16xf32>,
      %add3A_372 = arith.addf %add3A_357, %get3A_371 : vector<16xf32>
      %get3A_373 = arith.constant 1120 : index
      %get3A_374 = tpu.vector_load %arg26[%get3A_373] {strides = array<i32>} : memref<1280xf32, #tpu.memory_space<vmem>>, vector<16xf32>,
      %add3A_375 = arith.addf %add3A_360, %get3A_374 : vector<16xf32>
      %get3A_376 = arith.constant 1136 : index
      %get3A_377 = tpu.vector_load %arg26[%get3A_376] {strides = array<i32>} : memref<1280xf32, #tpu.memory_space<vmem>>, vector<16xf32>,
      %add3A_378 = arith.addf %add3A_363, %get3A_377 : vector<16xf32>
      %get3A_379 = arith.constant 1152 : index
      %get3A_380 = tpu.vector_load %arg26[%get3A_379] {strides = array<i32>} : memref<1280xf32, #tpu.memory_space<vmem>>, vector<16xf32>,
      %add3A_381 = arith.addf %add3A_366, %get3A_380 : vector<16xf32>
      %get3A_382 = arith.constant 1168 : index
      %get3A_383 = tpu.vector_load %arg26[%get3A_382] {strides = array<i32>} : memref<1280xf32, #tpu.memory_space<vmem>>, vector<16xf32>,
      %add3A_384 = arith.addf %add3A_369, %get3A_383 : vector<16xf32>
      %get3A_385 = arith.constant 1184 : index
      %get3A_386 = tpu.vector_load %arg26[%get3A_385] {strides = array<i32>} : memref<1280xf32, #tpu.memory_space<vmem>>, vector<16xf32>,
      %add3A_387 = arith.addf %add3A_372, %get3A_386 : vector<16xf32>
      %get3A_388 = arith.constant 1200 : index
      %get3A_389 = tpu.vector_load %arg26[%get3A_388] {strides = array<i32>} : memref<1280xf32, #tpu.memory_space<vmem>>, vector<16xf32>,
      %add3A_390 = arith.addf %add3A_375, %get3A_389 : vector<16xf32>
      %get3A_391 = arith.constant 1216 : index
      %get3A_392 = tpu.vector_load %arg26[%get3A_391] {strides = array<i32>} : memref<1280xf32, #tpu.memory_space<vmem>>, vector<16xf32>,
      %add3A_393 = arith.addf %add3A_378, %get3A_392 : vector<16xf32>
      %get3A_394 = arith.constant 1232 : index
      %get3A_395 = tpu.vector_load %arg26[%get3A_394] {strides = array<i32>} : memref<1280xf32, #tpu.memory_space<vmem>>, vector<16xf32>,
      %add3A_396 = arith.addf %add3A_381, %get3A_395 : vector<16xf32>
      %get3A_397 = arith.constant 1248 : index
      %get3A_398 = tpu.vector_load %arg26[%get3A_397] {strides = array<i32>} : memref<1280xf32, #tpu.memory_space<vmem>>, vector<16xf32>,
      %add3A_399 = arith.addf %add3A_384, %get3A_398 : vector<16xf32>
      %get3A_400 = arith.constant 1264 : index
      %get3A_401 = tpu.vector_load %arg26[%get3A_400] {strides = array<i32>} : memref<1280xf32, #tpu.memory_space<vmem>>, vector<16xf32>,
      %add3A_402 = arith.addf %add3A_387, %get3A_401 : vector<16xf32>
      %reduce_sum3A = arith.constant true
      %reduce_sum3A_403 = vector.broadcast %reduce_sum3A : i1 to vector<16xi1>
      %reduce_sum3A_404 = tpu.scan <sum>, %add3A_390 masked %reduce_sum3A_403 : vector<16xf32>, vector<16xi1> -> vector<16xf32>
      %reduce_sum3A_405 = vector.extract %reduce_sum3A_404[15] : f32 from vector<16xf32>
      %reduce_sum3A_406 = arith.constant true
      %reduce_sum3A_407 = vector.broadcast %reduce_sum3A_406 : i1 to vector<16xi1>
      %reduce_sum3A_408 = tpu.scan <sum>, %add3A_393 masked %reduce_sum3A_407 : vector<16xf32>, vector<16xi1> -> vector<16xf32>
      %reduce_sum3A_409 = vector.extract %reduce_sum3A_408[15] : f32 from vector<16xf32>
      %reduce_sum3A_410 = arith.constant true
      %reduce_sum3A_411 = vector.broadcast %reduce_sum3A_410 : i1 to vector<16xi1>
      %reduce_sum3A_412 = tpu.scan <sum>, %add3A_396 masked %reduce_sum3A_411 : vector<16xf32>, vector<16xi1> -> vector<16xf32>
      %reduce_sum3A_413 = vector.extract %reduce_sum3A_412[15] : f32 from vector<16xf32>
      %reduce_sum3A_414 = arith.constant true
      %reduce_sum3A_415 = vector.broadcast %reduce_sum3A_414 : i1 to vector<16xi1>
      %reduce_sum3A_416 = tpu.scan <sum>, %add3A_399 masked %reduce_sum3A_415 : vector<16xf32>, vector<16xi1> -> vector<16xf32>
      %reduce_sum3A_417 = vector.extract %reduce_sum3A_416[15] : f32 from vector<16xf32>
      %reduce_sum3A_418 = arith.constant true
      %reduce_sum3A_419 = vector.broadcast %reduce_sum3A_418 : i1 to vector<16xi1>
      %reduce_sum3A_420 = tpu.scan <sum>, %add3A_402 masked %reduce_sum3A_419 : vector<16xf32>, vector<16xi1> -> vector<16xf32>
      %reduce_sum3A_421 = vector.extract %reduce_sum3A_420[15] : f32 from vector<16xf32>
      %eq3A_422 = arith.constant 0 : i32
      %eq3A_423 = vector.broadcast %eq3A_422 : i32 to vector<16xi32>
      %eq3A_424 = arith.cmpi eq, %iota3A, %eq3A_423 : vector<16xi32>
      %broadcast_in_dim3A_425 = arith.constant 0.000000e+00 : f32
      %broadcast_in_dim3A_426 = vector.broadcast %broadcast_in_dim3A_425 : f32 to vector<16xf32>
      %broadcast_in_dim3A_427 = vector.broadcast %reduce_sum3A_405 : f32 to vector<16xf32>
      %select_n3A = arith.select %eq3A_424, %broadcast_in_dim3A_427, %broadcast_in_dim3A_426 : vector<16xi1>, vector<16xf32>
      %eq3A_428 = arith.constant 1 : i32
      %eq3A_429 = vector.broadcast %eq3A_428 : i32 to vector<16xi32>
      %eq3A_430 = arith.cmpi eq, %iota3A, %eq3A_429 : vector<16xi32>
      %broadcast_in_dim3A_431 = vector.broadcast %reduce_sum3A_409 : f32 to vector<16xf32>
      %select_n3A_432 = arith.select %eq3A_430, %broadcast_in_dim3A_431, %select_n3A : vector<16xi1>, vector<16xf32>
      %eq3A_433 = arith.constant 2 : i32
      %eq3A_434 = vector.broadcast %eq3A_433 : i32 to vector<16xi32>
      %eq3A_435 = arith.cmpi eq, %iota3A, %eq3A_434 : vector<16xi32>
      %broadcast_in_dim3A_436 = vector.broadcast %reduce_sum3A_413 : f32 to vector<16xf32>
      %select_n3A_437 = arith.select %eq3A_435, %broadcast_in_dim3A_436, %select_n3A_432 : vector<16xi1>, vector<16xf32>
      %eq3A_438 = arith.constant 3 : i32
      %eq3A_439 = vector.broadcast %eq3A_438 : i32 to vector<16xi32>
      %eq3A_440 = arith.cmpi eq, %iota3A, %eq3A_439 : vector<16xi32>
      %broadcast_in_dim3A_441 = vector.broadcast %reduce_sum3A_417 : f32 to vector<16xf32>
      %select_n3A_442 = arith.select %eq3A_440, %broadcast_in_dim3A_441, %select_n3A_437 : vector<16xi1>, vector<16xf32>
      %eq3A_443 = arith.constant 4 : i32
      %eq3A_444 = vector.broadcast %eq3A_443 : i32 to vector<16xi32>
      %eq3A_445 = arith.cmpi eq, %iota3A, %eq3A_444 : vector<16xi32>
      %broadcast_in_dim3A_446 = vector.broadcast %reduce_sum3A_421 : f32 to vector<16xf32>
      %select_n3A_447 = arith.select %eq3A_445, %broadcast_in_dim3A_446, %select_n3A_442 : vector<16xi1>, vector<16xf32>
      %swap3A_448 = arith.constant 0 : index
      %swap3A_449 = tpu.vector_load %arg27[%swap3A_448] {strides = array<i32>} : memref<16xf32, #tpu.memory_space<vmem>>, vector<16xf32>,
      tpu.vector_store %arg27[%swap3A_448], %select_n3A_447 {strides = array<i32>} : memref<16xf32, #tpu.memory_space<vmem>>, vector<16xf32>,
      %mul3A_450 = arith.constant 16 : i32
      %mul3A_451 = arith.muli %arg0, %mul3A_450 : i32
      %multiple_of3A_452 = tpu.assume_multiple %mul3A_451, 16 : i32
      "tpu.region"() ({
        %run_scoped3A = tpu.sem_alloc : memref<!tpu.dma_semaphore, #tpu.memory_space<semaphore_mem>>
        %dma_start3A_453 = tpu.memref_slice %arg9[%multiple_of3A_452] : memref<32xf32, #tpu.memory_space<hbm>> -> memref<16xf32, #tpu.memory_space<hbm>>
        %dma_start3A_454 = tpu.memref_slice %arg9[%multiple_of3A_452] : memref<32xf32, #tpu.memory_space<hbm>> -> memref<16xf32, #tpu.memory_space<hbm>>
        tpu.enqueue_dma source(%arg27 : memref<16xf32, #tpu.memory_space<vmem>>) target(%dma_start3A_454 : memref<16xf32, #tpu.memory_space<hbm>>) target_semaphore(%run_scoped3A : memref<!tpu.dma_semaphore, #tpu.memory_space<semaphore_mem>>)
        %dma_wait3A_455 = tpu.memref_slice %arg9[%multiple_of3A_452] : memref<32xf32, #tpu.memory_space<hbm>> -> memref<16xf32, #tpu.memory_space<hbm>>
        %dma_wait3A_456 = tpu.memref_slice %arg9[%multiple_of3A_452] : memref<32xf32, #tpu.memory_space<hbm>> -> memref<16xf32, #tpu.memory_space<hbm>>
        tpu.wait_dma2 semaphore(%run_scoped3A : memref<!tpu.dma_semaphore, #tpu.memory_space<semaphore_mem>>) src(%arg27 : memref<16xf32, #tpu.memory_space<vmem>>) dst(%dma_wait3A_456 : memref<16xf32, #tpu.memory_space<hbm>>)
        tpu.yield
      }) : () -> ()
    } else {
    }
    return
  }
}

</mosaic_0001>

<sc_bundles>
// kernel: kernel.3.cloned.1.call-start
scs
__scs_entry_jumppad:
0x0: {  	(pc) =	sbr.rel $0x88, $3  }
0x1: {  	(tag) =	ssettag $0x0;
	lr =	simm.s32 $0x1  }
0x2: {  	[smem:$0x3F9A] =	sst lr;
	_ =	strace $0xD0000000  }
0x3: {  	_ = 	snop  }
0x4: {  	_ = 	snop  }
0x5: {  	_ = 	snop  }
0x6: {  	_ = 	snop  }
0x7: {  	_ = 	snop  }
__scs_overlays_trampoline_lowered:
0x8: {  	[smem:$0x3FA9] =	sst s0  }
0x9: {  	[smem:$0x3FAA] =	sst s1  }
0xa: {  	[smem:$0x3FAB] =	sst s2  }
0xb: {  	[smem:$0x3FAC] =	sst s3  }
0xc: {  	[smem:$0x3FAD] =	sst s4  }
0xd: {  	[smem:$0x3FAE] =	sst s5  }
0xe: {  	[smem:$0x3FAF] =	sst s6  }
0xf: {  	[smem:$0x3FB0] =	sst s7  }
0x10: {  	[smem:$0x3FB1] =	sst s8  }
0x11: {  	[smem:$0x3FB2] =	sst s9;
	s0 =	simm.s32 @!p0 $0x0  }
0x12: {  	s1 =	sld [smem:$0x3F98];
	s0 =	simm.s32 @p0 $0x1  }
0x13: {  	[smem:$0x3FB3] =	sst s0;
	s0 =	simm.s32 @!p1 $0x0  }
0x14: {  	s2 =	sld [smem:$0x3F97];
	s0 =	simm.s32 @p1 $0x1  }
0x15: {  	[smem:$0x3FB4] =	sst s0;
	s0 =	simm.s32 @!p2 $0x0  }
0x16: {  	s3 =	sld [smem:$0x3FDB];
	s0 =	simm.s32 @p2 $0x1  }
0x17: {  	s4 =	simm.s32 $0x1BF5;
	[smem:$0x3FB6] =	sst s0  }
0x18: {  	s0 =	sld [smem:$0x3F99];
	_ =	swait.ge [sflag:s4], $0x0  }
0x19: {  	s7 =	sld [smem:$0x3F9A]  }
0x1a: {  	s8 =	sadd.s32 $0xFFFFE003, lr  }
0x1b: {  	s9 =	sadd.s32 $0xFFFFFEF7, lr;
	s5 =	simm.s32 $0xFFFFFFFF;
	p2 =	slt.u32 s8, $0xFFFFF086  }
0x1c: {  	p1 =	slt.u32 s9, $0xF7A;
	s5 =	simm.s32 @!p2 $0x0  }
0x1d: {  	s5 =	simm.s32 @p1 $0x1;
	p0 =	seq.s32 s7, s2  }
0x1e: {  	s7 =	smul.u32 @!p0 $0xF7A, s2;
	p2 =	seq.s32 @!p0 s5, $0x0  }
0x1f: {  	s9 =	smul.u32 $0xF7A, s1;
	s8 =	simm.s32 @!p0 $0x1BF5;
	p2 =	por !p2, p0  }
0x20: {  	[sflag:s8] =	ssyncset.s32 @!p0 $0xFFFFF086;
	s6 =	sadd.s32 @!p0 s3, s7;
	s7 =	simm.s32 @!p0 $0x108  }
0x21: {  	s3 =	sadd.s32 s3, s9;
	s6 =	sadd.s32 @!p0 $0x88, s6;
	s7 =	simm.s32 @p2 $0x1082  }
0x22: {  	[simem:s7], [sflag:s8] =	dma.local @!p0 [hbm:s6], $0xF7A  }
0x23: {  	s9 =	sor.u32 $0xD0000000, s2;
	s6 =	simm.s32 $0x108;
	_ =	swait.ge @!p0 [sflag:s8], $0x0  }
0x24: {  	s3 =	sadd.s32 $0x88, s3;
	s6 =	simm.s32 @!p1 $0x1082;
	[sflag:s4] =	ssyncset.s32 $0xFFFFF086  }
0x25: {  	[simem:s6], [sflag:s4] =	dma.local [hbm:s3], $0xF7A  }
0x26: {  	[smem:$0x3F9A] =	sst s1;
	(tag) =	ssettag s2;
	_ =	strace s9  }
0x27: {  	s1 =	sld [smem:$0x3FAA]  }
0x28: {  	s2 =	sld [smem:$0x3FAB]  }
0x29: {  	s4 =	sld [smem:$0x3FAD]  }
0x2a: {  	p0 =	seq.s32 s5, $0x0;
	s5 =	sld [smem:$0x3FAE]  }
0x2b: {  	s6 =	sld [smem:$0x3FAF]  }
0x2c: {  	s7 =	sld [smem:$0x3FB0]  }
0x2d: {  	s3 =	simm.s32 $0x108;
	s8 =	sld [smem:$0x3FB1]  }
0x2e: {  	s3 =	simm.s32 @!p0 $0x1082;
	s9 =	sld [smem:$0x3FB2]  }
0x2f: {  	lr =	sadd.s32 s0, s3;
	s0 =	sld [smem:$0x3FA9]  }
0x30: {  	s3 =	sld [smem:$0x3FAC]  }
0x31: {  	[smem:$0x3FB5] =	sst s10  }
0x32: {  	s10 =	sld [smem:$0x3FB3];
	_ =	sdelay $0x3  }
0x33: {  	p0 =	seq.s32 s10, $0x1;
	s10 =	sld [smem:$0x3FB5];
	_ =	sdelay $0x3  }
0x34: {  	[smem:$0x3FB5] =	sst s10  }
0x35: {  	s10 =	sld [smem:$0x3FB4];
	_ =	sdelay $0x3  }
0x36: {  	p1 =	seq.s32 s10, $0x1;
	s10 =	sld [smem:$0x3FB5];
	_ =	sdelay $0x3  }
0x37: {  	[smem:$0x3FB5] =	sst s10  }
0x38: {  	s10 =	sld [smem:$0x3FB6]  }
0x39: {  	_ = 	snop;
	(pc) =	sbr.ind lr, $3  }
0x3a: {  	_ = 	snop  }
0x3b: {  	_ = 	snop  }
0x3c: {  	p2 =	seq.s32 s10, $0x1;
	s10 =	sld [smem:$0x3FB5]  }
0x3d: {  	_ =	shalt  }
0x3e: {  	_ =	shalt  }
0x3f: {  	_ =	shalt  }
0x40: {  	_ =	shalt  }
0x41: {  	_ =	shalt  }
0x42: {  	_ =	shalt  }
0x43: {  	_ =	shalt  }
0x44: {  	_ =	shalt  }
0x45: {  	_ =	shalt  }
0x46: {  	_ =	shalt  }
0x47: {  	_ =	shalt  }
0x48: {  	_ =	shalt  }
0x49: {  	_ =	shalt  }
0x4a: {  	_ =	shalt  }
0x4b: {  	_ =	shalt  }
0x4c: {  	_ =	shalt  }
0x4d: {  	_ =	shalt  }
0x4e: {  	_ =	shalt  }
0x4f: {  	_ =	shalt  }
0x50: {  	_ =	shalt  }
0x51: {  	_ =	shalt  }
0x52: {  	_ =	shalt  }
0x53: {  	_ =	shalt  }
0x54: {  	_ =	shalt  }
0x55: {  	_ =	shalt  }
0x56: {  	_ =	shalt  }
0x57: {  	_ =	shalt  }
0x58: {  	_ =	shalt  }
0x59: {  	_ =	shalt  }
0x5a: {  	_ =	shalt  }
0x5b: {  	_ =	shalt  }
0x5c: {  	_ =	shalt  }
0x5d: {  	_ =	shalt  }
0x5e: {  	_ =	shalt  }
0x5f: {  	_ =	shalt  }
0x60: {  	_ =	shalt  }
0x61: {  	_ =	shalt  }
0x62: {  	_ =	shalt  }
0x63: {  	_ =	shalt  }
0x64: {  	_ =	shalt  }
0x65: {  	_ =	shalt  }
0x66: {  	_ =	shalt  }
0x67: {  	_ =	shalt  }
0x68: {  	_ =	shalt  }
0x69: {  	_ =	shalt  }
0x6a: {  	_ =	shalt  }
0x6b: {  	_ =	shalt  }
0x6c: {  	_ =	shalt  }
0x6d: {  	_ =	shalt  }
0x6e: {  	_ =	shalt  }
0x6f: {  	_ =	shalt  }
0x70: {  	_ =	shalt  }
0x71: {  	_ =	shalt  }
0x72: {  	_ =	shalt  }
0x73: {  	_ =	shalt  }
0x74: {  	_ =	shalt  }
0x75: {  	_ =	shalt  }
0x76: {  	_ =	shalt  }
0x77: {  	_ =	shalt  }
0x78: {  	_ =	shalt  }
0x79: {  	_ =	shalt  }
0x7a: {  	_ =	shalt  }
0x7b: {  	_ =	shalt  }
0x7c: {  	_ =	shalt  }
0x7d: {  	_ =	shalt  }
0x7e: {  	_ =	shalt  }
0x7f: {  	_ =	shalt  }
0x80: {  	_ =	shalt  }
0x81: {  	_ =	shalt  }
0x82: {  	_ =	shalt  }
0x83: {  	_ =	shalt  }
0x84: {  	_ =	shalt  }
0x85: {  	_ =	shalt  }
0x86: {  	_ =	shalt  }
0x87: {  	_ =	shalt  }
.Lfunc_end0:
.L_simem_size_0:
called_computation_lowered:
.L_overlay_start_0:
0x88: {  	s2 =	sld [smem:$0x3FD9]  }
0x89: {  	s3 =	sld [smem:$0x3FFE];
	_ =	sdelay $0x1  }
0x8a: {  	s1 =	srdreg.scid  }
0x8b: {  	s0 =	sand.u32 $0x1, s1  }
0x8c: {  	s17 =	sshll.u32 s0, $0xA;
	s2 =	sadd.s32 s3, s2  }
0x8d: {  	s2 =	sadd.s32 s2, s17  }
0x8e: {  	[smem:$0x3FC1] =	sst s2  }
0x8f: {  	_ = 	snop  }
0x90: {  	s2 =	sld [smem:$0x3FC9]  }
0x91: {  	s18 =	sld [smem:$0x3FC8]  }
0x92: {  	s4 =	sld [smem:$0x3FC5]  }
0x93: {  	s5 =	sld [smem:$0x3FC4]  }
0x94: {  	s6 =	sld [smem:$0x3FC3];
	(tm) =	ssettm $0x1  }
0x95: {  	s7 =	sld [smem:$0x3FFB];
	_ =	sdelay $0x3  }
0x96: {  	_ =	strace s7  }
0x97: {  	s7 =	sld [smem:$0x3FFC];
	_ =	sdelay $0x3  }
0x98: {  	_ =	strace s7  }
0x99: {  	s7 =	sld [smem:$0x3FFD];
	_ =	sdelay $0x3  }
0x9a: {  	_ =	strace s7  }
0x9b: {  	_ =	strace $0x8FFFFFFF  }
0x9c: {  	s19 =	sld [smem:$0x3FDB];
	_ =	sdelay $0x1  }
0x9d: {  	s8 =	simm.s32 $_scs_section_size  }
0x9e: {  	s9 =	simm.s32 $_size__tile_overlayer_lowered;
	s10 =	simm.s32 $_tile_overlayer_lowered  }
0x9f: {  	s22 =	simm.s32 $0x1BFF;
	s21 =	sshll.u32 s10, $0x1;
	s7 =	sadd.s32 s8, s19  }
0xa0: {  	s11 =	simm.s32 $0x0;
	s20 =	sshll.u32 s9, $0x1;
	s9 =	sadd.s32 s21, s7  }
0xa1: {  	[timem:s11], [sflag:s22] =	dma.local [hbm:s9], s20  }
0xa2: {  	_ =	swait.ge [sflag:s22], s20  }
0xa3: {  	s8 =	ssub.s32 $0x0, s20;
	[sflag:s22] =	ssyncset.done $0x0  }
0xa4: {  	[sflag:s22] =	ssyncadd.s32 s8;
	_ =	sdelay $0x1  }
0xa5: {  	s23 =	simm.s32 $0x1B8B  }
0xa6: {  	_ =	swait.ge [sflag:s23], $0x1  }
0xa7: {  	[sflag:s23] =	ssyncset.done $0x0  }
0xa8: {  	s25 =	simm.s32 $0x1B8E;
	s24 =	sld [smem:$0x3FFE];
	[sflag:s23] =	ssyncadd.s32 $0xFFFFFFFF  }
0xa9: {  	s26 =	simm.s32 $execute0_lowered;
	[smem:$0x3FD2] =	sst s25  }
0xaa: {  	s9 =	sshll.u32 s26, $0x1;
	_ =	strace $0x80000046;
	[dreg:$0x1] =	wrdreg $0xFFFFFFFF  }
0xab: {  	s28 =	simm.s32 $_size_execute0_lowered;
	s7 =	sadd.s32 s7, s9;
	[dreg:$0x0] =	wrdreg $0x0  }
0xac: {  	s9 =	sshll.u32 s28, $0x1;
	[dreg:$0x2] =	wrdreg s7  }
0xad: {  	[dreg:$0x3] =	wrdreg s9  }
0xae: {  	[dreg:$0x4] =	wrdreg $0xC0  }
0xaf: {  	_ =	task [dreg:s11], $0x5FFFF  }
0xb0: {  	[dreg:$0x1] =	wrdreg $0xFFFFFFFF  }
0xb1: {  	[dreg:$0x0] =	wrdreg $0x60  }
0xb2: {  	[dreg:$0x2] =	wrdreg s2  }
0xb3: {  	[dreg:$0x3] =	wrdreg s18  }
0xb4: {  	[dreg:$0x4] =	wrdreg s24  }
0xb5: {  	[dreg:$0x5] =	wrdreg s4  }
0xb6: {  	[dreg:$0x6] =	wrdreg s5  }
0xb7: {  	[dreg:$0x7] =	wrdreg s6  }
0xb8: {  	[dreg:$0x8] =	wrdreg $0x83000  }
0xb9: {  	[dreg:$0x9] =	wrdreg $0x9  }
0xba: {  	_ =	task.clear_ibuf [dreg:s11], $0xAFFFF;
	_ =	strace $0x90000046  }
0xbb: {  	s29 =	simm.s32 $0x9;
	_ =	strace $0x80000048  }
0xbc: {  	_ =	swait.ge [sflag:s29], $0x1  }
0xbd: {  	[sflag:s29] =	ssyncadd.s32 $0xFFFFFFFF  }
0xbe: {  	_ =	strace $0x90000048  }
0xbf: {  	_ =	sfence  }
0xc0: {  	s30 =	sld [smem:$0x0];
	_ =	sdelay $0x2  }
0xc1: {  	s31 =	sshll.u32 s1, $0xD;
	s1 =	sshrl.u32 s1, $0x2  }
0xc2: {  	s3 =	sand.u32 $0x4000, s31;
	s1 =	sadd.s32 s1, s30  }
0xc3: {  	s0 =	sor.u32 s3, s0;
	s1 =	sshll.u32 s1, $0x11  }
0xc4: {  	s0 =	sor.u32 s1, s0  }
0xc5: {  	s0 =	sadd.s32 $0x8F2B, s0  }
0xc6: {  	[sflag:s0] =	ssyncadd.remote.s32 $0x1  }
0xc7: {  	_ =	sfence.sel $0xFFFF  }
0xc8: {  	[dreg:$0x0] =	wrdreg $0xFFFFFFFF;
	(pc) =	sbr.abs _section_cstart, $3  }
0xc9: {  	[dreg:$0x1] =	wrdreg $0xFFFFFFFF  }
0xca: {  	_ =	task.clear_ibuf [dreg:s11], $0x2FFFF;
	_ =	strace $0x9FFFFFFF  }
0xcb: {  	(tm) =	ssettm $0x7FFFFFFF  }
tec
execute0_lowered:
.L_overlay_start_1:
0x0: {  	(tag) =	ssettag $0x1  }
0x1: {  	s0 =	rddreg [dreg:$0x0]  }
0x2: {  	s1 =	rddreg [dreg:$0x1]  }
0x3: {  	s12 =	rddreg [dreg:$0x2]  }
0x4: {  	s2 =	rddreg [dreg:$0x3]  }
0x5: {  	s3 =	rddreg [dreg:$0x4]  }
0x6: {  	s4 =	rddreg [dreg:$0x5]  }
0x7: {  	s13 =	rddreg [dreg:$0x6]  }
0x8: {  	s6 =	simm.s32 $0x0;
	s5 =	srdreg.scid;
	s8 =	stileid.u32  }
0x9: {  	s14 =	simm.s32 $0x400;
	s15 =	simm.s32 $0x7A1400;
	s17 =	simm.s32 $0x100  }
0xa: {  	s18 =	simm.s32 $0x4100;
	s16 =	simm.s32 $0x1100;
	s19 =	simm.s32 $0x5100  }
0xb: {  	s28 =	simm.s32 $0x7100;
	s30 =	simm.s32 $0x4;
	s29 =	simm.s32 $0x6100  }
0xc: {  	s31 =	simm.s32 $0x7100;
	[smem:$0x7FF] =	sst s6;
	s5 =	sand.u32 $0x1, s5  }
0xd: {  	s20 =	sadd.s32 $0x1EA00, s12;
	s10 =	sshll.u32 s8, $0x4;
	s11 =	smul.u32 $0x140, s8  }
0xe: {  	p0 =	sne.s32 s8, $0x0;
	_ =	strace $0x80000047;
	[dreg:$0x8] =	wrdreg s20  }
0xf: {  	s21 =	ssub.s32 $0x2, s5;
	s7 =	sshll.u32 s5, $0x1;
	s5 =	sshll.u32 s5, $0x8  }
0x10: {  	s20 =	simm.s32 $0x2100;
	s9 =	sshrl.u32 s21, $0x1;
	s7 =	sadd.s32 s7, s12  }
0x11: {  	s5 =	sor.u32 s10, s5;
	s23 =	sshrl.u32 s11, $0x2;
	s11 =	simm.s32 $0x3  }
0x12: {  	s10 =	simm.s32 $0x0;
	s6 =	ssub.s32 s21, s9;
	s3 =	sadd.s32 s3, s5  }
0x13: {  	v0 =	vlaneseq.u32;
	s22 =	sadd.s32 s4, s5;
	s2 =	sadd.s32 s2, s5;
	[dreg:$0x9] =	wrdreg s3  }
0x14: {  	vm0 =	vmmov $0x1;
	vm1 =	vmmov $0x3;
	vm2 =	vmmov $0x7;
	s24 =	sadd.s32 s23, s13;
	s25 =	sadd.s32 $0x3D400, s7;
	[dreg:$0xa] =	wrdreg s22  }
.Ltmp0:
0x15: {  	vm3 =	vmmov $0xf;
	vm4 =	vmmov $0x1f;
	vm5 =	vmmov $0x3f;
	s9 =	simm.s32 $0xB;
	[dreg:$0xb] =	wrdreg s2;
	(pc) =	sbr.rel .LBB2_1-.Ltmp0, $4  }
0x16: {  	vm6 =	vmmov $0x7f;
	vm7 =	vmmov $0xff;
	vm8 =	vmmov $0x1ff;
	s21 =	simm.s32 $0x6100;
	s4 =	simm.s32 $0x2;
	[dreg:$0xc] =	wrdreg s24  }
0x17: {  	vm9 =	vmmov $0x3ff;
	vm10 =	vmmov $0x7ff;
	v0 =	vmul.u32 $0x80, v0;
	s23 =	simm.s32 $0x6;
	s7 =	simm.s32 $0x7;
	[dreg:$0xd] =	wrdreg s25  }
0x18: {  	vm11 =	vmmov $0xfff;
	vm12 =	vmmov $0x1fff;
	vm13 =	vmmov $0x3fff;
	s26 =	smax.u32 s6, $0x1;
	s22 =	simm.s32 $0x1;
	s2 =	simm.s32 $0x5  }
0x19: {  	vm14 =	vmmov $0x7fff;
	v2 =	vimm.s32 $0x0;
	v1 =	vor.u32 $0x800, v0;
	s6 =	simm.s32 $0x8;
	[dreg:$0xe] =	wrdreg s26;
	s26 =	simm.s32 $0x3100  }
.LBB2_5:
0x1a: {  	s10 =	sadd.s32 $0x1, s10;
	s3 =	rddreg [dreg:$0xe]  }
0x1b: {  	p1 =	sne.s32 s10, s3  }
.Ltmp1:
0x1c: {  	_ = 	snop;
	(pc) =	sbr.rel @!p1 .LBB2_6-.Ltmp1, $1  }
0x1d: {  	_ =	sdelay $0x3  }
.LBB2_1:
0x1e: {  	[dreg:$0xf] =	wrdreg s10  }
0x1f: {  	s5 =	simm.s32 $0x0;
	s3 =	rddreg [dreg:$0x9]  }
0x20: {  	[tilespmem:s5], [sflag:$0xB] =	stream.linear.gather [hbm4b:s3+s5], $0x80, $0x38;
	[tilespmem:$0x88D0] =	vst v63  }
0x21: {  	_ =	swait.ge [sflag:s9], $0x80  }
0x22: {  	[sflag:s9] =	ssyncset.done $0x0  }
0x23: {  	s13 =	simm.s32 $0x80;
	s25 =	rddreg [dreg:$0xa];
	[sflag:s9] =	ssyncadd.s32 $0xFFFFFF80  }
0x24: {  	[tilespmem:s13], [sflag:$0xB] =	stream.linear.gather [hbm4b:s25+s5], $0x80, $0x38;
	[tilespmem:$0x88D0] =	vst v63  }
0x25: {  	_ =	swait.ge [sflag:s9], $0x80  }
0x26: {  	[sflag:s9] =	ssyncset.done $0x0  }
0x27: {  	s24 =	simm.s32 $0x8200;
	s8 =	rddreg [dreg:$0xb];
	[sflag:s9] =	ssyncadd.s32 $0xFFFFFF80  }
0x28: {  	[tilespmem:s24], [sflag:$0xB] =	stream.linear.gather [hbm4b:s8+s5], $0x80, $0x38;
	[tilespmem:$0x88D0] =	vst v63  }
0x29: {  	_ =	swait.ge [sflag:s9], $0x80  }
0x2a: {  	[sflag:s9] =	ssyncset.done $0x0  }
0x2b: {  	[sflag:s9] =	ssyncadd.s32 $0xFFFFFF80  }
0x2c: {  	s8 =	simm.s32 $0x8100;
	s9 =	rddreg [dreg:$0x2]  }
0x2d: {  	[tilespmem:s8], [sflag:$0x9] =	stream.indirect.gather [hbm4b:s9+s13], $0x1, s5, s13, $0xb8;
	[tilespmem:$0x88D0] =	vst v63  }
0x2e: {  	s10 =	rddreg [dreg:$0x8];
	s9 =	simm.s32 $0x8180  }
0x2f: {  	[tilespmem:s9], [sflag:$0xA] =	stream.indirect.gather [hbm4b:s10+s13], $0x1, s13, s13, $0xb8;
	[tilespmem:$0x88D0] =	vst v63  }
0x30: {  	v3 =	vld [tilespmem:$0x0]  }
0x31: {  	v4 =	vld [tilespmem:$0x80];
	_ =	sdelay $0x3  }
0x32: {  	(v2sf) =	vpush v3, $0x0  }
0x33: {  	(v2sf) =	vpush v4, $0x0;
	_ =	sdelay $0x1  }
0x34: {  	(v2sf) =	vpush v3, $0x1;
	_ =	sdelay $0x4  }
0x35: {  	(v2sf) =	vpush v4, $0x1  }
0x36: {  	(v2sf) =	vpush v3, $0x2;
	_ =	sdelay $0x5  }
0x37: {  	s12 =	spop (v2sf);
	(v2sf) =	vpush v4, $0x2  }
0x38: {  	s25 =	spop (v2sf);
	(v2sf) =	vpush v3, $0x3  }
0x39: {  	s3 =	sand.u32 $0xFFFFF80, s12  }
0x3a: {  	s3 =	sadd.s32 s0, s3;
	s5 =	spop (v2sf)  }
0x3b: {  	(v2sf) =	vpush v4, $0x3;
	[tilespmem:s17], [sflag:$0x1] =	stream.strided.gather [hbm4b:s3+s14], $0x1000, s15, s14, $0x38;
	[tilespmem:$0x88D0] =	vst v63  }
0x3c: {  	s3 =	sand.u32 $0xFFFFF80, s25  }
0x3d: {  	s3 =	sadd.s32 s1, s3  }
0x3e: {  	[tilespmem:s18], [sflag:$0x5] =	stream.strided.gather [hbm4b:s3+s14], $0x1000, s15, s14, $0x38;
	[tilespmem:$0x88D0] =	vst v63  }
0x3f: {  	s10 =	spop (v2sf);
	s3 =	sand.u32 $0xFFFFF80, s5  }
0x40: {  	s12 =	sand.u32 $0xFFFFF80, s10;
	s25 =	spop (v2sf);
	s3 =	sadd.s32 s0, s3  }
0x41: {  	[tilespmem:s16], [sflag:$0x2] =	stream.strided.gather [hbm4b:s3+s14], $0x1000, s15, s14, $0x38;
	[tilespmem:$0x88D0] =	vst v63  }
0x42: {  	s5 =	sand.u32 $0xFFFFF80, s25;
	s3 =	sadd.s32 s1, s12  }
0x43: {  	[tilespmem:s19], [sflag:$0x6] =	stream.strided.gather [hbm4b:s3+s14], $0x1000, s15, s14, $0x38;
	[tilespmem:$0x88D0] =	vst v63  }
0x44: {  	s3 =	sadd.s32 s0, s5  }
0x45: {  	[tilespmem:s20], [sflag:$0x3] =	stream.strided.gather [hbm4b:s3+s14], $0x1000, s15, s14, $0x38;
	[tilespmem:$0x88D0] =	vst v63  }
0x46: {  	s10 =	spop (v2sf)  }
0x47: {  	s12 =	sand.u32 $0xFFFFF80, s10;
	s25 =	spop (v2sf)  }
0x48: {  	s3 =	sadd.s32 s1, s12;
	s5 =	sand.u32 $0xFFFFF80, s25  }
0x49: {  	[tilespmem:s21], [sflag:$0x7] =	stream.strided.gather [hbm4b:s3+s14], $0x1000, s15, s14, $0x38;
	[tilespmem:$0x88D0] =	vst v63  }
0x4a: {  	s10 =	spop (v2sf);
	s3 =	sadd.s32 s0, s5  }
0x4b: {  	[tilespmem:s26], [sflag:$0x4] =	stream.strided.gather [hbm4b:s3+s14], $0x1000, s15, s14, $0x38;
	[tilespmem:$0x88D0] =	vst v63  }
0x4c: {  	s3 =	sand.u32 $0xFFFFF80, s10  }
0x4d: {  	s12 =	simm.s32 $0x9;
	s3 =	sadd.s32 s1, s3  }
0x4e: {  	[tilespmem:s28], [sflag:$0x8] =	stream.strided.gather [hbm4b:s3+s14], $0x1000, s15, s14, $0x38;
	[tilespmem:$0x88D0] =	vst v63  }
0x4f: {  	_ =	swait.ge [sflag:s12], $0x80  }
0x50: {  	[sflag:s12] =	ssyncset.done $0x0  }
0x51: {  	s25 =	simm.s32 $0xA;
	[sflag:s12] =	ssyncadd.s32 $0xFFFFFF80  }
0x52: {  	_ =	swait.ge [sflag:s25], $0x80  }
0x53: {  	v5 =	vimm.f32 $0.0e+00;
	v6 =	vimm.f32 $0.0e+00;
	[sflag:s25] =	ssyncset.done $0x0  }
0x54: {  	v7 =	vimm.f32 $0.0e+00;
	v3 =	vimm.f32 $0.0e+00;
	v4 =	vimm.f32 $0.0e+00;
	s10 =	simm.s32 $0x0;
	s12 =	simm.s32 $0x0;
	[sflag:s25] =	ssyncadd.s32 $0xFFFFFF80  }
.LBB2_2:
0x55: {  	v15 =	vld [tilespmem:s10+$0x0]  }
0x56: {  	[dreg:$0x11] =	wrdreg s24;
	s3 =	smin.u32 s12, $0x60;
	v14 =	vld [tilespmem:s13+$0x0]  }
0x57: {  	[dreg:$0x10] =	wrdreg s13;
	v9 =	vld [tilespmem:s3+$0x10]  }
0x58: {  	v10 =	vld [tilespmem:s3+$0x90];
	_ =	swait.ge [sflag:s22], $0x1000  }
0x59: {  	[sflag:s22] =	ssyncset.done $0x0  }
0x5a: {  	[sflag:s22] =	ssyncadd.s32 $0xFFFFF000  }
0x5b: {  	_ =	swait.ge [sflag:s2], $0x1000  }
0x5c: {  	(v2sf) =	vpush v15, $0x0;
	_ =	sdelay $0x1  }
0x5d: {  	(v2sf) =	vpush v14, $0x0;
	_ =	sdelay $0xc  }
0x5e: {  	s5 =	spop (v2sf)  }
0x5f: {  	s3 =	sand.u32 $0x7F, s5  }
0x60: {  	s5 =	spop (v2sf);
	v8 =	vor.u32 s3, v0  }
0x61: {  	s5 =	sand.u32 $0x7F, s5;
	v11 =	vor.u32 s3, v1  }
0x62: {  	v12 =	vor.u32 s5, v0  }
0x63: {  	[sflag:s2] =	ssyncset.done $0x0;
	v13 =	vor.u32 s5, v1  }
0x64: {  	[sflag:s2] =	ssyncadd.s32 $0xFFFFF000  }
0x65: {  	v8 =	vld.idx.msk [tilespmem:v8+s17+$0x0], $0xffff  }
0x66: {  	(v2sf) =	vpush v15, $0x4;
	v11 =	vld.idx.msk [tilespmem:v11+s17+$0x0], $0xffff  }
0x67: {  	v12 =	vld.idx.msk [tilespmem:v12+s18+$0x0], $0xffff  }
0x68: {  	(v2sf) =	vpush v14, $0x4;
	v13 =	vld.idx.msk [tilespmem:v13+s18+$0x0], $0xffff;
	_ =	sdelay $0x4  }
0x69: {  	v8 =	vmul.f32 v12, v8;
	v11 =	vmul.f32 v13, v11;
	_ =	sdelay $0x1  }
0x6a: {  	v8 =	vadd.f32 v11, v8;
	_ =	sdelay $0x1  }
0x6b: {  	(xrf2) =	vadd.scan.msk.f32 $0xffff, v8;
	_ =	sdelay $0x3  }
0x6c: {  	s25 =	spop (v2sf)  }
0x6d: {  	s13 =	sand.u32 $0xFFFFF80, s25  }
0x6e: {  	s24 =	spop (v2sf);
	s3 =	sadd.s32 s0, s13  }
0x6f: {  	[tilespmem:s17], [sflag:$0x1] =	stream.strided.gather [hbm4b:s3+s14], $0x1000, s15, s14, $0x38;
	[tilespmem:$0x88D0] =	vst v63  }
0x70: {  	s17 =	sand.u32 $0xFFFFF80, s24  }
0x71: {  	s3 =	sadd.s32 s1, s17  }
0x72: {  	[tilespmem:s18], [sflag:$0x5] =	stream.strided.gather [hbm4b:s3+s14], $0x1000, s15, s14, $0x38;
	v8, _, _ =	vpop (xrf2);
	[tilespmem:$0x88D0] =	vst v63  }
0x73: {  	_ =	swait.ge [sflag:s4], $0x1000  }
0x74: {  	[sflag:s4] =	ssyncset.done $0x0  }
0x75: {  	[sflag:s4] =	ssyncadd.s32 $0xFFFFF000  }
0x76: {  	_ =	swait.ge [sflag:s23], $0x1000  }
0x77: {  	(v2sf) =	vpush v15, $0x1;
	_ =	sdelay $0x1  }
0x78: {  	(v2sf) =	vpush v14, $0x1;
	_ =	sdelay $0xc  }
0x79: {  	s22 =	spop (v2sf)  }
0x7a: {  	s3 =	sand.u32 $0x7F, s22  }
0x7b: {  	s2 =	spop (v2sf);
	v29 =	vor.u32 s3, v0  }
0x7c: {  	s5 =	sand.u32 $0x7F, s2;
	v30 =	vor.u32 s3, v1  }
0x7d: {  	v31 =	vor.u32 s5, v0  }
0x7e: {  	[sflag:s23] =	ssyncset.done $0x0;
	v16 =	vor.u32 s5, v1  }
0x7f: {  	[sflag:s23] =	ssyncadd.s32 $0xFFFFF000  }
0x80: {  	v11 =	vld.idx.msk [tilespmem:v29+s16+$0x0], $0xffff  }
0x81: {  	v12 =	vld.idx.msk [tilespmem:v30+s16+$0x0], $0xffff  }
0x82: {  	(v2sf) =	vpush v15, $0x5;
	v13 =	vld.idx.msk [tilespmem:v31+s19+$0x0], $0xffff  }
0x83: {  	(v2sf) =	vpush v14, $0x5;
	v16 =	vld.idx.msk [tilespmem:v16+s19+$0x0], $0xffff;
	_ =	sdelay $0x4  }
0x84: {  	v11 =	vmul.f32 v13, v11;
	v12 =	vmul.f32 v16, v12;
	_ =	sdelay $0x1  }
0x85: {  	v11 =	vadd.f32 v12, v11;
	_ =	sdelay $0x1  }
0x86: {  	(xrf2) =	vadd.scan.msk.f32 $0xffff, v11;
	_ =	sdelay $0x4  }
0x87: {  	s13 =	spop (v2sf)  }
0x88: {  	s4 =	sand.u32 $0xFFFFF80, s13;
	s5 =	spop (v2sf)  }
0x89: {  	s3 =	sadd.s32 s0, s4;
	s17 =	sand.u32 $0xFFFFF80, s5  }
0x8a: {  	[tilespmem:s16], [sflag:$0x2] =	stream.strided.gather [hbm4b:s3+s14], $0x1000, s15, s14, $0x38;
	[tilespmem:$0x88D0] =	vst v63  }
0x8b: {  	s3 =	sadd.s32 s1, s17  }
0x8c: {  	[tilespmem:s19], [sflag:$0x6] =	stream.strided.gather [hbm4b:s3+s14], $0x1000, s15, s14, $0x38;
	v11, _, _ =	vpop (xrf2);
	[tilespmem:$0x88D0] =	vst v63  }
0x8d: {  	_ =	swait.ge [sflag:s11], $0x1000  }
0x8e: {  	[sflag:s11] =	ssyncset.done $0x0  }
0x8f: {  	[sflag:s11] =	ssyncadd.s32 $0xFFFFF000  }
0x90: {  	_ =	swait.ge [sflag:s7], $0x1000  }
0x91: {  	(v2sf) =	vpush v15, $0x2;
	_ =	sdelay $0x1  }
0x92: {  	(v2sf) =	vpush v14, $0x2;
	_ =	sdelay $0xc  }
0x93: {  	s18 =	spop (v2sf)  }
0x94: {  	s3 =	sand.u32 $0x7F, s18  }
0x95: {  	s22 =	spop (v2sf);
	v32 =	vor.u32 s3, v0  }
0x96: {  	s16 =	sand.u32 $0x7F, s22;
	v33 =	vor.u32 s3, v1  }
0x97: {  	s19 =	simm.s32 $0x7;
	v34 =	vor.u32 s16, v0  }
0x98: {  	[sflag:s19] =	ssyncset.done $0x0;
	v17 =	vor.u32 s16, v1  }
0x99: {  	[sflag:s19] =	ssyncadd.s32 $0xFFFFF000  }
0x9a: {  	v12 =	vld.idx.msk [tilespmem:v32+s20+$0x0], $0xffff  }
0x9b: {  	v13 =	vld.idx.msk [tilespmem:v33+s20+$0x0], $0xffff  }
0x9c: {  	(v2sf) =	vpush v15, $0x6;
	v16 =	vld.idx.msk [tilespmem:v34+s21+$0x0], $0xffff  }
0x9d: {  	(v2sf) =	vpush v14, $0x6;
	v17 =	vld.idx.msk [tilespmem:v17+s21+$0x0], $0xffff;
	_ =	sdelay $0x4  }
0x9e: {  	v12 =	vmul.f32 v16, v12;
	v13 =	vmul.f32 v17, v13;
	_ =	sdelay $0x1  }
0x9f: {  	v12 =	vadd.f32 v13, v12;
	_ =	sdelay $0x1  }
0xa0: {  	(xrf2) =	vadd.scan.msk.f32 $0xffff, v12;
	_ =	sdelay $0x4  }
0xa1: {  	s16 =	spop (v2sf)  }
0xa2: {  	s2 =	sand.u32 $0xFFFFF80, s16;
	s3 =	spop (v2sf)  }
0xa3: {  	s17 =	sadd.s32 s0, s2;
	s4 =	sand.u32 $0xFFFFF80, s3  }
0xa4: {  	[tilespmem:s20], [sflag:$0x3] =	stream.strided.gather [hbm4b:s17+s14], $0x1000, s15, s14, $0x38;
	[tilespmem:$0x88D0] =	vst v63  }
0xa5: {  	s17 =	sadd.s32 s1, s4  }
0xa6: {  	[tilespmem:s29], [sflag:$0x7] =	stream.strided.gather [hbm4b:s17+s14], $0x1000, s15, s14, $0x38;
	v12, _, _ =	vpop (xrf2);
	[tilespmem:$0x88D0] =	vst v63  }
0xa7: {  	_ =	swait.ge [sflag:s30], $0x1000  }
0xa8: {  	[sflag:s30] =	ssyncset.done $0x0  }
0xa9: {  	[sflag:s30] =	ssyncadd.s32 $0xFFFFF000  }
0xaa: {  	_ =	swait.ge [sflag:s6], $0x1000  }
0xab: {  	(v2sf) =	vpush v15, $0x3;
	_ =	sdelay $0x1  }
0xac: {  	(v2sf) =	vpush v14, $0x3;
	_ =	sdelay $0xc  }
0xad: {  	s18 =	spop (v2sf)  }
0xae: {  	s17 =	sand.u32 $0x7F, s18  }
0xaf: {  	s19 =	spop (v2sf);
	v35 =	vor.u32 s17, v0  }
0xb0: {  	s18 =	sand.u32 $0x7F, s19;
	v36 =	vor.u32 s17, v1  }
0xb1: {  	v37 =	vor.u32 s18, v0  }
0xb2: {  	[sflag:s6] =	ssyncset.done $0x0;
	v18 =	vor.u32 s18, v1  }
0xb3: {  	[sflag:s6] =	ssyncadd.s32 $0xFFFFF000  }
0xb4: {  	v13 =	vld.idx.msk [tilespmem:v35+s26+$0x0], $0xffff  }
0xb5: {  	v16 =	vld.idx.msk [tilespmem:v36+s26+$0x0], $0xffff  }
0xb6: {  	(v2sf) =	vpush v15, $0x7;
	v17 =	vld.idx.msk [tilespmem:v37+s28+$0x0], $0xffff  }
0xb7: {  	(v2sf) =	vpush v14, $0x7;
	v18 =	vld.idx.msk [tilespmem:v18+s28+$0x0], $0xffff;
	_ =	sdelay $0x4  }
0xb8: {  	v13 =	vmul.f32 v17, v13;
	v16 =	vmul.f32 v18, v16;
	_ =	sdelay $0x1  }
0xb9: {  	v13 =	vadd.f32 v16, v13;
	_ =	sdelay $0x1  }
0xba: {  	(xrf2) =	vadd.scan.msk.f32 $0xffff, v13;
	_ =	sdelay $0x4  }
0xbb: {  	s18 =	spop (v2sf)  }
0xbc: {  	s20 =	sand.u32 $0xFFFFF80, s18;
	s17 =	spop (v2sf)  }
0xbd: {  	s30 =	simm.s32 $0x3100;
	s19 =	sadd.s32 s0, s20;
	s20 =	sand.u32 $0xFFFFF80, s17  }
0xbe: {  	[tilespmem:s30], [sflag:$0x4] =	stream.strided.gather [hbm4b:s19+s14], $0x1000, s15, s14, $0x38;
	[tilespmem:$0x88D0] =	vst v63  }
0xbf: {  	s2 =	simm.s32 $0x1;
	s19 =	sadd.s32 s1, s20  }
0xc0: {  	[tilespmem:s28], [sflag:$0x8] =	stream.strided.gather [hbm4b:s19+s14], $0x1000, s15, s14, $0x38;
	v13, _, _ =	vpop (xrf2);
	[tilespmem:$0x88D0] =	vst v63  }
0xc1: {  	s20 =	sand.u32 $0x7F, s25;
	_ =	swait.ge [sflag:s2], $0x1000  }
0xc2: {  	v38 =	vor.u32 s20, v0;
	[sflag:s2] =	ssyncset.done $0x0  }
0xc3: {  	s4 =	simm.s32 $0x5;
	s25 =	sand.u32 $0x7F, s24;
	v39 =	vor.u32 s20, v1;
	[sflag:s2] =	ssyncadd.s32 $0xFFFFF000  }
0xc4: {  	v40 =	vor.u32 s25, v0;
	_ =	swait.ge [sflag:s4], $0x1000  }
0xc5: {  	v19 =	vor.u32 s25, v1;
	[sflag:s4] =	ssyncset.done $0x0  }
0xc6: {  	s21 =	simm.s32 $0x100;
	[sflag:s4] =	ssyncadd.s32 $0xFFFFF000  }
0xc7: {  	v16 =	vld.idx.msk [tilespmem:v38+s21+$0x0], $0xffff  }
0xc8: {  	s22 =	simm.s32 $0x4100;
	v17 =	vld.idx.msk [tilespmem:v39+s21+$0x0], $0xffff  }
0xc9: {  	(v2sf) =	vpush v15, $0x8;
	v18 =	vld.idx.msk [tilespmem:v40+s22+$0x0], $0xffff  }
0xca: {  	(v2sf) =	vpush v14, $0x8;
	v19 =	vld.idx.msk [tilespmem:v19+s22+$0x0], $0xffff;
	_ =	sdelay $0x4  }
0xcb: {  	v16 =	vmul.f32 v18, v16;
	v17 =	vmul.f32 v19, v17;
	_ =	sdelay $0x1  }
0xcc: {  	v16 =	vadd.f32 v17, v16;
	_ =	sdelay $0x1  }
0xcd: {  	(xrf2) =	vadd.scan.msk.f32 $0xffff, v16;
	_ =	sdelay $0x4  }
0xce: {  	s25 =	spop (v2sf)  }
0xcf: {  	s20 =	sand.u32 $0xFFFFF80, s25;
	s24 =	spop (v2sf)  }
0xd0: {  	s19 =	sadd.s32 s0, s20;
	s20 =	sand.u32 $0xFFFFF80, s24  }
0xd1: {  	[tilespmem:s21], [sflag:$0x1] =	stream.strided.gather [hbm4b:s19+s14], $0x1000, s15, s14, $0x38;
	[tilespmem:$0x88D0] =	vst v63  }
0xd2: {  	s4 =	simm.s32 $0x2;
	s19 =	sadd.s32 s1, s20  }
0xd3: {  	[tilespmem:s22], [sflag:$0x5] =	stream.strided.gather [hbm4b:s19+s14], $0x1000, s15, s14, $0x38;
	v16, _, _ =	vpop (xrf2);
	[tilespmem:$0x88D0] =	vst v63  }
0xd4: {  	s13 =	sand.u32 $0x7F, s13;
	_ =	swait.ge [sflag:s4], $0x1000  }
0xd5: {  	v41 =	vor.u32 s13, v0;
	[sflag:s4] =	ssyncset.done $0x0  }
0xd6: {  	s5 =	sand.u32 $0x7F, s5;
	v42 =	vor.u32 s13, v1;
	s11 =	simm.s32 $0x6;
	[sflag:s4] =	ssyncadd.s32 $0xFFFFF000  }
0xd7: {  	v43 =	vor.u32 s5, v0;
	_ =	swait.ge [sflag:s11], $0x1000  }
0xd8: {  	v20 =	vor.u32 s5, v1;
	[sflag:s11] =	ssyncset.done $0x0  }
0xd9: {  	s23 =	simm.s32 $0x1100;
	[sflag:s11] =	ssyncadd.s32 $0xFFFFF000  }
0xda: {  	v17 =	vld.idx.msk [tilespmem:v41+s23+$0x0], $0xffff  }
0xdb: {  	s26 =	simm.s32 $0x5100;
	v18 =	vld.idx.msk [tilespmem:v42+s23+$0x0], $0xffff  }
0xdc: {  	(v2sf) =	vpush v15, $0x9;
	v19 =	vld.idx.msk [tilespmem:v43+s26+$0x0], $0xffff  }
0xdd: {  	(v2sf) =	vpush v14, $0x9;
	v20 =	vld.idx.msk [tilespmem:v20+s26+$0x0], $0xffff;
	_ =	sdelay $0x4  }
0xde: {  	v17 =	vmul.f32 v19, v17;
	v18 =	vmul.f32 v20, v18;
	_ =	sdelay $0x1  }
0xdf: {  	v17 =	vadd.f32 v18, v17;
	_ =	sdelay $0x1  }
0xe0: {  	(xrf2) =	vadd.scan.msk.f32 $0xffff, v17;
	_ =	sdelay $0x4  }
0xe1: {  	s19 =	spop (v2sf)  }
0xe2: {  	s20 =	sand.u32 $0xFFFFF80, s19;
	s5 =	spop (v2sf)  }
0xe3: {  	s13 =	sadd.s32 s0, s20;
	s20 =	sand.u32 $0xFFFFF80, s5  }
0xe4: {  	[tilespmem:s23], [sflag:$0x2] =	stream.strided.gather [hbm4b:s13+s14], $0x1000, s15, s14, $0x38;
	[tilespmem:$0x88D0] =	vst v63  }
0xe5: {  	s7 =	simm.s32 $0x3;
	s13 =	sadd.s32 s1, s20  }
0xe6: {  	[tilespmem:s26], [sflag:$0x6] =	stream.strided.gather [hbm4b:s13+s14], $0x1000, s15, s14, $0x38;
	v17, _, _ =	vpop (xrf2);
	[tilespmem:$0x88D0] =	vst v63  }
0xe7: {  	s20 =	sand.u32 $0x7F, s16;
	_ =	swait.ge [sflag:s7], $0x1000  }
0xe8: {  	v44 =	vor.u32 s20, v0;
	[sflag:s7] =	ssyncset.done $0x0  }
0xe9: {  	s3 =	sand.u32 $0x7F, s3;
	v45 =	vor.u32 s20, v1;
	[sflag:s7] =	ssyncadd.s32 $0xFFFFF000;
	s7 =	simm.s32 $0x7  }
0xea: {  	v46 =	vor.u32 s3, v0;
	_ =	swait.ge [sflag:s7], $0x1000  }
0xeb: {  	v21 =	vor.u32 s3, v1;
	[sflag:s7] =	ssyncset.done $0x0  }
0xec: {  	s28 =	simm.s32 $0x2100;
	[sflag:s7] =	ssyncadd.s32 $0xFFFFF000  }
0xed: {  	v18 =	vld.idx.msk [tilespmem:v44+s28+$0x0], $0xffff  }
0xee: {  	v19 =	vld.idx.msk [tilespmem:v45+s28+$0x0], $0xffff  }
0xef: {  	(v2sf) =	vpush v15, $0xA;
	v20 =	vld.idx.msk [tilespmem:v46+s29+$0x0], $0xffff  }
0xf0: {  	(v2sf) =	vpush v14, $0xA;
	v21 =	vld.idx.msk [tilespmem:v21+s29+$0x0], $0xffff;
	_ =	sdelay $0x4  }
0xf1: {  	v18 =	vmul.f32 v20, v18;
	v19 =	vmul.f32 v21, v19;
	_ =	sdelay $0x1  }
0xf2: {  	v18 =	vadd.f32 v19, v18;
	_ =	sdelay $0x1  }
0xf3: {  	(xrf2) =	vadd.scan.msk.f32 $0xffff, v18;
	_ =	sdelay $0x4  }
0xf4: {  	s20 =	spop (v2sf)  }
0xf5: {  	s16 =	sand.u32 $0xFFFFF80, s20;
	s3 =	spop (v2sf)  }
0xf6: {  	s13 =	sadd.s32 s0, s16;
	s16 =	sand.u32 $0xFFFFF80, s3  }
0xf7: {  	[tilespmem:s28], [sflag:$0x3] =	stream.strided.gather [hbm4b:s13+s14], $0x1000, s15, s14, $0x38;
	[tilespmem:$0x88D0] =	vst v63  }
0xf8: {  	s6 =	simm.s32 $0x4;
	s13 =	sadd.s32 s1, s16  }
0xf9: {  	[tilespmem:s29], [sflag:$0x7] =	stream.strided.gather [hbm4b:s13+s14], $0x1000, s15, s14, $0x38;
	v18, _, _ =	vpop (xrf2);
	[tilespmem:$0x88D0] =	vst v63  }
0xfa: {  	s16 =	sand.u32 $0x7F, s18;
	_ =	swait.ge [sflag:s6], $0x1000  }
0xfb: {  	v47 =	vor.u32 s16, v0;
	[sflag:s6] =	ssyncset.done $0x0  }
0xfc: {  	s18 =	sand.u32 $0x7F, s17;
	v48 =	vor.u32 s16, v1;
	[sflag:s6] =	ssyncadd.s32 $0xFFFFF000;
	s6 =	simm.s32 $0x8  }
0xfd: {  	v49 =	vor.u32 s18, v0;
	_ =	swait.ge [sflag:s6], $0x1000  }
0xfe: {  	v22 =	vor.u32 s18, v1;
	[sflag:s6] =	ssyncset.done $0x0  }
0xff: {  	[sflag:s6] =	ssyncadd.s32 $0xFFFFF000  }
0x100: {  	v19 =	vld.idx.msk [tilespmem:v47+s30+$0x0], $0xffff  }
0x101: {  	v20 =	vld.idx.msk [tilespmem:v48+s30+$0x0], $0xffff  }
0x102: {  	(v2sf) =	vpush v15, $0xB;
	v21 =	vld.idx.msk [tilespmem:v49+s31+$0x0], $0xffff  }
0x103: {  	(v2sf) =	vpush v14, $0xB;
	v22 =	vld.idx.msk [tilespmem:v22+s31+$0x0], $0xffff;
	_ =	sdelay $0x4  }
0x104: {  	v19 =	vmul.f32 v21, v19;
	v20 =	vmul.f32 v22, v20;
	_ =	sdelay $0x1  }
0x105: {  	v19 =	vadd.f32 v20, v19;
	_ =	sdelay $0x1  }
0x106: {  	(xrf2) =	vadd.scan.msk.f32 $0xffff, v19;
	_ =	sdelay $0x4  }
0x107: {  	s18 =	spop (v2sf)  }
0x108: {  	s16 =	sand.u32 $0xFFFFF80, s18;
	s17 =	spop (v2sf)  }
0x109: {  	s13 =	sadd.s32 s0, s16;
	s16 =	sand.u32 $0xFFFFF80, s17  }
0x10a: {  	[tilespmem:s30], [sflag:$0x4] =	stream.strided.gather [hbm4b:s13+s14], $0x1000, s15, s14, $0x38;
	[tilespmem:$0x88D0] =	vst v63  }
0x10b: {  	s13 =	sadd.s32 s1, s16  }
0x10c: {  	[tilespmem:s31], [sflag:$0x8] =	stream.strided.gather [hbm4b:s13+s14], $0x1000, s15, s14, $0x38;
	v19, _, _ =	vpop (xrf2);
	[tilespmem:$0x88D0] =	vst v63  }
0x10d: {  	s16 =	sand.u32 $0x7F, s25;
	_ =	swait.ge [sflag:s2], $0x1000  }
0x10e: {  	v50 =	vor.u32 s16, v0;
	[sflag:s2] =	ssyncset.done $0x0  }
0x10f: {  	s25 =	sand.u32 $0x7F, s24;
	v51 =	vor.u32 s16, v1;
	[sflag:s2] =	ssyncadd.s32 $0xFFFFF000;
	s2 =	simm.s32 $0x5  }
0x110: {  	v52 =	vor.u32 s25, v0;
	_ =	swait.ge [sflag:s2], $0x1000  }
0x111: {  	v23 =	vor.u32 s25, v1;
	[sflag:s2] =	ssyncset.done $0x0  }
0x112: {  	[sflag:s2] =	ssyncadd.s32 $0xFFFFF000  }
0x113: {  	v20 =	vld.idx.msk [tilespmem:v50+s21+$0x0], $0xffff  }
0x114: {  	v21 =	vld.idx.msk [tilespmem:v51+s21+$0x0], $0xffff  }
0x115: {  	(v2sf) =	vpush v15, $0xC;
	v22 =	vld.idx.msk [tilespmem:v52+s22+$0x0], $0xffff  }
0x116: {  	(v2sf) =	vpush v14, $0xC;
	v23 =	vld.idx.msk [tilespmem:v23+s22+$0x0], $0xffff;
	_ =	sdelay $0x4  }
0x117: {  	v20 =	vmul.f32 v22, v20;
	v21 =	vmul.f32 v23, v21;
	_ =	sdelay $0x1  }
0x118: {  	v20 =	vadd.f32 v21, v20;
	_ =	sdelay $0x1  }
0x119: {  	(xrf2) =	vadd.scan.msk.f32 $0xffff, v20;
	_ =	sdelay $0x4  }
0x11a: {  	s25 =	spop (v2sf)  }
0x11b: {  	s24 =	sand.u32 $0xFFFFF80, s25;
	s13 =	spop (v2sf)  }
0x11c: {  	s16 =	sadd.s32 s0, s24;
	s24 =	sand.u32 $0xFFFFF80, s13  }
0x11d: {  	[tilespmem:s21], [sflag:$0x1] =	stream.strided.gather [hbm4b:s16+s14], $0x1000, s15, s14, $0x38;
	[tilespmem:$0x88D0] =	vst v63  }
0x11e: {  	s16 =	sadd.s32 s1, s24  }
0x11f: {  	[tilespmem:s22], [sflag:$0x5] =	stream.strided.gather [hbm4b:s16+s14], $0x1000, s15, s14, $0x38;
	v20, _, _ =	vpop (xrf2);
	[tilespmem:$0x88D0] =	vst v63  }
0x120: {  	s19 =	sand.u32 $0x7F, s19;
	_ =	swait.ge [sflag:s4], $0x1000  }
0x121: {  	v53 =	vor.u32 s19, v0;
	[sflag:s4] =	ssyncset.done $0x0  }
0x122: {  	s5 =	sand.u32 $0x7F, s5;
	v54 =	vor.u32 s19, v1;
	[sflag:s4] =	ssyncadd.s32 $0xFFFFF000  }
0x123: {  	v55 =	vor.u32 s5, v0;
	_ =	swait.ge [sflag:s11], $0x1000  }
0x124: {  	v24 =	vor.u32 s5, v1;
	[sflag:s11] =	ssyncset.done $0x0  }
0x125: {  	[sflag:s11] =	ssyncadd.s32 $0xFFFFF000  }
0x126: {  	v21 =	vld.idx.msk [tilespmem:v53+s23+$0x0], $0xffff  }
0x127: {  	v22 =	vld.idx.msk [tilespmem:v54+s23+$0x0], $0xffff  }
0x128: {  	(v2sf) =	vpush v15, $0xD;
	v23 =	vld.idx.msk [tilespmem:v55+s26+$0x0], $0xffff  }
0x129: {  	(v2sf) =	vpush v14, $0xD;
	v24 =	vld.idx.msk [tilespmem:v24+s26+$0x0], $0xffff;
	_ =	sdelay $0x4  }
0x12a: {  	v21 =	vmul.f32 v23, v21;
	v22 =	vmul.f32 v24, v22;
	_ =	sdelay $0x1  }
0x12b: {  	v21 =	vadd.f32 v22, v21;
	_ =	sdelay $0x1  }
0x12c: {  	(xrf2) =	vadd.scan.msk.f32 $0xffff, v21;
	_ =	sdelay $0x4  }
0x12d: {  	s19 =	spop (v2sf)  }
0x12e: {  	s24 =	sand.u32 $0xFFFFF80, s19;
	s16 =	spop (v2sf)  }
0x12f: {  	s5 =	sadd.s32 s0, s24;
	s24 =	sand.u32 $0xFFFFF80, s16  }
0x130: {  	[tilespmem:s23], [sflag:$0x2] =	stream.strided.gather [hbm4b:s5+s14], $0x1000, s15, s14, $0x38;
	[tilespmem:$0x88D0] =	vst v63  }
0x131: {  	s11 =	simm.s32 $0x3;
	s5 =	sadd.s32 s1, s24  }
0x132: {  	[tilespmem:s26], [sflag:$0x6] =	stream.strided.gather [hbm4b:s5+s14], $0x1000, s15, s14, $0x38;
	v21, _, _ =	vpop (xrf2);
	[tilespmem:$0x88D0] =	vst v63  }
0x133: {  	s24 =	sand.u32 $0x7F, s20;
	_ =	swait.ge [sflag:s11], $0x1000  }
0x134: {  	v56 =	vor.u32 s24, v0;
	[sflag:s11] =	ssyncset.done $0x0  }
0x135: {  	s3 =	sand.u32 $0x7F, s3;
	v57 =	vor.u32 s24, v1;
	[sflag:s11] =	ssyncadd.s32 $0xFFFFF000  }
0x136: {  	v58 =	vor.u32 s3, v0;
	_ =	swait.ge [sflag:s7], $0x1000  }
0x137: {  	v25 =	vor.u32 s3, v1;
	[sflag:s7] =	ssyncset.done $0x0  }
0x138: {  	[sflag:s7] =	ssyncadd.s32 $0xFFFFF000  }
0x139: {  	v22 =	vld.idx.msk [tilespmem:v56+s28+$0x0], $0xffff  }
0x13a: {  	s21 =	simm.s32 $0x6100;
	v23 =	vld.idx.msk [tilespmem:v57+s28+$0x0], $0xffff  }
0x13b: {  	(v2sf) =	vpush v15, $0xE;
	v24 =	vld.idx.msk [tilespmem:v58+s21+$0x0], $0xffff  }
0x13c: {  	(v2sf) =	vpush v14, $0xE;
	v25 =	vld.idx.msk [tilespmem:v25+s21+$0x0], $0xffff;
	_ =	sdelay $0x4  }
0x13d: {  	v22 =	vmul.f32 v24, v22;
	v23 =	vmul.f32 v25, v23;
	_ =	sdelay $0x1  }
0x13e: {  	v22 =	vadd.f32 v23, v22;
	_ =	sdelay $0x1  }
0x13f: {  	(xrf2) =	vadd.scan.msk.f32 $0xffff, v22;
	_ =	sdelay $0x4  }
0x140: {  	s20 =	spop (v2sf)  }
0x141: {  	s5 =	sand.u32 $0xFFFFF80, s20;
	s24 =	spop (v2sf)  }
0x142: {  	s3 =	sadd.s32 s0, s5;
	s5 =	sand.u32 $0xFFFFF80, s24  }
0x143: {  	[tilespmem:s28], [sflag:$0x3] =	stream.strided.gather [hbm4b:s3+s14], $0x1000, s15, s14, $0x38;
	[tilespmem:$0x88D0] =	vst v63  }
0x144: {  	s30 =	simm.s32 $0x4;
	s3 =	sadd.s32 s1, s5  }
0x145: {  	[tilespmem:s21], [sflag:$0x7] =	stream.strided.gather [hbm4b:s3+s14], $0x1000, s15, s14, $0x38;
	v22, _, _ =	vpop (xrf2);
	[tilespmem:$0x88D0] =	vst v63  }
0x146: {  	s5 =	sand.u32 $0x7F, s18;
	_ =	swait.ge [sflag:s30], $0x1000  }
0x147: {  	v59 =	vor.u32 s5, v0;
	[sflag:s30] =	ssyncset.done $0x0  }
0x148: {  	s17 =	sand.u32 $0x7F, s17;
	v60 =	vor.u32 s5, v1;
	[sflag:s30] =	ssyncadd.s32 $0xFFFFF000  }
0x149: {  	v61 =	vor.u32 s17, v0;
	_ =	swait.ge [sflag:s6], $0x1000  }
0x14a: {  	v26 =	vor.u32 s17, v1;
	[sflag:s6] =	ssyncset.done $0x0  }
0x14b: {  	s26 =	simm.s32 $0x3100;
	[sflag:s6] =	ssyncadd.s32 $0xFFFFF000  }
0x14c: {  	v23 =	vld.idx.msk [tilespmem:v59+s26+$0x0], $0xffff  }
0x14d: {  	s28 =	simm.s32 $0x7100;
	(v2sf) =	vpush v15, $0xF;
	v24 =	vld.idx.msk [tilespmem:v60+s26+$0x0], $0xffff  }
0x14e: {  	v62 =	vld.idx.msk [tilespmem:v61+s28+$0x0], $0xffff  }
0x14f: {  	(v2sf) =	vpush v14, $0xF;
	v63 =	vld.idx.msk [tilespmem:v26+s28+$0x0], $0xffff;
	_ =	sdelay $0x4  }
0x150: {  	v26 =	vmul.f32 v62, v23;
	v27 =	vmul.f32 v63, v24;
	_ =	sdelay $0x1  }
0x151: {  	v14 =	vadd.f32 v27, v26;
	_ =	sdelay $0x1  }
0x152: {  	(xrf2) =	vadd.scan.msk.f32 $0xffff, v14;
	_ =	sdelay $0x3  }
0x153: {  	s5 =	spop (v2sf)  }
0x154: {  	s17 =	sand.u32 $0xFFFFF80, s5  }
0x155: {  	s3 =	spop (v2sf);
	s17 =	sadd.s32 s0, s17  }
0x156: {  	[tilespmem:s26], [sflag:$0x4] =	stream.strided.gather [hbm4b:s17+s14], $0x1000, s15, s14, $0x38;
	[tilespmem:$0x88D0] =	vst v63  }
0x157: {  	s17 =	sand.u32 $0xFFFFF80, s3  }
0x158: {  	s22 =	simm.s32 $0x1;
	s17 =	sadd.s32 s1, s17  }
0x159: {  	[tilespmem:s28], [sflag:$0x8] =	stream.strided.gather [hbm4b:s17+s14], $0x1000, s15, s14, $0x38;
	v14, _, _ =	vpop (xrf2);
	[tilespmem:$0x88D0] =	vst v63  }
0x15a: {  	s25 =	sand.u32 $0x7F, s25;
	_ =	swait.ge [sflag:s22], $0x1000  }
0x15b: {  	v28 =	vor.u32 s25, v0;
	[sflag:s22] =	ssyncset.done $0x0  }
0x15c: {  	v29 =	vor.u32 s25, v1;
	s13 =	sand.u32 $0x7F, s13;
	[sflag:s22] =	ssyncadd.s32 $0xFFFFF000  }
0x15d: {  	v30 =	vor.u32 s13, v0;
	_ =	swait.ge [sflag:s2], $0x1000  }
0x15e: {  	v31 =	vor.u32 s13, v1;
	[sflag:s2] =	ssyncset.done $0x0  }
0x15f: {  	s17 =	simm.s32 $0x100;
	[sflag:s2] =	ssyncadd.s32 $0xFFFFF000  }
0x160: {  	v15 =	vld.idx.msk [tilespmem:v28+s17+$0x0], $0xffff  }
0x161: {  	s18 =	simm.s32 $0x4100;
	(v2sf) =	vpush v9, $0x0;
	v23 =	vld.idx.msk [tilespmem:v29+s17+$0x0], $0xffff  }
0x162: {  	v24 =	vld.idx.msk [tilespmem:v30+s18+$0x0], $0xffff  }
0x163: {  	(v2sf) =	vpush v10, $0x0;
	v25 =	vld.idx.msk [tilespmem:v31+s18+$0x0], $0xffff;
	_ =	sdelay $0x4  }
0x164: {  	v15 =	vmul.f32 v24, v15;
	v23 =	vmul.f32 v25, v23;
	_ =	sdelay $0x1  }
0x165: {  	v15 =	vadd.f32 v23, v15;
	_ =	sdelay $0x1  }
0x166: {  	(xrf2) =	vadd.scan.msk.f32 $0xffff, v15;
	_ =	sdelay $0x3  }
0x167: {  	s25 =	spop (v2sf)  }
0x168: {  	s13 =	sand.u32 $0xFFFFF80, s25  }
0x169: {  	s25 =	spop (v2sf);
	s13 =	sadd.s32 s0, s13  }
0x16a: {  	[tilespmem:s17], [sflag:$0x1] =	stream.strided.gather [hbm4b:s13+s14], $0x1000, s15, s14, $0x38;
	[tilespmem:$0x88D0] =	vst v63  }
0x16b: {  	s13 =	sand.u32 $0xFFFFF80, s25  }
0x16c: {  	s13 =	sadd.s32 s1, s13  }
0x16d: {  	[tilespmem:s18], [sflag:$0x5] =	stream.strided.gather [hbm4b:s13+s14], $0x1000, s15, s14, $0x38;
	v15, _, _ =	vpop (xrf2);
	[tilespmem:$0x88D0] =	vst v63  }
0x16e: {  	s25 =	sand.u32 $0x7F, s19;
	_ =	swait.ge [sflag:s4], $0x1000  }
0x16f: {  	v32 =	vor.u32 s25, v0;
	[sflag:s4] =	ssyncset.done $0x0  }
0x170: {  	s23 =	simm.s32 $0x6;
	v33 =	vor.u32 s25, v1;
	s25 =	sand.u32 $0x7F, s16;
	[sflag:s4] =	ssyncadd.s32 $0xFFFFF000  }
0x171: {  	v34 =	vor.u32 s25, v0;
	_ =	swait.ge [sflag:s23], $0x1000  }
0x172: {  	v35 =	vor.u32 s25, v1;
	[sflag:s23] =	ssyncset.done $0x0  }
0x173: {  	s16 =	simm.s32 $0x1100;
	[sflag:s23] =	ssyncadd.s32 $0xFFFFF000  }
0x174: {  	v23 =	vld.idx.msk [tilespmem:v32+s16+$0x0], $0xffff  }
0x175: {  	s19 =	simm.s32 $0x5100;
	(v2sf) =	vpush v9, $0x1;
	v24 =	vld.idx.msk [tilespmem:v33+s16+$0x0], $0xffff  }
0x176: {  	v25 =	vld.idx.msk [tilespmem:v34+s19+$0x0], $0xffff  }
0x177: {  	(v2sf) =	vpush v10, $0x1;
	v26 =	vld.idx.msk [tilespmem:v35+s19+$0x0], $0xffff;
	_ =	sdelay $0x4  }
0x178: {  	v23 =	vmul.f32 v25, v23;
	v24 =	vmul.f32 v26, v24;
	_ =	sdelay $0x1  }
0x179: {  	v23 =	vadd.f32 v24, v23;
	_ =	sdelay $0x1  }
0x17a: {  	(xrf2) =	vadd.scan.msk.f32 $0xffff, v23;
	_ =	sdelay $0x3  }
0x17b: {  	s25 =	spop (v2sf)  }
0x17c: {  	s13 =	sand.u32 $0xFFFFF80, s25  }
0x17d: {  	s25 =	spop (v2sf);
	s13 =	sadd.s32 s0, s13  }
0x17e: {  	[tilespmem:s16], [sflag:$0x2] =	stream.strided.gather [hbm4b:s13+s14], $0x1000, s15, s14, $0x38;
	[tilespmem:$0x88D0] =	vst v63  }
0x17f: {  	s13 =	sand.u32 $0xFFFFF80, s25  }
0x180: {  	s13 =	sadd.s32 s1, s13  }
0x181: {  	[tilespmem:s19], [sflag:$0x6] =	stream.strided.gather [hbm4b:s13+s14], $0x1000, s15, s14, $0x38;
	v23, _, _ =	vpop (xrf2);
	[tilespmem:$0x88D0] =	vst v63  }
0x182: {  	s25 =	sand.u32 $0x7F, s20;
	_ =	swait.ge [sflag:s11], $0x1000  }
0x183: {  	v36 =	vor.u32 s25, v0;
	[sflag:s11] =	ssyncset.done $0x0  }
0x184: {  	v37 =	vor.u32 s25, v1;
	s25 =	sand.u32 $0x7F, s24;
	[sflag:s11] =	ssyncadd.s32 $0xFFFFF000  }
0x185: {  	v38 =	vor.u32 s25, v0;
	s24 =	rddreg [dreg:$0x11];
	_ =	swait.ge [sflag:s7], $0x1000  }
0x186: {  	v27 =	vor.u32 s25, v1;
	[sflag:s7] =	ssyncset.done $0x0  }
0x187: {  	s20 =	simm.s32 $0x2100;
	[sflag:s7] =	ssyncadd.s32 $0xFFFFF000  }
0x188: {  	v24 =	vld.idx.msk [tilespmem:v36+s20+$0x0], $0xffff  }
0x189: {  	(v2sf) =	vpush v9, $0x2;
	v25 =	vld.idx.msk [tilespmem:v37+s20+$0x0], $0xffff  }
0x18a: {  	v26 =	vld.idx.msk [tilespmem:v38+s21+$0x0], $0xffff  }
0x18b: {  	(v2sf) =	vpush v10, $0x2;
	v27 =	vld.idx.msk [tilespmem:v27+s21+$0x0], $0xffff;
	_ =	sdelay $0x4  }
0x18c: {  	v24 =	vmul.f32 v26, v24;
	v25 =	vmul.f32 v27, v25;
	_ =	sdelay $0x1  }
0x18d: {  	v24 =	vadd.f32 v25, v24;
	_ =	sdelay $0x1  }
0x18e: {  	(xrf2) =	vadd.scan.msk.f32 $0xffff, v24;
	_ =	sdelay $0x3  }
0x18f: {  	s25 =	spop (v2sf)  }
0x190: {  	s13 =	sand.u32 $0xFFFFF80, s25  }
0x191: {  	s25 =	spop (v2sf);
	s13 =	sadd.s32 s0, s13  }
0x192: {  	[tilespmem:s20], [sflag:$0x3] =	stream.strided.gather [hbm4b:s13+s14], $0x1000, s15, s14, $0x38;
	[tilespmem:$0x88D0] =	vst v63  }
0x193: {  	s13 =	sand.u32 $0xFFFFF80, s25  }
0x194: {  	s13 =	sadd.s32 s1, s13  }
0x195: {  	[tilespmem:s21], [sflag:$0x7] =	stream.strided.gather [hbm4b:s13+s14], $0x1000, s15, s14, $0x38;
	v24, _, _ =	vpop (xrf2);
	[tilespmem:$0x88D0] =	vst v63  }
0x196: {  	s13 =	rddreg [dreg:$0x10];
	_ =	swait.ge [sflag:s30], $0x1000  }
0x197: {  	[sflag:s30] =	ssyncset.done $0x0  }
0x198: {  	[sflag:s30] =	ssyncadd.s32 $0xFFFFF000  }
0x199: {  	_ =	swait.ge [sflag:s6], $0x1000  }
0x19a: {  	(v2sf) =	vpush v9, $0x3;
	_ =	sdelay $0x1  }
0x19b: {  	(v2sf) =	vpush v10, $0x3;
	_ =	sdelay $0x6  }
0x19c: {  	s5 =	sand.u32 $0x7F, s5  }
0x19d: {  	v39 =	vor.u32 s5, v0  }
0x19e: {  	v40 =	vor.u32 s5, v1;
	s3 =	sand.u32 $0x7F, s3  }
0x19f: {  	v41 =	vor.u32 s3, v0  }
0x1a0: {  	v42 =	vor.u32 s3, v1;
	[sflag:s6] =	ssyncset.done $0x0  }
0x1a1: {  	[sflag:s6] =	ssyncadd.s32 $0xFFFFF000  }
0x1a2: {  	v9 =	vld.idx.msk [tilespmem:v39+s26+$0x0], $0xffff;
	s5 =	spop (v2sf)  }
0x1a3: {  	v10 =	vld.idx.msk [tilespmem:v40+s26+$0x0], $0xffff;
	s3 =	sand.u32 $0xFFFFF80, s5  }
0x1a4: {  	v25 =	vld.idx.msk [tilespmem:v41+s28+$0x0], $0xffff;
	s25 =	spop (v2sf);
	s3 =	sadd.s32 s0, s3  }
0x1a5: {  	v26 =	vld.idx.msk [tilespmem:v42+s28+$0x0], $0xffff;
	[tilespmem:s26], [sflag:$0x4] =	stream.strided.gather [hbm4b:s3+s14], $0x1000, s15, s14, $0x38  }
0x1a6: {  	s3 =	sand.u32 $0xFFFFF80, s25  }
0x1a7: {  	s3 =	sadd.s32 s1, s3  }
0x1a8: {  	[tilespmem:s28], [sflag:$0x8] =	stream.strided.gather [hbm4b:s3+s14], $0x1000, s15, s14, $0x38;
	[tilespmem:$0x88D0] =	vst v63  }
0x1a9: {  	v43 =	vld [tilespmem:s24+$0x0];
	_ =	sdelay $0x4  }
0x1aa: {  	v28 =	vand.u32 $0x7FFFFF, v43  }
0x1ab: {  	v28 =	vor.u32 $0x3F800000, v28  }
0x1ac: {  	v29 =	vmul.f32 $5.000000000e-01, v28  }
0x1ad: {  	vm15 =	vge.f32 v28, $1.414213540e+00  }
0x1ae: {  	v28 =	vsel vm15, v29, v28  }
0x1af: {  	v29 =	vadd.f32 $1.000000000e+00, v28;
	_ =	sdelay $0x1  }
0x1b0: {  	(erf) = vrcp.f32 v29;
	_ =	sdelay $0x7  }
0x1b1: {  	v28 =	vadd.f32 $-1.000000000e+00, v28  }
0x1b2: {  	v29 =	vpop (erf)  }
0x1b3: {  	v28 =	vmul.f32 v29, v28;
	_ =	sdelay $0x1  }
0x1b4: {  	v29 =	vmul.f32 v28, v28;
	_ =	sdelay $0x1  }
0x1b5: {  	v30 =	vmul.f32 $1.428571490e-01, v29;
	_ =	sdelay $0x1  }
0x1b6: {  	v30 =	vadd.f32 $2.000000030e-01, v30;
	_ =	sdelay $0x1  }
0x1b7: {  	v30 =	vmul.f32 v30, v29;
	_ =	sdelay $0x1  }
0x1b8: {  	v27 =	vshrl.u32 v43, $0x17;
	v30 =	vadd.f32 $3.333333430e-01, v30  }
0x1b9: {  	v27 =	vand.u32 $0xFF, v27;
	v31 =	vsel vm15, $0x1, v2  }
0x1ba: {  	v27 =	vadd.s32 v31, v27;
	v29 =	vmul.f32 v30, v29  }
0x1bb: {  	v27 =	vadd.s32 $0xFFFFFF81, v27  }
0x1bc: {  	v27 =	vcvt.s32.f32 v27;
	v28 =	vadd.f32 v28, v28;
	v29 =	vadd.f32 $1.000000000e+00, v29;
	_ =	sdelay $0x1  }
0x1bd: {  	v27 =	vmul.f32 $6.931471820e-01, v27;
	v28 =	vmul.f32 v29, v28  }
0x1be: {  	v8 =	vbroadcast v8, $0xF  }
0x1bf: {  	v11 =	vbroadcast v11, $0xF;
	v12 =	vbroadcast v12, $0xF;
	v44 =	vadd.f32 v28, v27  }
0x1c0: {  	v9 =	vmul.f32 v25, v9;
	v10 =	vmul.f32 v26, v10  }
0x1c1: {  	v8 =	vsel vm0, v8, v11;
	v45 =	vbroadcast v13, $0xF;
	v46 =	vadd.f32 $-4.605170250e+00, v44  }
0x1c2: {  	v8 =	vsel vm1, v8, v12;
	v47 =	vbroadcast v16, $0xF;
	v9 =	vadd.f32 v10, v9  }
0x1c3: {  	v8 =	vsel vm2, v8, v45;
	v48 =	vbroadcast v17, $0xF;
	v49 =	vmul.f32 $7.500000000e-01, v46  }
0x1c4: {  	v8 =	vsel vm3, v8, v47;
	v50 =	vbroadcast v18, $0xF;
	(xrf2) =	vadd.scan.msk.f32 $0xffff, v9  }
0x1c5: {  	v8 =	vsel vm4, v8, v48;
	v51 =	vbroadcast v19, $0xF;
	v52 =	vmul.f32 $1.442695020e+00, v49  }
0x1c6: {  	v8 =	vsel vm5, v8, v50;
	v53 =	vbroadcast v20, $0xF  }
0x1c7: {  	v8 =	vsel vm6, v8, v51;
	v54 =	vbroadcast v21, $0xF;
	(erf) = vpow2.f32 v52  }
0x1c8: {  	v8 =	vsel vm7, v8, v53;
	v55 =	vbroadcast v22, $0xF  }
0x1c9: {  	v8 =	vsel vm8, v8, v54;
	v56 =	vbroadcast v14, $0xF  }
0x1ca: {  	v8 =	vsel vm9, v8, v55;
	v57 =	vbroadcast v15, $0xF  }
0x1cb: {  	v8 =	vsel vm10, v8, v56;
	v58 =	vbroadcast v23, $0xF  }
0x1cc: {  	v8 =	vsel vm11, v8, v57;
	v59 =	vbroadcast v24, $0xF  }
0x1cd: {  	v8 =	vsel vm12, v8, v58  }
0x1ce: {  	v8 =	vsel vm13, v8, v59;
	v60, _, _ =	vpop (xrf2);
	v61 =	vld [tilespmem:s8+$0x0]  }
0x1cf: {  	v62 =	vld [tilespmem:s9+$0x0];
	v8 =	vsel vm14, v8, v60  }
0x1d0: {  	v8 =	vadd.f32 v44, v8;
	v11 =	vpop (erf)  }
0x1d1: {  	v11 =	vmin.f32 v11, $1.000000000e+00  }
0x1d2: {  	v63 =	vmul.f32 v11, v8  }
0x1d3: {  	p1 =	sne.s32 s12, $0x70  }
.Ltmp2:
0x1d4: {  	v9 =	vadd.f32 v62, v61;
	v8 =	vmul.f32 v63, v8;
	(pc) =	sbr.rel @p1 .LBB2_2-.Ltmp2, $4  }
0x1d5: {  	_ = 	snop  }
0x1d6: {  	v7 =	vadd.f32 v8, v7;
	v8 =	vmul.f32 v9, v9  }
0x1d7: {  	s10 =	sadd.s32 $0x10, s10;
	s12 =	sadd.s32 $0x10, s12;
	s13 =	sadd.s32 $0x10, s13;
	v4 =	vadd.f32 v9, v4;
	v5 =	vadd.f32 v11, v5  }
0x1d8: {  	s24 =	sadd.s32 $0x10, s24;
	s8 =	sadd.s32 $0x10, s8;
	s9 =	sadd.s32 $0x10, s9;
	v6 =	vadd.f32 v63, v6;
	v3 =	vadd.f32 v8, v3  }
0x1d9: {  	_ =	swait.ge [sflag:s22], $0x1000  }
0x1da: {  	[sflag:s22] =	ssyncset.done $0x0  }
0x1db: {  	[sflag:s22] =	ssyncadd.s32 $0xFFFFF000  }
0x1dc: {  	_ =	swait.ge [sflag:s2], $0x1000  }
0x1dd: {  	[sflag:s2] =	ssyncset.done $0x0  }
0x1de: {  	[sflag:s2] =	ssyncadd.s32 $0xFFFFF000  }
0x1df: {  	_ =	swait.ge [sflag:s4], $0x1000  }
0x1e0: {  	[sflag:s4] =	ssyncset.done $0x0  }
0x1e1: {  	[sflag:s4] =	ssyncadd.s32 $0xFFFFF000  }
0x1e2: {  	_ =	swait.ge [sflag:s23], $0x1000  }
0x1e3: {  	[sflag:s23] =	ssyncset.done $0x0  }
0x1e4: {  	[sflag:s23] =	ssyncadd.s32 $0xFFFFF000  }
0x1e5: {  	_ =	swait.ge [sflag:s11], $0x1000  }
0x1e6: {  	[sflag:s11] =	ssyncset.done $0x0  }
0x1e7: {  	[sflag:s11] =	ssyncadd.s32 $0xFFFFF000  }
0x1e8: {  	_ =	swait.ge [sflag:s7], $0x1000  }
0x1e9: {  	[sflag:s7] =	ssyncset.done $0x0  }
0x1ea: {  	[sflag:s7] =	ssyncadd.s32 $0xFFFFF000  }
0x1eb: {  	_ =	swait.ge [sflag:s30], $0x1000  }
0x1ec: {  	[sflag:s30] =	ssyncset.done $0x0  }
0x1ed: {  	[sflag:s30] =	ssyncadd.s32 $0xFFFFF000  }
0x1ee: {  	_ =	swait.ge [sflag:s6], $0x1000  }
0x1ef: {  	[sflag:s6] =	ssyncset.done $0x0  }
0x1f0: {  	[sflag:s6] =	ssyncadd.s32 $0xFFFFF000  }
0x1f1: {  	[tilespmem:$0x8280] =	vst v7  }
0x1f2: {  	[tilespmem:$0x8290] =	vst v6  }
0x1f3: {  	[tilespmem:$0x82A0] =	vst v5  }
0x1f4: {  	[tilespmem:$0x82B0] =	vst v4  }
0x1f5: {  	s5 =	simm.s32 $0x8280;
	s9 =	simm.s32 $0xB;
	s3 =	rddreg [dreg:$0xc];
	[tilespmem:$0x82C0] =	vst v3  }
0x1f6: {  	[spmem:s3] =	stream.linear.scatter [tilespmem:s5], [sflag:$0xB], $0x50, $0x38;
	[tilespmem:$0x88D0] =	vst v63  }
.Ltmp3:
0x1f7: {  	_ =	swait.ge [sflag:s9], $0x50;
	(pc) =	sbr.rel @p0 .LBB2_5-.Ltmp3, $4  }
0x1f8: {  	[sflag:s9] =	ssyncset.done $0x0  }
0x1f9: {  	[sflag:s9] =	ssyncadd.s32 $0xFFFFFFB0  }
0x1fa: {  	[bflag:$0x0] =	sbarrier.arrive $0xFFFF  }
0x1fb: {  	s10 =	rddreg [dreg:$0xf]  }
0x1fc: {  	s3 =	rddreg [dreg:$0x6];
	s5 =	simm.s32 $0x8350  }
0x1fd: {  	[tilespmem:s5], [sflag:$0xB] =	stream.linear.gather [spmem:s3], $0x500, $0x38;
	[tilespmem:$0x88D0] =	vst v63  }
0x1fe: {  	_ =	swait.ge [sflag:s9], $0x500  }
0x1ff: {  	[sflag:s9] =	ssyncset.done $0x0  }
0x200: {  	[sflag:s9] =	ssyncadd.s32 $0xFFFFFB00  }
0x201: {  	v3 =	vld [tilespmem:$0x8350]  }
0x202: {  	v4 =	vld [tilespmem:$0x8360]  }
0x203: {  	v5 =	vld [tilespmem:$0x8370]  }
0x204: {  	v6 =	vld [tilespmem:$0x8380]  }
0x205: {  	v7 =	vld [tilespmem:$0x8390]  }
0x206: {  	v8 =	vld [tilespmem:$0x83A0]  }
0x207: {  	v9 =	vld [tilespmem:$0x83B0]  }
0x208: {  	v10 =	vld [tilespmem:$0x83C0]  }
0x209: {  	v11 =	vld [tilespmem:$0x83D0]  }
0x20a: {  	v12 =	vld [tilespmem:$0x83E0]  }
0x20b: {  	v13 =	vld [tilespmem:$0x83F0]  }
0x20c: {  	v14 =	vld [tilespmem:$0x8400]  }
0x20d: {  	v15 =	vld [tilespmem:$0x8410]  }
0x20e: {  	v16 =	vld [tilespmem:$0x8420]  }
0x20f: {  	v17 =	vld [tilespmem:$0x8430]  }
0x210: {  	v18 =	vld [tilespmem:$0x8440]  }
0x211: {  	v19 =	vld [tilespmem:$0x8450]  }
0x212: {  	v20 =	vld [tilespmem:$0x8460]  }
0x213: {  	v21 =	vld [tilespmem:$0x8470]  }
0x214: {  	v22 =	vld [tilespmem:$0x8480]  }
0x215: {  	v23 =	vld [tilespmem:$0x8490]  }
0x216: {  	v24 =	vld [tilespmem:$0x84A0]  }
0x217: {  	v25 =	vld [tilespmem:$0x84B0]  }
0x218: {  	v26 =	vld [tilespmem:$0x84C0]  }
0x219: {  	v27 =	vld [tilespmem:$0x84D0]  }
0x21a: {  	v28 =	vld [tilespmem:$0x84E0]  }
0x21b: {  	v29 =	vld [tilespmem:$0x84F0]  }
0x21c: {  	v30 =	vld [tilespmem:$0x8500]  }
0x21d: {  	v31 =	vld [tilespmem:$0x8510]  }
0x21e: {  	v32 =	vld [tilespmem:$0x8520]  }
0x21f: {  	v33 =	vld [tilespmem:$0x8530]  }
0x220: {  	v34 =	vld [tilespmem:$0x8540]  }
0x221: {  	v35 =	vld [tilespmem:$0x8550]  }
0x222: {  	v36 =	vld [tilespmem:$0x8560]  }
0x223: {  	v37 =	vld [tilespmem:$0x8570]  }
0x224: {  	v38 =	vld [tilespmem:$0x8580]  }
0x225: {  	v39 =	vld [tilespmem:$0x8590]  }
0x226: {  	v40 =	vld [tilespmem:$0x85A0]  }
0x227: {  	v41 =	vld [tilespmem:$0x85B0]  }
0x228: {  	v42 =	vld [tilespmem:$0x85C0]  }
0x229: {  	v43 =	vld [tilespmem:$0x85D0]  }
0x22a: {  	v44 =	vld [tilespmem:$0x85E0]  }
0x22b: {  	v45 =	vld [tilespmem:$0x85F0]  }
0x22c: {  	v46 =	vld [tilespmem:$0x8600]  }
0x22d: {  	v47 =	vld [tilespmem:$0x8610];
	v3 =	vadd.f32 $0.0e+00, v3;
	v4 =	vadd.f32 $0.0e+00, v4  }
0x22e: {  	v48 =	vld [tilespmem:$0x8620];
	v5 =	vadd.f32 $0.0e+00, v5;
	v6 =	vadd.f32 $0.0e+00, v6  }
0x22f: {  	v52 =	vld [tilespmem:$0x8630];
	v7 =	vadd.f32 $0.0e+00, v7;
	v3 =	vadd.f32 v8, v3  }
0x230: {  	v53 =	vld [tilespmem:$0x8640];
	v4 =	vadd.f32 v9, v4;
	v5 =	vadd.f32 v10, v5  }
0x231: {  	v54 =	vld [tilespmem:$0x8650];
	v6 =	vadd.f32 v11, v6;
	v7 =	vadd.f32 v12, v7  }
0x232: {  	v55 =	vld [tilespmem:$0x8660];
	v3 =	vadd.f32 v13, v3;
	v4 =	vadd.f32 v14, v4  }
0x233: {  	v56 =	vld [tilespmem:$0x8670];
	v5 =	vadd.f32 v15, v5;
	v6 =	vadd.f32 v16, v6  }
0x234: {  	v57 =	vld [tilespmem:$0x8680];
	v7 =	vadd.f32 v17, v7;
	v3 =	vadd.f32 v18, v3  }
0x235: {  	v58 =	vld [tilespmem:$0x8690];
	v4 =	vadd.f32 v19, v4;
	v5 =	vadd.f32 v20, v5  }
0x236: {  	v59 =	vld [tilespmem:$0x86A0];
	v6 =	vadd.f32 v21, v6;
	v7 =	vadd.f32 v22, v7  }
0x237: {  	v60 =	vld [tilespmem:$0x86B0];
	v3 =	vadd.f32 v23, v3;
	v4 =	vadd.f32 v24, v4  }
0x238: {  	v61 =	vld [tilespmem:$0x86C0];
	v5 =	vadd.f32 v25, v5;
	v6 =	vadd.f32 v26, v6  }
0x239: {  	v62 =	vld [tilespmem:$0x86D0];
	v7 =	vadd.f32 v27, v7;
	v3 =	vadd.f32 v28, v3  }
0x23a: {  	v63 =	vld [tilespmem:$0x86E0];
	v4 =	vadd.f32 v29, v4;
	v5 =	vadd.f32 v30, v5  }
0x23b: {  	v49 =	vld [tilespmem:$0x87C0];
	v6 =	vadd.f32 v31, v6;
	v7 =	vadd.f32 v32, v7  }
0x23c: {  	v50 =	vld [tilespmem:$0x87D0];
	v3 =	vadd.f32 v33, v3;
	v4 =	vadd.f32 v34, v4  }
0x23d: {  	v51 =	vld [tilespmem:$0x87E0];
	v5 =	vadd.f32 v35, v5;
	v6 =	vadd.f32 v36, v6  }
0x23e: {  	v32 =	vld [tilespmem:$0x86F0];
	v7 =	vadd.f32 v37, v7;
	v3 =	vadd.f32 v38, v3  }
0x23f: {  	v34 =	vld [tilespmem:$0x8700];
	v4 =	vadd.f32 v39, v4;
	v5 =	vadd.f32 v40, v5  }
0x240: {  	v36 =	vld [tilespmem:$0x8710];
	v6 =	vadd.f32 v41, v6;
	v7 =	vadd.f32 v42, v7  }
0x241: {  	v38 =	vld [tilespmem:$0x8720];
	v3 =	vadd.f32 v43, v3;
	v4 =	vadd.f32 v44, v4  }
0x242: {  	v40 =	vld [tilespmem:$0x8730];
	v5 =	vadd.f32 v45, v5;
	v6 =	vadd.f32 v46, v6  }
0x243: {  	v41 =	vld [tilespmem:$0x8740];
	v7 =	vadd.f32 v47, v7;
	v3 =	vadd.f32 v48, v3  }
0x244: {  	v42 =	vld [tilespmem:$0x8750];
	v4 =	vadd.f32 v52, v4;
	v5 =	vadd.f32 v53, v5  }
0x245: {  	v43 =	vld [tilespmem:$0x8760];
	v6 =	vadd.f32 v54, v6;
	v7 =	vadd.f32 v55, v7  }
0x246: {  	v44 =	vld [tilespmem:$0x8770];
	v3 =	vadd.f32 v56, v3;
	v4 =	vadd.f32 v57, v4  }
0x247: {  	v45 =	vld [tilespmem:$0x8780];
	v5 =	vadd.f32 v58, v5;
	v6 =	vadd.f32 v59, v6  }
0x248: {  	v46 =	vld [tilespmem:$0x8790];
	v7 =	vadd.f32 v60, v7;
	v3 =	vadd.f32 v61, v3  }
0x249: {  	v47 =	vld [tilespmem:$0x87A0];
	v4 =	vadd.f32 v62, v4;
	v5 =	vadd.f32 v63, v5  }
0x24a: {  	v48 =	vld [tilespmem:$0x87B0];
	v6 =	vadd.f32 v32, v6;
	v7 =	vadd.f32 v34, v7  }
0x24b: {  	v52 =	vld [tilespmem:$0x87F0];
	v3 =	vadd.f32 v36, v3;
	v4 =	vadd.f32 v38, v4  }
0x24c: {  	v53 =	vld [tilespmem:$0x8800];
	v5 =	vadd.f32 v40, v5;
	v6 =	vadd.f32 v41, v6  }
0x24d: {  	v54 =	vld [tilespmem:$0x8810];
	v7 =	vadd.f32 v42, v7;
	v3 =	vadd.f32 v43, v3  }
0x24e: {  	v55 =	vld [tilespmem:$0x8820];
	v4 =	vadd.f32 v44, v4;
	v5 =	vadd.f32 v45, v5  }
0x24f: {  	v56 =	vld [tilespmem:$0x8830];
	v6 =	vadd.f32 v46, v6;
	v3 =	vadd.f32 v48, v3  }
0x250: {  	v57 =	vld [tilespmem:$0x8840];
	v7 =	vadd.f32 v47, v7;
	v4 =	vadd.f32 v49, v4  }
0x251: {  	v5 =	vadd.f32 v50, v5;
	v3 =	vadd.f32 v53, v3  }
0x252: {  	v6 =	vadd.f32 v51, v6;
	v4 =	vadd.f32 v54, v4  }
0x253: {  	v7 =	vadd.f32 v52, v7;
	v5 =	vadd.f32 v55, v5;
	(xrf2) =	vadd.scan.msk.f32 $0xffff, v3  }
0x254: {  	v3 =	vadd.f32 v56, v6;
	(xrf2) =	vadd.scan.msk.f32 $0xffff, v4  }
0x255: {  	v58 =	vadd.f32 v57, v7;
	(xrf2) =	vadd.scan.msk.f32 $0xffff, v5  }
0x256: {  	(xrf2) =	vadd.scan.msk.f32 $0xffff, v3  }
0x257: {  	(xrf2) =	vadd.scan.msk.f32 $0xffff, v58;
	_ =	sdelay $0x5  }
0x258: {  	v3, _, _ =	vpop (xrf2)  }
0x259: {  	v59, _, _ =	vpop (xrf2);
	v3 =	vbroadcast v3, $0xF  }
0x25a: {  	v5, _, _ =	vpop (xrf2);
	v4 =	vbroadcast v59, $0xF  }
0x25b: {  	vm15 =	vcmask $0x314;
	v60, _, _ =	vpop (xrf2);
	v3 =	vnsel vm0, $0x0, v3;
	v5 =	vbroadcast v5, $0xF  }
0x25c: {  	v61, _, _ =	vpop (xrf2);
	v3 =	vsel vm15, v3, v4;
	v62 =	vbroadcast v60, $0xF;
	vm15 =	vcmask $0x714  }
0x25d: {  	v3 =	vsel vm15, v3, v5;
	v63 =	vbroadcast v61, $0xF;
	vm15 =	vcmask $0xB14  }
0x25e: {  	v3 =	vsel vm15, v3, v62;
	vm15 =	vcmask $0xF14  }
0x25f: {  	s24 =	simm.s32 $0x0;
	v3 =	vsel vm15, v3, v63  }
.Ltmp4:
0x260: {  	s8 =	simm.s32 $0x8850;
	s25 =	rddreg [dreg:$0xd];
	[tilespmem:$0x8850] =	vst v3;
	(pc) =	sbr.rel .LBB2_5-.Ltmp4, $4  }
0x261: {  	[hbm4b:s25+s24] =	stream.linear.scatter [tilespmem:s8], [sflag:$0xB], $0x10, $0x38;
	[tilespmem:$0x88D0] =	vst v63  }
0x262: {  	_ =	swait.ge [sflag:s9], $0x10  }
0x263: {  	[sflag:s9] =	ssyncset.done $0x0  }
0x264: {  	[sflag:s9] =	ssyncadd.s32 $0xFFFFFFF0  }
.LBB2_6:
0x265: {  	_ =	sfence.sel $0x180000  }
0x266: {  	[bflag:$0x0] =	sbarrier.arrive $0xFFFF  }
0x267: {  	_ =	strace $0x90000047  }
0x268: {  	[bflag:$0x2] =	sbarrier.arrive $0xFFFF  }
0x269: {  	s0 =	rddreg [dreg:$0x7]  }
0x26a: {  	s0 =	sadd.s32 @!p0 $0x100000, s0  }
0x26b: {  	[sflag:s0] =	ssyncadd.tile.s32 @!p0 $0x1;
	_ =	shalt  }
.Lfunc_end2:
_tile_overlayer_lowered:
.L_overlay_start_2:
0x26c: {  	(tag) =	ssettag $0x2  }
0x26d: {  	s0 =	rddreg [dreg:$0x0];
	s2 =	stileid.u32  }
0x26e: {  	s1 =	rddreg [dreg:$0x1];
	p0 =	sne.s32 s2, $0x0  }
0x26f: {  	s3 =	rddreg [dreg:$0x2];
	[bflag:$0x3] =	sbarrier.arrive $0xFFFF;
	s2 =	simm.s32 @!p0 $0x1C0B  }
0x270: {  	[timem:s3], [sflag:s2] =	dma.local @!p0 [hbm:s0], s1  }
0x271: {  	s0 =	simm.s32 @!p0 $0xB  }
0x272: {  	_ =	swait.ge @!p0 [sflag:s0], s1  }
0x273: {  	s1 =	ssub.s32 @!p0 $0x0, s1;
	[sflag:s0] =	ssyncset.done @!p0 $0x0  }
0x274: {  	[sflag:s0] =	ssyncadd.s32 @!p0 s1  }
0x275: {  	[bflag:$0x3] =	sbarrier.arrive $0xFFFF  }
0x276: {  	_ =	shalt  }

</sc_bundles>
